<compile_context>
chip_gen: v7x
topology: tpu7x:2x2x1
jax: 0.10.2.dev20260603
libtpu: 0.0.44.dev20260713+nightly
codegen_flags: <defaults>
</compile_context>

<pallas_src>
import functools

import jax
import jax.numpy as jnp
from jax import lax
from jax.experimental import pallas as pl
from jax.experimental.pallas import tpu as pltpu
from jax.experimental.pallas import tpu_sc as plsc

NC, NS = 2, 16
NW = NC * NS
B = 16384
BW = B // NW
CM = 128
DG = 64
DP = 128
DM = 256
V = 1000000
CB = 8192
NPB = (V + CB - 1) // CB
PB = NPB * (CB // 4)


def _pack_pair(lo, hi):
    u = jnp.uint32
    lo16 = jax.lax.bitcast_convert_type(lo.astype(jnp.bfloat16), jnp.uint16)
    hi16 = jax.lax.bitcast_convert_type(hi.astype(jnp.bfloat16), jnp.uint16)
    w = (lo16.astype(u) | jax.lax.shift_left(hi16.astype(u), jnp.uint32(16)))
    return jax.lax.bitcast_convert_type(w, jnp.float32)


def _tc_pack_body(ugT, igT, wrow, pu, pi):
    tu = ugT[...].T * wrow[...]
    ti = igT[...].T
    H = CB // 4
    pru = _pack_pair(tu[:CB // 2], tu[CB // 2:])
    pri = _pack_pair(ti[:CB // 2], ti[CB // 2:])
    pu[...] = jnp.concatenate([pru[:H], pru[H:]], axis=1)
    pi[...] = jnp.concatenate([pri[:H], pri[H:]], axis=1)


def _tc_pack(ugT, igT, wrow):
    f32 = jnp.float32
    return pl.pallas_call(
        _tc_pack_body,
        grid=(NPB,),
        in_specs=[
            pl.BlockSpec((DG, CB), lambda i: (0, i)),
            pl.BlockSpec((DG, CB), lambda i: (0, i)),
            pl.BlockSpec((1, DG), lambda i: (0, 0)),
        ],
        out_specs=[
            pl.BlockSpec((CB // 4, DP), lambda i: (i, 0)),
            pl.BlockSpec((CB // 4, DP), lambda i: (i, 0)),
        ],
        out_shape=[
            jax.ShapeDtypeStruct((PB, DP), f32),
            jax.ShapeDtypeStruct((PB, DP), f32),
        ],
    )(ugT, igT, wrow)


def _sc_mlp_body(user_hbm, item_hbm, um_tab, im_tab, um_out, im_out,
                 idx_u, idx_i, um_v, im_v, s1, s2):
    wid = lax.axis_index("s") * NC + lax.axis_index("c")
    for c in range(BW // CM):
        base = wid * BW + c * CM
        pltpu.sync_copy(user_hbm.at[pl.ds(base, CM)], idx_u)
        pltpu.sync_copy(item_hbm.at[pl.ds(base, CM)], idx_i)
        cp_um = pltpu.async_copy(um_tab.at[idx_u], um_v, s1)
        cp_im = pltpu.async_copy(im_tab.at[idx_i], im_v, s2)
        cp_um.wait()
        pltpu.sync_copy(um_v, um_out.at[pl.ds(base, CM)])
        cp_im.wait()
        pltpu.sync_copy(im_v, im_out.at[pl.ds(base, CM)])


def _sc_gmf_body(uk_hbm, ik_hbm, pu_tab, pi_tab, dep_hbm, pu_out, pi_out,
                 idx_u, idx_i, pu_v, pi_v, s1, s2):
    wid = lax.axis_index("s") * NC + lax.axis_index("c")
    for c in range(BW // CM):
        base = wid * BW + c * CM
        pltpu.sync_copy(uk_hbm.at[pl.ds(base, CM)], idx_u)
        pltpu.sync_copy(ik_hbm.at[pl.ds(base, CM)], idx_i)
        cp_pu = pltpu.async_copy(pu_tab.at[idx_u], pu_v, s1)
        cp_pi = pltpu.async_copy(pi_tab.at[idx_i], pi_v, s2)
        cp_pu.wait()
        pltpu.sync_copy(pu_v, pu_out.at[pl.ds(base, CM)])
        cp_pi.wait()
        pltpu.sync_copy(pi_v, pi_out.at[pl.ds(base, CM)])


def _mesh():
    return plsc.VectorSubcoreMesh(core_axis_name="c", subcore_axis_name="s",
                                  num_cores=NC, num_subcores=NS)


def _sc_gather_mlp(user, item, um_tab, im_tab):
    f32 = jnp.float32
    fn = pl.kernel(
        _sc_mlp_body,
        out_type=[
            jax.ShapeDtypeStruct((B, DM), f32),
            jax.ShapeDtypeStruct((B, DM), f32),
        ],
        mesh=_mesh(),
        scratch_types=[
            pltpu.VMEM((CM,), jnp.int32),
            pltpu.VMEM((CM,), jnp.int32),
            pltpu.VMEM((CM, DM), f32),
            pltpu.VMEM((CM, DM), f32),
            pltpu.SemaphoreType.DMA,
            pltpu.SemaphoreType.DMA,
        ],
    )
    return fn(user, item, um_tab, im_tab)


def _sc_gather_gmf(uk, ik, pu_tab, pi_tab, dep):
    f32 = jnp.float32
    fn = pl.kernel(
        _sc_gmf_body,
        out_type=[
            jax.ShapeDtypeStruct((B, DP), f32),
            jax.ShapeDtypeStruct((B, DP), f32),
        ],
        mesh=_mesh(),
        scratch_types=[
            pltpu.VMEM((CM,), jnp.int32),
            pltpu.VMEM((CM,), jnp.int32),
            pltpu.VMEM((CM, DP), f32),
            pltpu.VMEM((CM, DP), f32),
            pltpu.SemaphoreType.DMA,
            pltpu.SemaphoreType.DMA,
        ],
    )
    return fn(uk, ik, pu_tab, pi_tab, dep)


TB = 1024


def _unpack_half(words, hb):
    u = jnp.uint32
    w = jax.lax.bitcast_convert_type(words, u)
    lo = jax.lax.bitwise_and(w, jnp.uint32(0xFFFF))
    hi = jax.lax.shift_right_logical(w, jnp.uint32(16))
    sel = jnp.where(hb > 0.5, hi, lo).astype(jnp.uint16)
    return jax.lax.bitcast_convert_type(sel, jnp.bfloat16).astype(jnp.float32)


def _tc_mlp_body(pur, pir, uha, uhb, iha, ihb, um, im, w1a, w1b, b1, w2,
                 b2, w3, b3, wpb, bp, out):
    f32 = jnp.float32
    hp = jax.lax.Precision.DEFAULT
    h = jnp.dot(um[...], w1a[...], precision=hp, preferred_element_type=f32)
    h += jnp.dot(im[...], w1b[...], precision=hp, preferred_element_type=f32)
    h = jnp.maximum(h + b1[...], 0.0)
    h = jnp.maximum(
        jnp.dot(h, w2[...], precision=hp, preferred_element_type=f32)
        + b2[...], 0.0)
    h = jnp.maximum(
        jnp.dot(h, w3[...], precision=hp, preferred_element_type=f32)
        + b3[...], 0.0)
    pu = pur[...]
    pi = pir[...]
    pu = jnp.where(uha[...] > 0.5, pu[:, DG:], pu[:, :DG])
    pi = jnp.where(iha[...] > 0.5, pi[:, DG:], pi[:, :DG])
    ug = _unpack_half(pu, uhb[...])
    ig = _unpack_half(pi, ihb[...])
    pred = (jnp.sum(ug * ig, axis=1) + jnp.sum(h * wpb[...], axis=1)
            + bp[0, 0])
    out[...] = pred


def _tc_mlp(pur, pir, uha, uhb, iha, ihb, um, im, W1, b1, W2, b2, W3, b3,
            Wp, bp):
    f32 = jnp.float32
    w1a, w1b = W1[:DM], W1[DM:]
    wpb = Wp[DG:, 0].reshape(1, DG)
    grid = (B // TB,)
    full = lambda i: (0, 0)
    return pl.pallas_call(
        _tc_mlp_body,
        grid=grid,
        in_specs=[
            pl.BlockSpec((TB, DP), lambda i: (i, 0)),
            pl.BlockSpec((TB, DP), lambda i: (i, 0)),
            pl.BlockSpec((TB, 1), lambda i: (i, 0)),
            pl.BlockSpec((TB, 1), lambda i: (i, 0)),
            pl.BlockSpec((TB, 1), lambda i: (i, 0)),
            pl.BlockSpec((TB, 1), lambda i: (i, 0)),
            pl.BlockSpec((TB, DM), lambda i: (i, 0)),
            pl.BlockSpec((TB, DM), lambda i: (i, 0)),
            pl.BlockSpec((DM, 256), full),
            pl.BlockSpec((DM, 256), full),
            pl.BlockSpec((1, 256), full),
            pl.BlockSpec((256, 128), full),
            pl.BlockSpec((1, 128), full),
            pl.BlockSpec((128, DG), full),
            pl.BlockSpec((1, DG), full),
            pl.BlockSpec((1, DG), full),
            pl.BlockSpec((1, 1), full),
        ],
        out_specs=pl.BlockSpec((TB,), lambda i: (i,)),
        out_shape=jax.ShapeDtypeStruct((B,), f32),
    )(pur, pir, uha, uhb, iha, ihb, um, im, w1a, w1b, b1.reshape(1, 256),
      W2, b2.reshape(1, 128), W3, b3.reshape(1, DG), wpb, bp.reshape(1, 1))


def kernel(user, item, embed_user_GMF, embed_item_GMF, embed_user_MLP,
           embed_item_MLP, W1, b1, W2, b2, W3, b3, Wp, bp):
    f32 = jnp.float32
    um, im = _sc_gather_mlp(user, item, embed_user_MLP, embed_item_MLP)

    ugT = embed_user_GMF.T
    igT = embed_item_GMF.T
    pu_tab, pi_tab = _tc_pack(ugT, igT, Wp[:DG, 0].reshape(1, DG))

    sh = CB.bit_length() - 1

    def flags(idx):
        blk = jax.lax.shift_right_logical(idx, sh)
        k = blk * (CB // 4) + jax.lax.bitwise_and(idx, (CB // 4) - 1)
        ha = jax.lax.convert_element_type(
            jax.lax.bitwise_and(jax.lax.shift_right_logical(idx, sh - 2), 1),
            f32).reshape(B, 1)
        hb = jax.lax.convert_element_type(
            jax.lax.bitwise_and(jax.lax.shift_right_logical(idx, sh - 1), 1),
            f32).reshape(B, 1)
        return k, ha, hb

    uk, uha, uhb = flags(user)
    ik, iha, ihb = flags(item)

    pur, pir = _sc_gather_gmf(uk, ik, pu_tab, pi_tab, um)
    return _tc_mlp(pur, pir, uha, uhb, iha, ihb, um, im, W1, b1, W2, b2,
                   W3, b3, Wp, bp)

# --- scband reference (transcript-rebuilt; emitter-appended) ---
"""Pipeline reference for scband-point-neu-mf-5308579578068 (READ-ONLY COPY).

The authoritative reference and input builder live on the scoring server;
editing this copy changes nothing except your own understanding.
"""

import jax, jax.numpy as jnp
import numpy as np

USER_NUM = 1000000
ITEM_NUM = 1000000
FACTOR_NUM = 64
NUM_LAYERS = 3
BATCH = 16384
MLP_DIM = FACTOR_NUM * 2 ** (NUM_LAYERS - 1)  # 256


def setup_inputs(seed: int = 0) -> dict:
    key = jax.random.key(seed)
    ks = jax.random.split(key, 16)
    user = jax.random.randint(ks[0], (BATCH,), 0, USER_NUM, dtype=jnp.int64 if jax.config.jax_enable_x64 else jnp.int32)
    item = jax.random.randint(ks[1], (BATCH,), 0, ITEM_NUM, dtype=jnp.int64 if jax.config.jax_enable_x64 else jnp.int32)
    embed_user_GMF = jax.random.normal(ks[2], (USER_NUM, FACTOR_NUM), dtype=jnp.float32) * 0.01
    embed_item_GMF = jax.random.normal(ks[3], (ITEM_NUM, FACTOR_NUM), dtype=jnp.float32) * 0.01
    embed_user_MLP = jax.random.normal(ks[4], (USER_NUM, MLP_DIM), dtype=jnp.float32) * 0.01
    embed_item_MLP = jax.random.normal(ks[5], (ITEM_NUM, MLP_DIM), dtype=jnp.float32) * 0.01
    # MLP layers: sizes 512->256, 256->128, 128->64 (stored as [in, out])
    W1 = jax.random.normal(ks[6], (FACTOR_NUM * 2 ** NUM_LAYERS, FACTOR_NUM * 2 ** (NUM_LAYERS - 1)), dtype=jnp.float32) * 0.05
    b1 = jnp.zeros((FACTOR_NUM * 2 ** (NUM_LAYERS - 1),), dtype=jnp.float32)
    W2 = jax.random.normal(ks[7], (FACTOR_NUM * 2 ** (NUM_LAYERS - 1), FACTOR_NUM * 2 ** (NUM_LAYERS - 2)), dtype=jnp.float32) * 0.05
    b2 = jnp.zeros((FACTOR_NUM * 2 ** (NUM_LAYERS - 2),), dtype=jnp.float32)
    W3 = jax.random.normal(ks[8], (FACTOR_NUM * 2 ** (NUM_LAYERS - 2), FACTOR_NUM), dtype=jnp.float32) * 0.05
    b3 = jnp.zeros((FACTOR_NUM,), dtype=jnp.float32)
    Wp = jax.random.normal(ks[9], (2 * FACTOR_NUM, 1), dtype=jnp.float32) * 0.05
    bp = jnp.zeros((1,), dtype=jnp.float32)
    return {
        "user": user, "item": item,
        "embed_user_GMF": embed_user_GMF, "embed_item_GMF": embed_item_GMF,
        "embed_user_MLP": embed_user_MLP, "embed_item_MLP": embed_item_MLP,
        "W1": W1, "b1": b1, "W2": W2, "b2": b2, "W3": W3, "b3": b3,
        "Wp": Wp, "bp": bp,
    }


def reference(user, item, embed_user_GMF, embed_item_GMF, embed_user_MLP, embed_item_MLP,
              W1, b1, W2, b2, W3, b3, Wp, bp):
    # GMF branch: gather + elementwise product
    eu_g = jnp.take(embed_user_GMF, user, axis=0)
    ei_g = jnp.take(embed_item_GMF, item, axis=0)
    output_GMF = eu_g * ei_g
    # MLP branch: gather, concat, 3-layer MLP with ReLU (dropout p=0.0 -> identity)
    eu_m = jnp.take(embed_user_MLP, user, axis=0)
    ei_m = jnp.take(embed_item_MLP, item, axis=0)
    interaction = jnp.concatenate([eu_m, ei_m], axis=-1)
    h = jax.nn.relu(interaction @ W1 + b1)
    h = jax.nn.relu(h @ W2 + b2)
    output_MLP = jax.nn.relu(h @ W3 + b3)
    concat = jnp.concatenate([output_GMF, output_MLP], axis=-1)
    prediction = concat @ Wp + bp
    return prediction.reshape(-1)

if __name__ == "__main__":
    import jax
    _d = setup_inputs()
    print(jax.jit(kernel)(*tuple(_d.values())))

</pallas_src>

<mosaic_0001>
#map = affine_map<(d0, d1) -> (0)>
#map1 = affine_map<(d0, d1) -> (0, 0)>
module attributes {stable_mosaic.version = 14 : i64} {
  func.func @_sc_mlp_body(%arg0: i32, %arg1: i32, %arg2: memref<16384xi32, #tpu.memory_space<hbm>>, %arg3: memref<16384xi32, #tpu.memory_space<hbm>>, %arg4: memref<1000000x256xf32, #tpu.memory_space<hbm>>, %arg5: memref<1000000x256xf32, #tpu.memory_space<hbm>>, %arg6: memref<16384x256xf32, #tpu.memory_space<hbm>>, %arg7: memref<16384x256xf32, #tpu.memory_space<hbm>>, %arg8: memref<128xi32, #tpu.memory_space<vmem>>, %arg9: memref<128xi32, #tpu.memory_space<vmem>>, %arg10: memref<128x256xf32, #tpu.memory_space<vmem>>, %arg11: memref<128x256xf32, #tpu.memory_space<vmem>>, %arg12: memref<!tpu.dma_semaphore, #tpu.memory_space<semaphore_mem>>, %arg13: memref<!tpu.dma_semaphore, #tpu.memory_space<semaphore_mem>>) attributes {dimension_semantics = [#tpu.dimension_semantics<core_parallel>, #tpu.dimension_semantics<subcore_parallel>], iteration_bounds = array<i64: 2, 16>, scalar_prefetch = 0 : i64, scratch_operands = 6 : i64, tpu.core_type = #tpu.core_type<sc_vector_subcore>, window_params = [{transform_indices = #map}, {transform_indices = #map}, {transform_indices = #map1}, {transform_indices = #map1}, {transform_indices = #map1}, {transform_indices = #map1}]} {
    %mul3A = arith.constant 2 : i32
    %mul3A_0 = arith.muli %arg1, %mul3A : i32
    %add3A = arith.addi %mul3A_0, %arg0 : i32
    %mul3A_1 = arith.constant 512 : i32
    %mul3A_2 = arith.muli %add3A, %mul3A_1 : i32
    %add3A_3 = arith.constant 0 : i32
    %add3A_4 = arith.addi %mul3A_2, %add3A_3 : i32
    "tpu.region"() ({
      %run_scoped3A = tpu.sem_alloc : memref<!tpu.dma_semaphore, #tpu.memory_space<semaphore_mem>>
      %dma_start3A_63 = tpu.memref_slice %arg2[%add3A_4] : memref<16384xi32, #tpu.memory_space<hbm>> -> memref<128xi32, #tpu.memory_space<hbm>>
      %dma_start3A_64 = tpu.memref_slice %arg2[%add3A_4] : memref<16384xi32, #tpu.memory_space<hbm>> -> memref<128xi32, #tpu.memory_space<hbm>>
      tpu.enqueue_dma source(%dma_start3A_64 : memref<128xi32, #tpu.memory_space<hbm>>) target(%arg8 : memref<128xi32, #tpu.memory_space<vmem>>) target_semaphore(%run_scoped3A : memref<!tpu.dma_semaphore, #tpu.memory_space<semaphore_mem>>)
      %dma_wait3A_65 = tpu.memref_slice %arg2[%add3A_4] : memref<16384xi32, #tpu.memory_space<hbm>> -> memref<128xi32, #tpu.memory_space<hbm>>
      %dma_wait3A_66 = tpu.memref_slice %arg2[%add3A_4] : memref<16384xi32, #tpu.memory_space<hbm>> -> memref<128xi32, #tpu.memory_space<hbm>>
      tpu.wait_dma2 semaphore(%run_scoped3A : memref<!tpu.dma_semaphore, #tpu.memory_space<semaphore_mem>>) src(%dma_wait3A_66 : memref<128xi32, #tpu.memory_space<hbm>>) dst(%arg8 : memref<128xi32, #tpu.memory_space<vmem>>)
      tpu.yield
    }) : () -> ()
    "tpu.region"() ({
      %run_scoped3A = tpu.sem_alloc : memref<!tpu.dma_semaphore, #tpu.memory_space<semaphore_mem>>
      %dma_start3A_63 = tpu.memref_slice %arg3[%add3A_4] : memref<16384xi32, #tpu.memory_space<hbm>> -> memref<128xi32, #tpu.memory_space<hbm>>
      %dma_start3A_64 = tpu.memref_slice %arg3[%add3A_4] : memref<16384xi32, #tpu.memory_space<hbm>> -> memref<128xi32, #tpu.memory_space<hbm>>
      tpu.enqueue_dma source(%dma_start3A_64 : memref<128xi32, #tpu.memory_space<hbm>>) target(%arg9 : memref<128xi32, #tpu.memory_space<vmem>>) target_semaphore(%run_scoped3A : memref<!tpu.dma_semaphore, #tpu.memory_space<semaphore_mem>>)
      %dma_wait3A_65 = tpu.memref_slice %arg3[%add3A_4] : memref<16384xi32, #tpu.memory_space<hbm>> -> memref<128xi32, #tpu.memory_space<hbm>>
      %dma_wait3A_66 = tpu.memref_slice %arg3[%add3A_4] : memref<16384xi32, #tpu.memory_space<hbm>> -> memref<128xi32, #tpu.memory_space<hbm>>
      tpu.wait_dma2 semaphore(%run_scoped3A : memref<!tpu.dma_semaphore, #tpu.memory_space<semaphore_mem>>) src(%dma_wait3A_66 : memref<128xi32, #tpu.memory_space<hbm>>) dst(%arg9 : memref<128xi32, #tpu.memory_space<vmem>>)
      tpu.yield
    }) : () -> ()
    %dma_start3A = arith.constant 0 : i32
    %dma_start3A_5 = arith.constant 0 : i32
    %dma_start3A_6 = tpu.memref_slice %arg4[%dma_start3A, %dma_start3A_5] : memref<1000000x256xf32, #tpu.memory_space<hbm>> -> memref<1000000x256xf32, #tpu.memory_space<hbm>>
    tpu.enqueue_indirect_dma source(%dma_start3A_6 : memref<1000000x256xf32, #tpu.memory_space<hbm>>) target(%arg10 : memref<128x256xf32, #tpu.memory_space<vmem>>) offsets(%arg8 : memref<128xi32, #tpu.memory_space<vmem>>) semaphore(%arg12 : memref<!tpu.dma_semaphore, #tpu.memory_space<semaphore_mem>>)
    %dma_start3A_7 = arith.constant 0 : i32
    %dma_start3A_8 = arith.constant 0 : i32
    %dma_start3A_9 = tpu.memref_slice %arg5[%dma_start3A_7, %dma_start3A_8] : memref<1000000x256xf32, #tpu.memory_space<hbm>> -> memref<1000000x256xf32, #tpu.memory_space<hbm>>
    tpu.enqueue_indirect_dma source(%dma_start3A_9 : memref<1000000x256xf32, #tpu.memory_space<hbm>>) target(%arg11 : memref<128x256xf32, #tpu.memory_space<vmem>>) offsets(%arg9 : memref<128xi32, #tpu.memory_space<vmem>>) semaphore(%arg13 : memref<!tpu.dma_semaphore, #tpu.memory_space<semaphore_mem>>)
    %dma_wait3A = arith.constant 0 : i32
    %dma_wait3A_10 = arith.constant 0 : i32
    %dma_wait3A_11 = tpu.memref_slice %arg4[%dma_wait3A, %dma_wait3A_10] : memref<1000000x256xf32, #tpu.memory_space<hbm>> -> memref<1000000x256xf32, #tpu.memory_space<hbm>>
    tpu.wait_indirect_dma semaphore(%arg12 : memref<!tpu.dma_semaphore, #tpu.memory_space<semaphore_mem>>) src(%dma_wait3A_11 : memref<1000000x256xf32, #tpu.memory_space<hbm>>) dst(%arg10 : memref<128x256xf32, #tpu.memory_space<vmem>>)
    "tpu.region"() ({
      %run_scoped3A = tpu.sem_alloc : memref<!tpu.dma_semaphore, #tpu.memory_space<semaphore_mem>>
      %dma_start3A_63 = arith.constant 0 : i32
      %dma_start3A_64 = tpu.memref_slice %arg6[%add3A_4, %dma_start3A_63] : memref<16384x256xf32, #tpu.memory_space<hbm>> -> memref<128x256xf32, #tpu.memory_space<hbm>>
      %dma_start3A_65 = arith.constant 0 : i32
      %dma_start3A_66 = tpu.memref_slice %arg6[%add3A_4, %dma_start3A_65] : memref<16384x256xf32, #tpu.memory_space<hbm>> -> memref<128x256xf32, #tpu.memory_space<hbm>>
      tpu.enqueue_dma source(%arg10 : memref<128x256xf32, #tpu.memory_space<vmem>>) target(%dma_start3A_66 : memref<128x256xf32, #tpu.memory_space<hbm>>) target_semaphore(%run_scoped3A : memref<!tpu.dma_semaphore, #tpu.memory_space<semaphore_mem>>)
      %dma_wait3A_67 = arith.constant 0 : i32
      %dma_wait3A_68 = tpu.memref_slice %arg6[%add3A_4, %dma_wait3A_67] : memref<16384x256xf32, #tpu.memory_space<hbm>> -> memref<128x256xf32, #tpu.memory_space<hbm>>
      %dma_wait3A_69 = arith.constant 0 : i32
      %dma_wait3A_70 = tpu.memref_slice %arg6[%add3A_4, %dma_wait3A_69] : memref<16384x256xf32, #tpu.memory_space<hbm>> -> memref<128x256xf32, #tpu.memory_space<hbm>>
      tpu.wait_dma2 semaphore(%run_scoped3A : memref<!tpu.dma_semaphore, #tpu.memory_space<semaphore_mem>>) src(%arg10 : memref<128x256xf32, #tpu.memory_space<vmem>>) dst(%dma_wait3A_70 : memref<128x256xf32, #tpu.memory_space<hbm>>)
      tpu.yield
    }) : () -> ()
    %dma_wait3A_12 = arith.constant 0 : i32
    %dma_wait3A_13 = arith.constant 0 : i32
    %dma_wait3A_14 = tpu.memref_slice %arg5[%dma_wait3A_12, %dma_wait3A_13] : memref<1000000x256xf32, #tpu.memory_space<hbm>> -> memref<1000000x256xf32, #tpu.memory_space<hbm>>
    tpu.wait_indirect_dma semaphore(%arg13 : memref<!tpu.dma_semaphore, #tpu.memory_space<semaphore_mem>>) src(%dma_wait3A_14 : memref<1000000x256xf32, #tpu.memory_space<hbm>>) dst(%arg11 : memref<128x256xf32, #tpu.memory_space<vmem>>)
    "tpu.region"() ({
      %run_scoped3A = tpu.sem_alloc : memref<!tpu.dma_semaphore, #tpu.memory_space<semaphore_mem>>
      %dma_start3A_63 = arith.constant 0 : i32
      %dma_start3A_64 = tpu.memref_slice %arg7[%add3A_4, %dma_start3A_63] : memref<16384x256xf32, #tpu.memory_space<hbm>> -> memref<128x256xf32, #tpu.memory_space<hbm>>
      %dma_start3A_65 = arith.constant 0 : i32
      %dma_start3A_66 = tpu.memref_slice %arg7[%add3A_4, %dma_start3A_65] : memref<16384x256xf32, #tpu.memory_space<hbm>> -> memref<128x256xf32, #tpu.memory_space<hbm>>
      tpu.enqueue_dma source(%arg11 : memref<128x256xf32, #tpu.memory_space<vmem>>) target(%dma_start3A_66 : memref<128x256xf32, #tpu.memory_space<hbm>>) target_semaphore(%run_scoped3A : memref<!tpu.dma_semaphore, #tpu.memory_space<semaphore_mem>>)
      %dma_wait3A_67 = arith.constant 0 : i32
      %dma_wait3A_68 = tpu.memref_slice %arg7[%add3A_4, %dma_wait3A_67] : memref<16384x256xf32, #tpu.memory_space<hbm>> -> memref<128x256xf32, #tpu.memory_space<hbm>>
      %dma_wait3A_69 = arith.constant 0 : i32
      %dma_wait3A_70 = tpu.memref_slice %arg7[%add3A_4, %dma_wait3A_69] : memref<16384x256xf32, #tpu.memory_space<hbm>> -> memref<128x256xf32, #tpu.memory_space<hbm>>
      tpu.wait_dma2 semaphore(%run_scoped3A : memref<!tpu.dma_semaphore, #tpu.memory_space<semaphore_mem>>) src(%arg11 : memref<128x256xf32, #tpu.memory_space<vmem>>) dst(%dma_wait3A_70 : memref<128x256xf32, #tpu.memory_space<hbm>>)
      tpu.yield
    }) : () -> ()
    %mul3A_15 = arith.constant 512 : i32
    %mul3A_16 = arith.muli %add3A, %mul3A_15 : i32
    %add3A_17 = arith.constant 128 : i32
    %add3A_18 = arith.addi %mul3A_16, %add3A_17 : i32
    "tpu.region"() ({
      %run_scoped3A = tpu.sem_alloc : memref<!tpu.dma_semaphore, #tpu.memory_space<semaphore_mem>>
      %dma_start3A_63 = tpu.memref_slice %arg2[%add3A_18] : memref<16384xi32, #tpu.memory_space<hbm>> -> memref<128xi32, #tpu.memory_space<hbm>>
      %dma_start3A_64 = tpu.memref_slice %arg2[%add3A_18] : memref<16384xi32, #tpu.memory_space<hbm>> -> memref<128xi32, #tpu.memory_space<hbm>>
      tpu.enqueue_dma source(%dma_start3A_64 : memref<128xi32, #tpu.memory_space<hbm>>) target(%arg8 : memref<128xi32, #tpu.memory_space<vmem>>) target_semaphore(%run_scoped3A : memref<!tpu.dma_semaphore, #tpu.memory_space<semaphore_mem>>)
      %dma_wait3A_65 = tpu.memref_slice %arg2[%add3A_18] : memref<16384xi32, #tpu.memory_space<hbm>> -> memref<128xi32, #tpu.memory_space<hbm>>
      %dma_wait3A_66 = tpu.memref_slice %arg2[%add3A_18] : memref<16384xi32, #tpu.memory_space<hbm>> -> memref<128xi32, #tpu.memory_space<hbm>>
      tpu.wait_dma2 semaphore(%run_scoped3A : memref<!tpu.dma_semaphore, #tpu.memory_space<semaphore_mem>>) src(%dma_wait3A_66 : memref<128xi32, #tpu.memory_space<hbm>>) dst(%arg8 : memref<128xi32, #tpu.memory_space<vmem>>)
      tpu.yield
    }) : () -> ()
    "tpu.region"() ({
      %run_scoped3A = tpu.sem_alloc : memref<!tpu.dma_semaphore, #tpu.memory_space<semaphore_mem>>
      %dma_start3A_63 = tpu.memref_slice %arg3[%add3A_18] : memref<16384xi32, #tpu.memory_space<hbm>> -> memref<128xi32, #tpu.memory_space<hbm>>
      %dma_start3A_64 = tpu.memref_slice %arg3[%add3A_18] : memref<16384xi32, #tpu.memory_space<hbm>> -> memref<128xi32, #tpu.memory_space<hbm>>
      tpu.enqueue_dma source(%dma_start3A_64 : memref<128xi32, #tpu.memory_space<hbm>>) target(%arg9 : memref<128xi32, #tpu.memory_space<vmem>>) target_semaphore(%run_scoped3A : memref<!tpu.dma_semaphore, #tpu.memory_space<semaphore_mem>>)
      %dma_wait3A_65 = tpu.memref_slice %arg3[%add3A_18] : memref<16384xi32, #tpu.memory_space<hbm>> -> memref<128xi32, #tpu.memory_space<hbm>>
      %dma_wait3A_66 = tpu.memref_slice %arg3[%add3A_18] : memref<16384xi32, #tpu.memory_space<hbm>> -> memref<128xi32, #tpu.memory_space<hbm>>
      tpu.wait_dma2 semaphore(%run_scoped3A : memref<!tpu.dma_semaphore, #tpu.memory_space<semaphore_mem>>) src(%dma_wait3A_66 : memref<128xi32, #tpu.memory_space<hbm>>) dst(%arg9 : memref<128xi32, #tpu.memory_space<vmem>>)
      tpu.yield
    }) : () -> ()
    %dma_start3A_19 = arith.constant 0 : i32
    %dma_start3A_20 = arith.constant 0 : i32
    %dma_start3A_21 = tpu.memref_slice %arg4[%dma_start3A_19, %dma_start3A_20] : memref<1000000x256xf32, #tpu.memory_space<hbm>> -> memref<1000000x256xf32, #tpu.memory_space<hbm>>
    tpu.enqueue_indirect_dma source(%dma_start3A_21 : memref<1000000x256xf32, #tpu.memory_space<hbm>>) target(%arg10 : memref<128x256xf32, #tpu.memory_space<vmem>>) offsets(%arg8 : memref<128xi32, #tpu.memory_space<vmem>>) semaphore(%arg12 : memref<!tpu.dma_semaphore, #tpu.memory_space<semaphore_mem>>)
    %dma_start3A_22 = arith.constant 0 : i32
    %dma_start3A_23 = arith.constant 0 : i32
    %dma_start3A_24 = tpu.memref_slice %arg5[%dma_start3A_22, %dma_start3A_23] : memref<1000000x256xf32, #tpu.memory_space<hbm>> -> memref<1000000x256xf32, #tpu.memory_space<hbm>>
    tpu.enqueue_indirect_dma source(%dma_start3A_24 : memref<1000000x256xf32, #tpu.memory_space<hbm>>) target(%arg11 : memref<128x256xf32, #tpu.memory_space<vmem>>) offsets(%arg9 : memref<128xi32, #tpu.memory_space<vmem>>) semaphore(%arg13 : memref<!tpu.dma_semaphore, #tpu.memory_space<semaphore_mem>>)
    %dma_wait3A_25 = arith.constant 0 : i32
    %dma_wait3A_26 = arith.constant 0 : i32
    %dma_wait3A_27 = tpu.memref_slice %arg4[%dma_wait3A_25, %dma_wait3A_26] : memref<1000000x256xf32, #tpu.memory_space<hbm>> -> memref<1000000x256xf32, #tpu.memory_space<hbm>>
    tpu.wait_indirect_dma semaphore(%arg12 : memref<!tpu.dma_semaphore, #tpu.memory_space<semaphore_mem>>) src(%dma_wait3A_27 : memref<1000000x256xf32, #tpu.memory_space<hbm>>) dst(%arg10 : memref<128x256xf32, #tpu.memory_space<vmem>>)
    "tpu.region"() ({
      %run_scoped3A = tpu.sem_alloc : memref<!tpu.dma_semaphore, #tpu.memory_space<semaphore_mem>>
      %dma_start3A_63 = arith.constant 0 : i32
      %dma_start3A_64 = tpu.memref_slice %arg6[%add3A_18, %dma_start3A_63] : memref<16384x256xf32, #tpu.memory_space<hbm>> -> memref<128x256xf32, #tpu.memory_space<hbm>>
      %dma_start3A_65 = arith.constant 0 : i32
      %dma_start3A_66 = tpu.memref_slice %arg6[%add3A_18, %dma_start3A_65] : memref<16384x256xf32, #tpu.memory_space<hbm>> -> memref<128x256xf32, #tpu.memory_space<hbm>>
      tpu.enqueue_dma source(%arg10 : memref<128x256xf32, #tpu.memory_space<vmem>>) target(%dma_start3A_66 : memref<128x256xf32, #tpu.memory_space<hbm>>) target_semaphore(%run_scoped3A : memref<!tpu.dma_semaphore, #tpu.memory_space<semaphore_mem>>)
      %dma_wait3A_67 = arith.constant 0 : i32
      %dma_wait3A_68 = tpu.memref_slice %arg6[%add3A_18, %dma_wait3A_67] : memref<16384x256xf32, #tpu.memory_space<hbm>> -> memref<128x256xf32, #tpu.memory_space<hbm>>
      %dma_wait3A_69 = arith.constant 0 : i32
      %dma_wait3A_70 = tpu.memref_slice %arg6[%add3A_18, %dma_wait3A_69] : memref<16384x256xf32, #tpu.memory_space<hbm>> -> memref<128x256xf32, #tpu.memory_space<hbm>>
      tpu.wait_dma2 semaphore(%run_scoped3A : memref<!tpu.dma_semaphore, #tpu.memory_space<semaphore_mem>>) src(%arg10 : memref<128x256xf32, #tpu.memory_space<vmem>>) dst(%dma_wait3A_70 : memref<128x256xf32, #tpu.memory_space<hbm>>)
      tpu.yield
    }) : () -> ()
    %dma_wait3A_28 = arith.constant 0 : i32
    %dma_wait3A_29 = arith.constant 0 : i32
    %dma_wait3A_30 = tpu.memref_slice %arg5[%dma_wait3A_28, %dma_wait3A_29] : memref<1000000x256xf32, #tpu.memory_space<hbm>> -> memref<1000000x256xf32, #tpu.memory_space<hbm>>
    tpu.wait_indirect_dma semaphore(%arg13 : memref<!tpu.dma_semaphore, #tpu.memory_space<semaphore_mem>>) src(%dma_wait3A_30 : memref<1000000x256xf32, #tpu.memory_space<hbm>>) dst(%arg11 : memref<128x256xf32, #tpu.memory_space<vmem>>)
    "tpu.region"() ({
      %run_scoped3A = tpu.sem_alloc : memref<!tpu.dma_semaphore, #tpu.memory_space<semaphore_mem>>
      %dma_start3A_63 = arith.constant 0 : i32
      %dma_start3A_64 = tpu.memref_slice %arg7[%add3A_18, %dma_start3A_63] : memref<16384x256xf32, #tpu.memory_space<hbm>> -> memref<128x256xf32, #tpu.memory_space<hbm>>
      %dma_start3A_65 = arith.constant 0 : i32
      %dma_start3A_66 = tpu.memref_slice %arg7[%add3A_18, %dma_start3A_65] : memref<16384x256xf32, #tpu.memory_space<hbm>> -> memref<128x256xf32, #tpu.memory_space<hbm>>
      tpu.enqueue_dma source(%arg11 : memref<128x256xf32, #tpu.memory_space<vmem>>) target(%dma_start3A_66 : memref<128x256xf32, #tpu.memory_space<hbm>>) target_semaphore(%run_scoped3A : memref<!tpu.dma_semaphore, #tpu.memory_space<semaphore_mem>>)
      %dma_wait3A_67 = arith.constant 0 : i32
      %dma_wait3A_68 = tpu.memref_slice %arg7[%add3A_18, %dma_wait3A_67] : memref<16384x256xf32, #tpu.memory_space<hbm>> -> memref<128x256xf32, #tpu.memory_space<hbm>>
      %dma_wait3A_69 = arith.constant 0 : i32
      %dma_wait3A_70 = tpu.memref_slice %arg7[%add3A_18, %dma_wait3A_69] : memref<16384x256xf32, #tpu.memory_space<hbm>> -> memref<128x256xf32, #tpu.memory_space<hbm>>
      tpu.wait_dma2 semaphore(%run_scoped3A : memref<!tpu.dma_semaphore, #tpu.memory_space<semaphore_mem>>) src(%arg11 : memref<128x256xf32, #tpu.memory_space<vmem>>) dst(%dma_wait3A_70 : memref<128x256xf32, #tpu.memory_space<hbm>>)
      tpu.yield
    }) : () -> ()
    %mul3A_31 = arith.constant 512 : i32
    %mul3A_32 = arith.muli %add3A, %mul3A_31 : i32
    %add3A_33 = arith.constant 256 : i32
    %add3A_34 = arith.addi %mul3A_32, %add3A_33 : i32
    "tpu.region"() ({
      %run_scoped3A = tpu.sem_alloc : memref<!tpu.dma_semaphore, #tpu.memory_space<semaphore_mem>>
      %dma_start3A_63 = tpu.memref_slice %arg2[%add3A_34] : memref<16384xi32, #tpu.memory_space<hbm>> -> memref<128xi32, #tpu.memory_space<hbm>>
      %dma_start3A_64 = tpu.memref_slice %arg2[%add3A_34] : memref<16384xi32, #tpu.memory_space<hbm>> -> memref<128xi32, #tpu.memory_space<hbm>>
      tpu.enqueue_dma source(%dma_start3A_64 : memref<128xi32, #tpu.memory_space<hbm>>) target(%arg8 : memref<128xi32, #tpu.memory_space<vmem>>) target_semaphore(%run_scoped3A : memref<!tpu.dma_semaphore, #tpu.memory_space<semaphore_mem>>)
      %dma_wait3A_65 = tpu.memref_slice %arg2[%add3A_34] : memref<16384xi32, #tpu.memory_space<hbm>> -> memref<128xi32, #tpu.memory_space<hbm>>
      %dma_wait3A_66 = tpu.memref_slice %arg2[%add3A_34] : memref<16384xi32, #tpu.memory_space<hbm>> -> memref<128xi32, #tpu.memory_space<hbm>>
      tpu.wait_dma2 semaphore(%run_scoped3A : memref<!tpu.dma_semaphore, #tpu.memory_space<semaphore_mem>>) src(%dma_wait3A_66 : memref<128xi32, #tpu.memory_space<hbm>>) dst(%arg8 : memref<128xi32, #tpu.memory_space<vmem>>)
      tpu.yield
    }) : () -> ()
    "tpu.region"() ({
      %run_scoped3A = tpu.sem_alloc : memref<!tpu.dma_semaphore, #tpu.memory_space<semaphore_mem>>
      %dma_start3A_63 = tpu.memref_slice %arg3[%add3A_34] : memref<16384xi32, #tpu.memory_space<hbm>> -> memref<128xi32, #tpu.memory_space<hbm>>
      %dma_start3A_64 = tpu.memref_slice %arg3[%add3A_34] : memref<16384xi32, #tpu.memory_space<hbm>> -> memref<128xi32, #tpu.memory_space<hbm>>
      tpu.enqueue_dma source(%dma_start3A_64 : memref<128xi32, #tpu.memory_space<hbm>>) target(%arg9 : memref<128xi32, #tpu.memory_space<vmem>>) target_semaphore(%run_scoped3A : memref<!tpu.dma_semaphore, #tpu.memory_space<semaphore_mem>>)
      %dma_wait3A_65 = tpu.memref_slice %arg3[%add3A_34] : memref<16384xi32, #tpu.memory_space<hbm>> -> memref<128xi32, #tpu.memory_space<hbm>>
      %dma_wait3A_66 = tpu.memref_slice %arg3[%add3A_34] : memref<16384xi32, #tpu.memory_space<hbm>> -> memref<128xi32, #tpu.memory_space<hbm>>
      tpu.wait_dma2 semaphore(%run_scoped3A : memref<!tpu.dma_semaphore, #tpu.memory_space<semaphore_mem>>) src(%dma_wait3A_66 : memref<128xi32, #tpu.memory_space<hbm>>) dst(%arg9 : memref<128xi32, #tpu.memory_space<vmem>>)
      tpu.yield
    }) : () -> ()
    %dma_start3A_35 = arith.constant 0 : i32
    %dma_start3A_36 = arith.constant 0 : i32
    %dma_start3A_37 = tpu.memref_slice %arg4[%dma_start3A_35, %dma_start3A_36] : memref<1000000x256xf32, #tpu.memory_space<hbm>> -> memref<1000000x256xf32, #tpu.memory_space<hbm>>
    tpu.enqueue_indirect_dma source(%dma_start3A_37 : memref<1000000x256xf32, #tpu.memory_space<hbm>>) target(%arg10 : memref<128x256xf32, #tpu.memory_space<vmem>>) offsets(%arg8 : memref<128xi32, #tpu.memory_space<vmem>>) semaphore(%arg12 : memref<!tpu.dma_semaphore, #tpu.memory_space<semaphore_mem>>)
    %dma_start3A_38 = arith.constant 0 : i32
    %dma_start3A_39 = arith.constant 0 : i32
    %dma_start3A_40 = tpu.memref_slice %arg5[%dma_start3A_38, %dma_start3A_39] : memref<1000000x256xf32, #tpu.memory_space<hbm>> -> memref<1000000x256xf32, #tpu.memory_space<hbm>>
    tpu.enqueue_indirect_dma source(%dma_start3A_40 : memref<1000000x256xf32, #tpu.memory_space<hbm>>) target(%arg11 : memref<128x256xf32, #tpu.memory_space<vmem>>) offsets(%arg9 : memref<128xi32, #tpu.memory_space<vmem>>) semaphore(%arg13 : memref<!tpu.dma_semaphore, #tpu.memory_space<semaphore_mem>>)
    %dma_wait3A_41 = arith.constant 0 : i32
    %dma_wait3A_42 = arith.constant 0 : i32
    %dma_wait3A_43 = tpu.memref_slice %arg4[%dma_wait3A_41, %dma_wait3A_42] : memref<1000000x256xf32, #tpu.memory_space<hbm>> -> memref<1000000x256xf32, #tpu.memory_space<hbm>>
    tpu.wait_indirect_dma semaphore(%arg12 : memref<!tpu.dma_semaphore, #tpu.memory_space<semaphore_mem>>) src(%dma_wait3A_43 : memref<1000000x256xf32, #tpu.memory_space<hbm>>) dst(%arg10 : memref<128x256xf32, #tpu.memory_space<vmem>>)
    "tpu.region"() ({
      %run_scoped3A = tpu.sem_alloc : memref<!tpu.dma_semaphore, #tpu.memory_space<semaphore_mem>>
      %dma_start3A_63 = arith.constant 0 : i32
      %dma_start3A_64 = tpu.memref_slice %arg6[%add3A_34, %dma_start3A_63] : memref<16384x256xf32, #tpu.memory_space<hbm>> -> memref<128x256xf32, #tpu.memory_space<hbm>>
      %dma_start3A_65 = arith.constant 0 : i32
      %dma_start3A_66 = tpu.memref_slice %arg6[%add3A_34, %dma_start3A_65] : memref<16384x256xf32, #tpu.memory_space<hbm>> -> memref<128x256xf32, #tpu.memory_space<hbm>>
      tpu.enqueue_dma source(%arg10 : memref<128x256xf32, #tpu.memory_space<vmem>>) target(%dma_start3A_66 : memref<128x256xf32, #tpu.memory_space<hbm>>) target_semaphore(%run_scoped3A : memref<!tpu.dma_semaphore, #tpu.memory_space<semaphore_mem>>)
      %dma_wait3A_67 = arith.constant 0 : i32
      %dma_wait3A_68 = tpu.memref_slice %arg6[%add3A_34, %dma_wait3A_67] : memref<16384x256xf32, #tpu.memory_space<hbm>> -> memref<128x256xf32, #tpu.memory_space<hbm>>
      %dma_wait3A_69 = arith.constant 0 : i32
      %dma_wait3A_70 = tpu.memref_slice %arg6[%add3A_34, %dma_wait3A_69] : memref<16384x256xf32, #tpu.memory_space<hbm>> -> memref<128x256xf32, #tpu.memory_space<hbm>>
      tpu.wait_dma2 semaphore(%run_scoped3A : memref<!tpu.dma_semaphore, #tpu.memory_space<semaphore_mem>>) src(%arg10 : memref<128x256xf32, #tpu.memory_space<vmem>>) dst(%dma_wait3A_70 : memref<128x256xf32, #tpu.memory_space<hbm>>)
      tpu.yield
    }) : () -> ()
    %dma_wait3A_44 = arith.constant 0 : i32
    %dma_wait3A_45 = arith.constant 0 : i32
    %dma_wait3A_46 = tpu.memref_slice %arg5[%dma_wait3A_44, %dma_wait3A_45] : memref<1000000x256xf32, #tpu.memory_space<hbm>> -> memref<1000000x256xf32, #tpu.memory_space<hbm>>
    tpu.wait_indirect_dma semaphore(%arg13 : memref<!tpu.dma_semaphore, #tpu.memory_space<semaphore_mem>>) src(%dma_wait3A_46 : memref<1000000x256xf32, #tpu.memory_space<hbm>>) dst(%arg11 : memref<128x256xf32, #tpu.memory_space<vmem>>)
    "tpu.region"() ({
      %run_scoped3A = tpu.sem_alloc : memref<!tpu.dma_semaphore, #tpu.memory_space<semaphore_mem>>
      %dma_start3A_63 = arith.constant 0 : i32
      %dma_start3A_64 = tpu.memref_slice %arg7[%add3A_34, %dma_start3A_63] : memref<16384x256xf32, #tpu.memory_space<hbm>> -> memref<128x256xf32, #tpu.memory_space<hbm>>
      %dma_start3A_65 = arith.constant 0 : i32
      %dma_start3A_66 = tpu.memref_slice %arg7[%add3A_34, %dma_start3A_65] : memref<16384x256xf32, #tpu.memory_space<hbm>> -> memref<128x256xf32, #tpu.memory_space<hbm>>
      tpu.enqueue_dma source(%arg11 : memref<128x256xf32, #tpu.memory_space<vmem>>) target(%dma_start3A_66 : memref<128x256xf32, #tpu.memory_space<hbm>>) target_semaphore(%run_scoped3A : memref<!tpu.dma_semaphore, #tpu.memory_space<semaphore_mem>>)
      %dma_wait3A_67 = arith.constant 0 : i32
      %dma_wait3A_68 = tpu.memref_slice %arg7[%add3A_34, %dma_wait3A_67] : memref<16384x256xf32, #tpu.memory_space<hbm>> -> memref<128x256xf32, #tpu.memory_space<hbm>>
      %dma_wait3A_69 = arith.constant 0 : i32
      %dma_wait3A_70 = tpu.memref_slice %arg7[%add3A_34, %dma_wait3A_69] : memref<16384x256xf32, #tpu.memory_space<hbm>> -> memref<128x256xf32, #tpu.memory_space<hbm>>
      tpu.wait_dma2 semaphore(%run_scoped3A : memref<!tpu.dma_semaphore, #tpu.memory_space<semaphore_mem>>) src(%arg11 : memref<128x256xf32, #tpu.memory_space<vmem>>) dst(%dma_wait3A_70 : memref<128x256xf32, #tpu.memory_space<hbm>>)
      tpu.yield
    }) : () -> ()
    %mul3A_47 = arith.constant 512 : i32
    %mul3A_48 = arith.muli %add3A, %mul3A_47 : i32
    %add3A_49 = arith.constant 384 : i32
    %add3A_50 = arith.addi %mul3A_48, %add3A_49 : i32
    "tpu.region"() ({
      %run_scoped3A = tpu.sem_alloc : memref<!tpu.dma_semaphore, #tpu.memory_space<semaphore_mem>>
      %dma_start3A_63 = tpu.memref_slice %arg2[%add3A_50] : memref<16384xi32, #tpu.memory_space<hbm>> -> memref<128xi32, #tpu.memory_space<hbm>>
      %dma_start3A_64 = tpu.memref_slice %arg2[%add3A_50] : memref<16384xi32, #tpu.memory_space<hbm>> -> memref<128xi32, #tpu.memory_space<hbm>>
      tpu.enqueue_dma source(%dma_start3A_64 : memref<128xi32, #tpu.memory_space<hbm>>) target(%arg8 : memref<128xi32, #tpu.memory_space<vmem>>) target_semaphore(%run_scoped3A : memref<!tpu.dma_semaphore, #tpu.memory_space<semaphore_mem>>)
      %dma_wait3A_65 = tpu.memref_slice %arg2[%add3A_50] : memref<16384xi32, #tpu.memory_space<hbm>> -> memref<128xi32, #tpu.memory_space<hbm>>
      %dma_wait3A_66 = tpu.memref_slice %arg2[%add3A_50] : memref<16384xi32, #tpu.memory_space<hbm>> -> memref<128xi32, #tpu.memory_space<hbm>>
      tpu.wait_dma2 semaphore(%run_scoped3A : memref<!tpu.dma_semaphore, #tpu.memory_space<semaphore_mem>>) src(%dma_wait3A_66 : memref<128xi32, #tpu.memory_space<hbm>>) dst(%arg8 : memref<128xi32, #tpu.memory_space<vmem>>)
      tpu.yield
    }) : () -> ()
    "tpu.region"() ({
      %run_scoped3A = tpu.sem_alloc : memref<!tpu.dma_semaphore, #tpu.memory_space<semaphore_mem>>
      %dma_start3A_63 = tpu.memref_slice %arg3[%add3A_50] : memref<16384xi32, #tpu.memory_space<hbm>> -> memref<128xi32, #tpu.memory_space<hbm>>
      %dma_start3A_64 = tpu.memref_slice %arg3[%add3A_50] : memref<16384xi32, #tpu.memory_space<hbm>> -> memref<128xi32, #tpu.memory_space<hbm>>
      tpu.enqueue_dma source(%dma_start3A_64 : memref<128xi32, #tpu.memory_space<hbm>>) target(%arg9 : memref<128xi32, #tpu.memory_space<vmem>>) target_semaphore(%run_scoped3A : memref<!tpu.dma_semaphore, #tpu.memory_space<semaphore_mem>>)
      %dma_wait3A_65 = tpu.memref_slice %arg3[%add3A_50] : memref<16384xi32, #tpu.memory_space<hbm>> -> memref<128xi32, #tpu.memory_space<hbm>>
      %dma_wait3A_66 = tpu.memref_slice %arg3[%add3A_50] : memref<16384xi32, #tpu.memory_space<hbm>> -> memref<128xi32, #tpu.memory_space<hbm>>
      tpu.wait_dma2 semaphore(%run_scoped3A : memref<!tpu.dma_semaphore, #tpu.memory_space<semaphore_mem>>) src(%dma_wait3A_66 : memref<128xi32, #tpu.memory_space<hbm>>) dst(%arg9 : memref<128xi32, #tpu.memory_space<vmem>>)
      tpu.yield
    }) : () -> ()
    %dma_start3A_51 = arith.constant 0 : i32
    %dma_start3A_52 = arith.constant 0 : i32
    %dma_start3A_53 = tpu.memref_slice %arg4[%dma_start3A_51, %dma_start3A_52] : memref<1000000x256xf32, #tpu.memory_space<hbm>> -> memref<1000000x256xf32, #tpu.memory_space<hbm>>
    tpu.enqueue_indirect_dma source(%dma_start3A_53 : memref<1000000x256xf32, #tpu.memory_space<hbm>>) target(%arg10 : memref<128x256xf32, #tpu.memory_space<vmem>>) offsets(%arg8 : memref<128xi32, #tpu.memory_space<vmem>>) semaphore(%arg12 : memref<!tpu.dma_semaphore, #tpu.memory_space<semaphore_mem>>)
    %dma_start3A_54 = arith.constant 0 : i32
    %dma_start3A_55 = arith.constant 0 : i32
    %dma_start3A_56 = tpu.memref_slice %arg5[%dma_start3A_54, %dma_start3A_55] : memref<1000000x256xf32, #tpu.memory_space<hbm>> -> memref<1000000x256xf32, #tpu.memory_space<hbm>>
    tpu.enqueue_indirect_dma source(%dma_start3A_56 : memref<1000000x256xf32, #tpu.memory_space<hbm>>) target(%arg11 : memref<128x256xf32, #tpu.memory_space<vmem>>) offsets(%arg9 : memref<128xi32, #tpu.memory_space<vmem>>) semaphore(%arg13 : memref<!tpu.dma_semaphore, #tpu.memory_space<semaphore_mem>>)
    %dma_wait3A_57 = arith.constant 0 : i32
    %dma_wait3A_58 = arith.constant 0 : i32
    %dma_wait3A_59 = tpu.memref_slice %arg4[%dma_wait3A_57, %dma_wait3A_58] : memref<1000000x256xf32, #tpu.memory_space<hbm>> -> memref<1000000x256xf32, #tpu.memory_space<hbm>>
    tpu.wait_indirect_dma semaphore(%arg12 : memref<!tpu.dma_semaphore, #tpu.memory_space<semaphore_mem>>) src(%dma_wait3A_59 : memref<1000000x256xf32, #tpu.memory_space<hbm>>) dst(%arg10 : memref<128x256xf32, #tpu.memory_space<vmem>>)
    "tpu.region"() ({
      %run_scoped3A = tpu.sem_alloc : memref<!tpu.dma_semaphore, #tpu.memory_space<semaphore_mem>>
      %dma_start3A_63 = arith.constant 0 : i32
      %dma_start3A_64 = tpu.memref_slice %arg6[%add3A_50, %dma_start3A_63] : memref<16384x256xf32, #tpu.memory_space<hbm>> -> memref<128x256xf32, #tpu.memory_space<hbm>>
      %dma_start3A_65 = arith.constant 0 : i32
      %dma_start3A_66 = tpu.memref_slice %arg6[%add3A_50, %dma_start3A_65] : memref<16384x256xf32, #tpu.memory_space<hbm>> -> memref<128x256xf32, #tpu.memory_space<hbm>>
      tpu.enqueue_dma source(%arg10 : memref<128x256xf32, #tpu.memory_space<vmem>>) target(%dma_start3A_66 : memref<128x256xf32, #tpu.memory_space<hbm>>) target_semaphore(%run_scoped3A : memref<!tpu.dma_semaphore, #tpu.memory_space<semaphore_mem>>)
      %dma_wait3A_67 = arith.constant 0 : i32
      %dma_wait3A_68 = tpu.memref_slice %arg6[%add3A_50, %dma_wait3A_67] : memref<16384x256xf32, #tpu.memory_space<hbm>> -> memref<128x256xf32, #tpu.memory_space<hbm>>
      %dma_wait3A_69 = arith.constant 0 : i32
      %dma_wait3A_70 = tpu.memref_slice %arg6[%add3A_50, %dma_wait3A_69] : memref<16384x256xf32, #tpu.memory_space<hbm>> -> memref<128x256xf32, #tpu.memory_space<hbm>>
      tpu.wait_dma2 semaphore(%run_scoped3A : memref<!tpu.dma_semaphore, #tpu.memory_space<semaphore_mem>>) src(%arg10 : memref<128x256xf32, #tpu.memory_space<vmem>>) dst(%dma_wait3A_70 : memref<128x256xf32, #tpu.memory_space<hbm>>)
      tpu.yield
    }) : () -> ()
    %dma_wait3A_60 = arith.constant 0 : i32
    %dma_wait3A_61 = arith.constant 0 : i32
    %dma_wait3A_62 = tpu.memref_slice %arg5[%dma_wait3A_60, %dma_wait3A_61] : memref<1000000x256xf32, #tpu.memory_space<hbm>> -> memref<1000000x256xf32, #tpu.memory_space<hbm>>
    tpu.wait_indirect_dma semaphore(%arg13 : memref<!tpu.dma_semaphore, #tpu.memory_space<semaphore_mem>>) src(%dma_wait3A_62 : memref<1000000x256xf32, #tpu.memory_space<hbm>>) dst(%arg11 : memref<128x256xf32, #tpu.memory_space<vmem>>)
    "tpu.region"() ({
      %run_scoped3A = tpu.sem_alloc : memref<!tpu.dma_semaphore, #tpu.memory_space<semaphore_mem>>
      %dma_start3A_63 = arith.constant 0 : i32
      %dma_start3A_64 = tpu.memref_slice %arg7[%add3A_50, %dma_start3A_63] : memref<16384x256xf32, #tpu.memory_space<hbm>> -> memref<128x256xf32, #tpu.memory_space<hbm>>
      %dma_start3A_65 = arith.constant 0 : i32
      %dma_start3A_66 = tpu.memref_slice %arg7[%add3A_50, %dma_start3A_65] : memref<16384x256xf32, #tpu.memory_space<hbm>> -> memref<128x256xf32, #tpu.memory_space<hbm>>
      tpu.enqueue_dma source(%arg11 : memref<128x256xf32, #tpu.memory_space<vmem>>) target(%dma_start3A_66 : memref<128x256xf32, #tpu.memory_space<hbm>>) target_semaphore(%run_scoped3A : memref<!tpu.dma_semaphore, #tpu.memory_space<semaphore_mem>>)
      %dma_wait3A_67 = arith.constant 0 : i32
      %dma_wait3A_68 = tpu.memref_slice %arg7[%add3A_50, %dma_wait3A_67] : memref<16384x256xf32, #tpu.memory_space<hbm>> -> memref<128x256xf32, #tpu.memory_space<hbm>>
      %dma_wait3A_69 = arith.constant 0 : i32
      %dma_wait3A_70 = tpu.memref_slice %arg7[%add3A_50, %dma_wait3A_69] : memref<16384x256xf32, #tpu.memory_space<hbm>> -> memref<128x256xf32, #tpu.memory_space<hbm>>
      tpu.wait_dma2 semaphore(%run_scoped3A : memref<!tpu.dma_semaphore, #tpu.memory_space<semaphore_mem>>) src(%arg11 : memref<128x256xf32, #tpu.memory_space<vmem>>) dst(%dma_wait3A_70 : memref<128x256xf32, #tpu.memory_space<hbm>>)
      tpu.yield
    }) : () -> ()
    return
  }
}

#map = affine_map<(d0, d1) -> (0)>
#map1 = affine_map<(d0, d1) -> (0, 0)>
module attributes {stable_mosaic.version = 14 : i64} {
  func.func @_sc_gmf_body(%arg0: i32, %arg1: i32, %arg2: memref<16384xi32, #tpu.memory_space<hbm>>, %arg3: memref<16384xi32, #tpu.memory_space<hbm>>, %arg4: memref<251904x128xf32, #tpu.memory_space<hbm>>, %arg5: memref<251904x128xf32, #tpu.memory_space<hbm>>, %arg6: memref<16384x256xf32, #tpu.memory_space<hbm>>, %arg7: memref<16384x128xf32, #tpu.memory_space<hbm>>, %arg8: memref<16384x128xf32, #tpu.memory_space<hbm>>, %arg9: memref<128xi32, #tpu.memory_space<vmem>>, %arg10: memref<128xi32, #tpu.memory_space<vmem>>, %arg11: memref<128x128xf32, #tpu.memory_space<vmem>>, %arg12: memref<128x128xf32, #tpu.memory_space<vmem>>, %arg13: memref<!tpu.dma_semaphore, #tpu.memory_space<semaphore_mem>>, %arg14: memref<!tpu.dma_semaphore, #tpu.memory_space<semaphore_mem>>) attributes {dimension_semantics = [#tpu.dimension_semantics<core_parallel>, #tpu.dimension_semantics<subcore_parallel>], iteration_bounds = array<i64: 2, 16>, scalar_prefetch = 0 : i64, scratch_operands = 6 : i64, tpu.core_type = #tpu.core_type<sc_vector_subcore>, window_params = [{transform_indices = #map}, {transform_indices = #map}, {transform_indices = #map1}, {transform_indices = #map1}, {transform_indices = #map1}, {transform_indices = #map1}, {transform_indices = #map1}]} {
    %mul3A = arith.constant 2 : i32
    %mul3A_0 = arith.muli %arg1, %mul3A : i32
    %add3A = arith.addi %mul3A_0, %arg0 : i32
    %mul3A_1 = arith.constant 512 : i32
    %mul3A_2 = arith.muli %add3A, %mul3A_1 : i32
    %add3A_3 = arith.constant 0 : i32
    %add3A_4 = arith.addi %mul3A_2, %add3A_3 : i32
    "tpu.region"() ({
      %run_scoped3A = tpu.sem_alloc : memref<!tpu.dma_semaphore, #tpu.memory_space<semaphore_mem>>
      %dma_start3A_63 = tpu.memref_slice %arg2[%add3A_4] : memref<16384xi32, #tpu.memory_space<hbm>> -> memref<128xi32, #tpu.memory_space<hbm>>
      %dma_start3A_64 = tpu.memref_slice %arg2[%add3A_4] : memref<16384xi32, #tpu.memory_space<hbm>> -> memref<128xi32, #tpu.memory_space<hbm>>
      tpu.enqueue_dma source(%dma_start3A_64 : memref<128xi32, #tpu.memory_space<hbm>>) target(%arg9 : memref<128xi32, #tpu.memory_space<vmem>>) target_semaphore(%run_scoped3A : memref<!tpu.dma_semaphore, #tpu.memory_space<semaphore_mem>>)
      %dma_wait3A_65 = tpu.memref_slice %arg2[%add3A_4] : memref<16384xi32, #tpu.memory_space<hbm>> -> memref<128xi32, #tpu.memory_space<hbm>>
      %dma_wait3A_66 = tpu.memref_slice %arg2[%add3A_4] : memref<16384xi32, #tpu.memory_space<hbm>> -> memref<128xi32, #tpu.memory_space<hbm>>
      tpu.wait_dma2 semaphore(%run_scoped3A : memref<!tpu.dma_semaphore, #tpu.memory_space<semaphore_mem>>) src(%dma_wait3A_66 : memref<128xi32, #tpu.memory_space<hbm>>) dst(%arg9 : memref<128xi32, #tpu.memory_space<vmem>>)
      tpu.yield
    }) : () -> ()
    "tpu.region"() ({
      %run_scoped3A = tpu.sem_alloc : memref<!tpu.dma_semaphore, #tpu.memory_space<semaphore_mem>>
      %dma_start3A_63 = tpu.memref_slice %arg3[%add3A_4] : memref<16384xi32, #tpu.memory_space<hbm>> -> memref<128xi32, #tpu.memory_space<hbm>>
      %dma_start3A_64 = tpu.memref_slice %arg3[%add3A_4] : memref<16384xi32, #tpu.memory_space<hbm>> -> memref<128xi32, #tpu.memory_space<hbm>>
      tpu.enqueue_dma source(%dma_start3A_64 : memref<128xi32, #tpu.memory_space<hbm>>) target(%arg10 : memref<128xi32, #tpu.memory_space<vmem>>) target_semaphore(%run_scoped3A : memref<!tpu.dma_semaphore, #tpu.memory_space<semaphore_mem>>)
      %dma_wait3A_65 = tpu.memref_slice %arg3[%add3A_4] : memref<16384xi32, #tpu.memory_space<hbm>> -> memref<128xi32, #tpu.memory_space<hbm>>
      %dma_wait3A_66 = tpu.memref_slice %arg3[%add3A_4] : memref<16384xi32, #tpu.memory_space<hbm>> -> memref<128xi32, #tpu.memory_space<hbm>>
      tpu.wait_dma2 semaphore(%run_scoped3A : memref<!tpu.dma_semaphore, #tpu.memory_space<semaphore_mem>>) src(%dma_wait3A_66 : memref<128xi32, #tpu.memory_space<hbm>>) dst(%arg10 : memref<128xi32, #tpu.memory_space<vmem>>)
      tpu.yield
    }) : () -> ()
    %dma_start3A = arith.constant 0 : i32
    %dma_start3A_5 = arith.constant 0 : i32
    %dma_start3A_6 = tpu.memref_slice %arg4[%dma_start3A, %dma_start3A_5] : memref<251904x128xf32, #tpu.memory_space<hbm>> -> memref<251904x128xf32, #tpu.memory_space<hbm>>
    tpu.enqueue_indirect_dma source(%dma_start3A_6 : memref<251904x128xf32, #tpu.memory_space<hbm>>) target(%arg11 : memref<128x128xf32, #tpu.memory_space<vmem>>) offsets(%arg9 : memref<128xi32, #tpu.memory_space<vmem>>) semaphore(%arg13 : memref<!tpu.dma_semaphore, #tpu.memory_space<semaphore_mem>>)
    %dma_start3A_7 = arith.constant 0 : i32
    %dma_start3A_8 = arith.constant 0 : i32
    %dma_start3A_9 = tpu.memref_slice %arg5[%dma_start3A_7, %dma_start3A_8] : memref<251904x128xf32, #tpu.memory_space<hbm>> -> memref<251904x128xf32, #tpu.memory_space<hbm>>
    tpu.enqueue_indirect_dma source(%dma_start3A_9 : memref<251904x128xf32, #tpu.memory_space<hbm>>) target(%arg12 : memref<128x128xf32, #tpu.memory_space<vmem>>) offsets(%arg10 : memref<128xi32, #tpu.memory_space<vmem>>) semaphore(%arg14 : memref<!tpu.dma_semaphore, #tpu.memory_space<semaphore_mem>>)
    %dma_wait3A = arith.constant 0 : i32
    %dma_wait3A_10 = arith.constant 0 : i32
    %dma_wait3A_11 = tpu.memref_slice %arg4[%dma_wait3A, %dma_wait3A_10] : memref<251904x128xf32, #tpu.memory_space<hbm>> -> memref<251904x128xf32, #tpu.memory_space<hbm>>
    tpu.wait_indirect_dma semaphore(%arg13 : memref<!tpu.dma_semaphore, #tpu.memory_space<semaphore_mem>>) src(%dma_wait3A_11 : memref<251904x128xf32, #tpu.memory_space<hbm>>) dst(%arg11 : memref<128x128xf32, #tpu.memory_space<vmem>>)
    "tpu.region"() ({
      %run_scoped3A = tpu.sem_alloc : memref<!tpu.dma_semaphore, #tpu.memory_space<semaphore_mem>>
      %dma_start3A_63 = arith.constant 0 : i32
      %dma_start3A_64 = tpu.memref_slice %arg7[%add3A_4, %dma_start3A_63] : memref<16384x128xf32, #tpu.memory_space<hbm>> -> memref<128x128xf32, #tpu.memory_space<hbm>>
      %dma_start3A_65 = arith.constant 0 : i32
      %dma_start3A_66 = tpu.memref_slice %arg7[%add3A_4, %dma_start3A_65] : memref<16384x128xf32, #tpu.memory_space<hbm>> -> memref<128x128xf32, #tpu.memory_space<hbm>>
      tpu.enqueue_dma source(%arg11 : memref<128x128xf32, #tpu.memory_space<vmem>>) target(%dma_start3A_66 : memref<128x128xf32, #tpu.memory_space<hbm>>) target_semaphore(%run_scoped3A : memref<!tpu.dma_semaphore, #tpu.memory_space<semaphore_mem>>)
      %dma_wait3A_67 = arith.constant 0 : i32
      %dma_wait3A_68 = tpu.memref_slice %arg7[%add3A_4, %dma_wait3A_67] : memref<16384x128xf32, #tpu.memory_space<hbm>> -> memref<128x128xf32, #tpu.memory_space<hbm>>
      %dma_wait3A_69 = arith.constant 0 : i32
      %dma_wait3A_70 = tpu.memref_slice %arg7[%add3A_4, %dma_wait3A_69] : memref<16384x128xf32, #tpu.memory_space<hbm>> -> memref<128x128xf32, #tpu.memory_space<hbm>>
      tpu.wait_dma2 semaphore(%run_scoped3A : memref<!tpu.dma_semaphore, #tpu.memory_space<semaphore_mem>>) src(%arg11 : memref<128x128xf32, #tpu.memory_space<vmem>>) dst(%dma_wait3A_70 : memref<128x128xf32, #tpu.memory_space<hbm>>)
      tpu.yield
    }) : () -> ()
    %dma_wait3A_12 = arith.constant 0 : i32
    %dma_wait3A_13 = arith.constant 0 : i32
    %dma_wait3A_14 = tpu.memref_slice %arg5[%dma_wait3A_12, %dma_wait3A_13] : memref<251904x128xf32, #tpu.memory_space<hbm>> -> memref<251904x128xf32, #tpu.memory_space<hbm>>
    tpu.wait_indirect_dma semaphore(%arg14 : memref<!tpu.dma_semaphore, #tpu.memory_space<semaphore_mem>>) src(%dma_wait3A_14 : memref<251904x128xf32, #tpu.memory_space<hbm>>) dst(%arg12 : memref<128x128xf32, #tpu.memory_space<vmem>>)
    "tpu.region"() ({
      %run_scoped3A = tpu.sem_alloc : memref<!tpu.dma_semaphore, #tpu.memory_space<semaphore_mem>>
      %dma_start3A_63 = arith.constant 0 : i32
      %dma_start3A_64 = tpu.memref_slice %arg8[%add3A_4, %dma_start3A_63] : memref<16384x128xf32, #tpu.memory_space<hbm>> -> memref<128x128xf32, #tpu.memory_space<hbm>>
      %dma_start3A_65 = arith.constant 0 : i32
      %dma_start3A_66 = tpu.memref_slice %arg8[%add3A_4, %dma_start3A_65] : memref<16384x128xf32, #tpu.memory_space<hbm>> -> memref<128x128xf32, #tpu.memory_space<hbm>>
      tpu.enqueue_dma source(%arg12 : memref<128x128xf32, #tpu.memory_space<vmem>>) target(%dma_start3A_66 : memref<128x128xf32, #tpu.memory_space<hbm>>) target_semaphore(%run_scoped3A : memref<!tpu.dma_semaphore, #tpu.memory_space<semaphore_mem>>)
      %dma_wait3A_67 = arith.constant 0 : i32
      %dma_wait3A_68 = tpu.memref_slice %arg8[%add3A_4, %dma_wait3A_67] : memref<16384x128xf32, #tpu.memory_space<hbm>> -> memref<128x128xf32, #tpu.memory_space<hbm>>
      %dma_wait3A_69 = arith.constant 0 : i32
      %dma_wait3A_70 = tpu.memref_slice %arg8[%add3A_4, %dma_wait3A_69] : memref<16384x128xf32, #tpu.memory_space<hbm>> -> memref<128x128xf32, #tpu.memory_space<hbm>>
      tpu.wait_dma2 semaphore(%run_scoped3A : memref<!tpu.dma_semaphore, #tpu.memory_space<semaphore_mem>>) src(%arg12 : memref<128x128xf32, #tpu.memory_space<vmem>>) dst(%dma_wait3A_70 : memref<128x128xf32, #tpu.memory_space<hbm>>)
      tpu.yield
    }) : () -> ()
    %mul3A_15 = arith.constant 512 : i32
    %mul3A_16 = arith.muli %add3A, %mul3A_15 : i32
    %add3A_17 = arith.constant 128 : i32
    %add3A_18 = arith.addi %mul3A_16, %add3A_17 : i32
    "tpu.region"() ({
      %run_scoped3A = tpu.sem_alloc : memref<!tpu.dma_semaphore, #tpu.memory_space<semaphore_mem>>
      %dma_start3A_63 = tpu.memref_slice %arg2[%add3A_18] : memref<16384xi32, #tpu.memory_space<hbm>> -> memref<128xi32, #tpu.memory_space<hbm>>
      %dma_start3A_64 = tpu.memref_slice %arg2[%add3A_18] : memref<16384xi32, #tpu.memory_space<hbm>> -> memref<128xi32, #tpu.memory_space<hbm>>
      tpu.enqueue_dma source(%dma_start3A_64 : memref<128xi32, #tpu.memory_space<hbm>>) target(%arg9 : memref<128xi32, #tpu.memory_space<vmem>>) target_semaphore(%run_scoped3A : memref<!tpu.dma_semaphore, #tpu.memory_space<semaphore_mem>>)
      %dma_wait3A_65 = tpu.memref_slice %arg2[%add3A_18] : memref<16384xi32, #tpu.memory_space<hbm>> -> memref<128xi32, #tpu.memory_space<hbm>>
      %dma_wait3A_66 = tpu.memref_slice %arg2[%add3A_18] : memref<16384xi32, #tpu.memory_space<hbm>> -> memref<128xi32, #tpu.memory_space<hbm>>
      tpu.wait_dma2 semaphore(%run_scoped3A : memref<!tpu.dma_semaphore, #tpu.memory_space<semaphore_mem>>) src(%dma_wait3A_66 : memref<128xi32, #tpu.memory_space<hbm>>) dst(%arg9 : memref<128xi32, #tpu.memory_space<vmem>>)
      tpu.yield
    }) : () -> ()
    "tpu.region"() ({
      %run_scoped3A = tpu.sem_alloc : memref<!tpu.dma_semaphore, #tpu.memory_space<semaphore_mem>>
      %dma_start3A_63 = tpu.memref_slice %arg3[%add3A_18] : memref<16384xi32, #tpu.memory_space<hbm>> -> memref<128xi32, #tpu.memory_space<hbm>>
      %dma_start3A_64 = tpu.memref_slice %arg3[%add3A_18] : memref<16384xi32, #tpu.memory_space<hbm>> -> memref<128xi32, #tpu.memory_space<hbm>>
      tpu.enqueue_dma source(%dma_start3A_64 : memref<128xi32, #tpu.memory_space<hbm>>) target(%arg10 : memref<128xi32, #tpu.memory_space<vmem>>) target_semaphore(%run_scoped3A : memref<!tpu.dma_semaphore, #tpu.memory_space<semaphore_mem>>)
      %dma_wait3A_65 = tpu.memref_slice %arg3[%add3A_18] : memref<16384xi32, #tpu.memory_space<hbm>> -> memref<128xi32, #tpu.memory_space<hbm>>
      %dma_wait3A_66 = tpu.memref_slice %arg3[%add3A_18] : memref<16384xi32, #tpu.memory_space<hbm>> -> memref<128xi32, #tpu.memory_space<hbm>>
      tpu.wait_dma2 semaphore(%run_scoped3A : memref<!tpu.dma_semaphore, #tpu.memory_space<semaphore_mem>>) src(%dma_wait3A_66 : memref<128xi32, #tpu.memory_space<hbm>>) dst(%arg10 : memref<128xi32, #tpu.memory_space<vmem>>)
      tpu.yield
    }) : () -> ()
    %dma_start3A_19 = arith.constant 0 : i32
    %dma_start3A_20 = arith.constant 0 : i32
    %dma_start3A_21 = tpu.memref_slice %arg4[%dma_start3A_19, %dma_start3A_20] : memref<251904x128xf32, #tpu.memory_space<hbm>> -> memref<251904x128xf32, #tpu.memory_space<hbm>>
    tpu.enqueue_indirect_dma source(%dma_start3A_21 : memref<251904x128xf32, #tpu.memory_space<hbm>>) target(%arg11 : memref<128x128xf32, #tpu.memory_space<vmem>>) offsets(%arg9 : memref<128xi32, #tpu.memory_space<vmem>>) semaphore(%arg13 : memref<!tpu.dma_semaphore, #tpu.memory_space<semaphore_mem>>)
    %dma_start3A_22 = arith.constant 0 : i32
    %dma_start3A_23 = arith.constant 0 : i32
    %dma_start3A_24 = tpu.memref_slice %arg5[%dma_start3A_22, %dma_start3A_23] : memref<251904x128xf32, #tpu.memory_space<hbm>> -> memref<251904x128xf32, #tpu.memory_space<hbm>>
    tpu.enqueue_indirect_dma source(%dma_start3A_24 : memref<251904x128xf32, #tpu.memory_space<hbm>>) target(%arg12 : memref<128x128xf32, #tpu.memory_space<vmem>>) offsets(%arg10 : memref<128xi32, #tpu.memory_space<vmem>>) semaphore(%arg14 : memref<!tpu.dma_semaphore, #tpu.memory_space<semaphore_mem>>)
    %dma_wait3A_25 = arith.constant 0 : i32
    %dma_wait3A_26 = arith.constant 0 : i32
    %dma_wait3A_27 = tpu.memref_slice %arg4[%dma_wait3A_25, %dma_wait3A_26] : memref<251904x128xf32, #tpu.memory_space<hbm>> -> memref<251904x128xf32, #tpu.memory_space<hbm>>
    tpu.wait_indirect_dma semaphore(%arg13 : memref<!tpu.dma_semaphore, #tpu.memory_space<semaphore_mem>>) src(%dma_wait3A_27 : memref<251904x128xf32, #tpu.memory_space<hbm>>) dst(%arg11 : memref<128x128xf32, #tpu.memory_space<vmem>>)
    "tpu.region"() ({
      %run_scoped3A = tpu.sem_alloc : memref<!tpu.dma_semaphore, #tpu.memory_space<semaphore_mem>>
      %dma_start3A_63 = arith.constant 0 : i32
      %dma_start3A_64 = tpu.memref_slice %arg7[%add3A_18, %dma_start3A_63] : memref<16384x128xf32, #tpu.memory_space<hbm>> -> memref<128x128xf32, #tpu.memory_space<hbm>>
      %dma_start3A_65 = arith.constant 0 : i32
      %dma_start3A_66 = tpu.memref_slice %arg7[%add3A_18, %dma_start3A_65] : memref<16384x128xf32, #tpu.memory_space<hbm>> -> memref<128x128xf32, #tpu.memory_space<hbm>>
      tpu.enqueue_dma source(%arg11 : memref<128x128xf32, #tpu.memory_space<vmem>>) target(%dma_start3A_66 : memref<128x128xf32, #tpu.memory_space<hbm>>) target_semaphore(%run_scoped3A : memref<!tpu.dma_semaphore, #tpu.memory_space<semaphore_mem>>)
      %dma_wait3A_67 = arith.constant 0 : i32
      %dma_wait3A_68 = tpu.memref_slice %arg7[%add3A_18, %dma_wait3A_67] : memref<16384x128xf32, #tpu.memory_space<hbm>> -> memref<128x128xf32, #tpu.memory_space<hbm>>
      %dma_wait3A_69 = arith.constant 0 : i32
      %dma_wait3A_70 = tpu.memref_slice %arg7[%add3A_18, %dma_wait3A_69] : memref<16384x128xf32, #tpu.memory_space<hbm>> -> memref<128x128xf32, #tpu.memory_space<hbm>>
      tpu.wait_dma2 semaphore(%run_scoped3A : memref<!tpu.dma_semaphore, #tpu.memory_space<semaphore_mem>>) src(%arg11 : memref<128x128xf32, #tpu.memory_space<vmem>>) dst(%dma_wait3A_70 : memref<128x128xf32, #tpu.memory_space<hbm>>)
      tpu.yield
    }) : () -> ()
    %dma_wait3A_28 = arith.constant 0 : i32
    %dma_wait3A_29 = arith.constant 0 : i32
    %dma_wait3A_30 = tpu.memref_slice %arg5[%dma_wait3A_28, %dma_wait3A_29] : memref<251904x128xf32, #tpu.memory_space<hbm>> -> memref<251904x128xf32, #tpu.memory_space<hbm>>
    tpu.wait_indirect_dma semaphore(%arg14 : memref<!tpu.dma_semaphore, #tpu.memory_space<semaphore_mem>>) src(%dma_wait3A_30 : memref<251904x128xf32, #tpu.memory_space<hbm>>) dst(%arg12 : memref<128x128xf32, #tpu.memory_space<vmem>>)
    "tpu.region"() ({
      %run_scoped3A = tpu.sem_alloc : memref<!tpu.dma_semaphore, #tpu.memory_space<semaphore_mem>>
      %dma_start3A_63 = arith.constant 0 : i32
      %dma_start3A_64 = tpu.memref_slice %arg8[%add3A_18, %dma_start3A_63] : memref<16384x128xf32, #tpu.memory_space<hbm>> -> memref<128x128xf32, #tpu.memory_space<hbm>>
      %dma_start3A_65 = arith.constant 0 : i32
      %dma_start3A_66 = tpu.memref_slice %arg8[%add3A_18, %dma_start3A_65] : memref<16384x128xf32, #tpu.memory_space<hbm>> -> memref<128x128xf32, #tpu.memory_space<hbm>>
      tpu.enqueue_dma source(%arg12 : memref<128x128xf32, #tpu.memory_space<vmem>>) target(%dma_start3A_66 : memref<128x128xf32, #tpu.memory_space<hbm>>) target_semaphore(%run_scoped3A : memref<!tpu.dma_semaphore, #tpu.memory_space<semaphore_mem>>)
      %dma_wait3A_67 = arith.constant 0 : i32
      %dma_wait3A_68 = tpu.memref_slice %arg8[%add3A_18, %dma_wait3A_67] : memref<16384x128xf32, #tpu.memory_space<hbm>> -> memref<128x128xf32, #tpu.memory_space<hbm>>
      %dma_wait3A_69 = arith.constant 0 : i32
      %dma_wait3A_70 = tpu.memref_slice %arg8[%add3A_18, %dma_wait3A_69] : memref<16384x128xf32, #tpu.memory_space<hbm>> -> memref<128x128xf32, #tpu.memory_space<hbm>>
      tpu.wait_dma2 semaphore(%run_scoped3A : memref<!tpu.dma_semaphore, #tpu.memory_space<semaphore_mem>>) src(%arg12 : memref<128x128xf32, #tpu.memory_space<vmem>>) dst(%dma_wait3A_70 : memref<128x128xf32, #tpu.memory_space<hbm>>)
      tpu.yield
    }) : () -> ()
    %mul3A_31 = arith.constant 512 : i32
    %mul3A_32 = arith.muli %add3A, %mul3A_31 : i32
    %add3A_33 = arith.constant 256 : i32
    %add3A_34 = arith.addi %mul3A_32, %add3A_33 : i32
    "tpu.region"() ({
      %run_scoped3A = tpu.sem_alloc : memref<!tpu.dma_semaphore, #tpu.memory_space<semaphore_mem>>
      %dma_start3A_63 = tpu.memref_slice %arg2[%add3A_34] : memref<16384xi32, #tpu.memory_space<hbm>> -> memref<128xi32, #tpu.memory_space<hbm>>
      %dma_start3A_64 = tpu.memref_slice %arg2[%add3A_34] : memref<16384xi32, #tpu.memory_space<hbm>> -> memref<128xi32, #tpu.memory_space<hbm>>
      tpu.enqueue_dma source(%dma_start3A_64 : memref<128xi32, #tpu.memory_space<hbm>>) target(%arg9 : memref<128xi32, #tpu.memory_space<vmem>>) target_semaphore(%run_scoped3A : memref<!tpu.dma_semaphore, #tpu.memory_space<semaphore_mem>>)
      %dma_wait3A_65 = tpu.memref_slice %arg2[%add3A_34] : memref<16384xi32, #tpu.memory_space<hbm>> -> memref<128xi32, #tpu.memory_space<hbm>>
      %dma_wait3A_66 = tpu.memref_slice %arg2[%add3A_34] : memref<16384xi32, #tpu.memory_space<hbm>> -> memref<128xi32, #tpu.memory_space<hbm>>
      tpu.wait_dma2 semaphore(%run_scoped3A : memref<!tpu.dma_semaphore, #tpu.memory_space<semaphore_mem>>) src(%dma_wait3A_66 : memref<128xi32, #tpu.memory_space<hbm>>) dst(%arg9 : memref<128xi32, #tpu.memory_space<vmem>>)
      tpu.yield
    }) : () -> ()
    "tpu.region"() ({
      %run_scoped3A = tpu.sem_alloc : memref<!tpu.dma_semaphore, #tpu.memory_space<semaphore_mem>>
      %dma_start3A_63 = tpu.memref_slice %arg3[%add3A_34] : memref<16384xi32, #tpu.memory_space<hbm>> -> memref<128xi32, #tpu.memory_space<hbm>>
      %dma_start3A_64 = tpu.memref_slice %arg3[%add3A_34] : memref<16384xi32, #tpu.memory_space<hbm>> -> memref<128xi32, #tpu.memory_space<hbm>>
      tpu.enqueue_dma source(%dma_start3A_64 : memref<128xi32, #tpu.memory_space<hbm>>) target(%arg10 : memref<128xi32, #tpu.memory_space<vmem>>) target_semaphore(%run_scoped3A : memref<!tpu.dma_semaphore, #tpu.memory_space<semaphore_mem>>)
      %dma_wait3A_65 = tpu.memref_slice %arg3[%add3A_34] : memref<16384xi32, #tpu.memory_space<hbm>> -> memref<128xi32, #tpu.memory_space<hbm>>
      %dma_wait3A_66 = tpu.memref_slice %arg3[%add3A_34] : memref<16384xi32, #tpu.memory_space<hbm>> -> memref<128xi32, #tpu.memory_space<hbm>>
      tpu.wait_dma2 semaphore(%run_scoped3A : memref<!tpu.dma_semaphore, #tpu.memory_space<semaphore_mem>>) src(%dma_wait3A_66 : memref<128xi32, #tpu.memory_space<hbm>>) dst(%arg10 : memref<128xi32, #tpu.memory_space<vmem>>)
      tpu.yield
    }) : () -> ()
    %dma_start3A_35 = arith.constant 0 : i32
    %dma_start3A_36 = arith.constant 0 : i32
    %dma_start3A_37 = tpu.memref_slice %arg4[%dma_start3A_35, %dma_start3A_36] : memref<251904x128xf32, #tpu.memory_space<hbm>> -> memref<251904x128xf32, #tpu.memory_space<hbm>>
    tpu.enqueue_indirect_dma source(%dma_start3A_37 : memref<251904x128xf32, #tpu.memory_space<hbm>>) target(%arg11 : memref<128x128xf32, #tpu.memory_space<vmem>>) offsets(%arg9 : memref<128xi32, #tpu.memory_space<vmem>>) semaphore(%arg13 : memref<!tpu.dma_semaphore, #tpu.memory_space<semaphore_mem>>)
    %dma_start3A_38 = arith.constant 0 : i32
    %dma_start3A_39 = arith.constant 0 : i32
    %dma_start3A_40 = tpu.memref_slice %arg5[%dma_start3A_38, %dma_start3A_39] : memref<251904x128xf32, #tpu.memory_space<hbm>> -> memref<251904x128xf32, #tpu.memory_space<hbm>>
    tpu.enqueue_indirect_dma source(%dma_start3A_40 : memref<251904x128xf32, #tpu.memory_space<hbm>>) target(%arg12 : memref<128x128xf32, #tpu.memory_space<vmem>>) offsets(%arg10 : memref<128xi32, #tpu.memory_space<vmem>>) semaphore(%arg14 : memref<!tpu.dma_semaphore, #tpu.memory_space<semaphore_mem>>)
    %dma_wait3A_41 = arith.constant 0 : i32
    %dma_wait3A_42 = arith.constant 0 : i32
    %dma_wait3A_43 = tpu.memref_slice %arg4[%dma_wait3A_41, %dma_wait3A_42] : memref<251904x128xf32, #tpu.memory_space<hbm>> -> memref<251904x128xf32, #tpu.memory_space<hbm>>
    tpu.wait_indirect_dma semaphore(%arg13 : memref<!tpu.dma_semaphore, #tpu.memory_space<semaphore_mem>>) src(%dma_wait3A_43 : memref<251904x128xf32, #tpu.memory_space<hbm>>) dst(%arg11 : memref<128x128xf32, #tpu.memory_space<vmem>>)
    "tpu.region"() ({
      %run_scoped3A = tpu.sem_alloc : memref<!tpu.dma_semaphore, #tpu.memory_space<semaphore_mem>>
      %dma_start3A_63 = arith.constant 0 : i32
      %dma_start3A_64 = tpu.memref_slice %arg7[%add3A_34, %dma_start3A_63] : memref<16384x128xf32, #tpu.memory_space<hbm>> -> memref<128x128xf32, #tpu.memory_space<hbm>>
      %dma_start3A_65 = arith.constant 0 : i32
      %dma_start3A_66 = tpu.memref_slice %arg7[%add3A_34, %dma_start3A_65] : memref<16384x128xf32, #tpu.memory_space<hbm>> -> memref<128x128xf32, #tpu.memory_space<hbm>>
      tpu.enqueue_dma source(%arg11 : memref<128x128xf32, #tpu.memory_space<vmem>>) target(%dma_start3A_66 : memref<128x128xf32, #tpu.memory_space<hbm>>) target_semaphore(%run_scoped3A : memref<!tpu.dma_semaphore, #tpu.memory_space<semaphore_mem>>)
      %dma_wait3A_67 = arith.constant 0 : i32
      %dma_wait3A_68 = tpu.memref_slice %arg7[%add3A_34, %dma_wait3A_67] : memref<16384x128xf32, #tpu.memory_space<hbm>> -> memref<128x128xf32, #tpu.memory_space<hbm>>
      %dma_wait3A_69 = arith.constant 0 : i32
      %dma_wait3A_70 = tpu.memref_slice %arg7[%add3A_34, %dma_wait3A_69] : memref<16384x128xf32, #tpu.memory_space<hbm>> -> memref<128x128xf32, #tpu.memory_space<hbm>>
      tpu.wait_dma2 semaphore(%run_scoped3A : memref<!tpu.dma_semaphore, #tpu.memory_space<semaphore_mem>>) src(%arg11 : memref<128x128xf32, #tpu.memory_space<vmem>>) dst(%dma_wait3A_70 : memref<128x128xf32, #tpu.memory_space<hbm>>)
      tpu.yield
    }) : () -> ()
    %dma_wait3A_44 = arith.constant 0 : i32
    %dma_wait3A_45 = arith.constant 0 : i32
    %dma_wait3A_46 = tpu.memref_slice %arg5[%dma_wait3A_44, %dma_wait3A_45] : memref<251904x128xf32, #tpu.memory_space<hbm>> -> memref<251904x128xf32, #tpu.memory_space<hbm>>
    tpu.wait_indirect_dma semaphore(%arg14 : memref<!tpu.dma_semaphore, #tpu.memory_space<semaphore_mem>>) src(%dma_wait3A_46 : memref<251904x128xf32, #tpu.memory_space<hbm>>) dst(%arg12 : memref<128x128xf32, #tpu.memory_space<vmem>>)
    "tpu.region"() ({
      %run_scoped3A = tpu.sem_alloc : memref<!tpu.dma_semaphore, #tpu.memory_space<semaphore_mem>>
      %dma_start3A_63 = arith.constant 0 : i32
      %dma_start3A_64 = tpu.memref_slice %arg8[%add3A_34, %dma_start3A_63] : memref<16384x128xf32, #tpu.memory_space<hbm>> -> memref<128x128xf32, #tpu.memory_space<hbm>>
      %dma_start3A_65 = arith.constant 0 : i32
      %dma_start3A_66 = tpu.memref_slice %arg8[%add3A_34, %dma_start3A_65] : memref<16384x128xf32, #tpu.memory_space<hbm>> -> memref<128x128xf32, #tpu.memory_space<hbm>>
      tpu.enqueue_dma source(%arg12 : memref<128x128xf32, #tpu.memory_space<vmem>>) target(%dma_start3A_66 : memref<128x128xf32, #tpu.memory_space<hbm>>) target_semaphore(%run_scoped3A : memref<!tpu.dma_semaphore, #tpu.memory_space<semaphore_mem>>)
      %dma_wait3A_67 = arith.constant 0 : i32
      %dma_wait3A_68 = tpu.memref_slice %arg8[%add3A_34, %dma_wait3A_67] : memref<16384x128xf32, #tpu.memory_space<hbm>> -> memref<128x128xf32, #tpu.memory_space<hbm>>
      %dma_wait3A_69 = arith.constant 0 : i32
      %dma_wait3A_70 = tpu.memref_slice %arg8[%add3A_34, %dma_wait3A_69] : memref<16384x128xf32, #tpu.memory_space<hbm>> -> memref<128x128xf32, #tpu.memory_space<hbm>>
      tpu.wait_dma2 semaphore(%run_scoped3A : memref<!tpu.dma_semaphore, #tpu.memory_space<semaphore_mem>>) src(%arg12 : memref<128x128xf32, #tpu.memory_space<vmem>>) dst(%dma_wait3A_70 : memref<128x128xf32, #tpu.memory_space<hbm>>)
      tpu.yield
    }) : () -> ()
    %mul3A_47 = arith.constant 512 : i32
    %mul3A_48 = arith.muli %add3A, %mul3A_47 : i32
    %add3A_49 = arith.constant 384 : i32
    %add3A_50 = arith.addi %mul3A_48, %add3A_49 : i32
    "tpu.region"() ({
      %run_scoped3A = tpu.sem_alloc : memref<!tpu.dma_semaphore, #tpu.memory_space<semaphore_mem>>
      %dma_start3A_63 = tpu.memref_slice %arg2[%add3A_50] : memref<16384xi32, #tpu.memory_space<hbm>> -> memref<128xi32, #tpu.memory_space<hbm>>
      %dma_start3A_64 = tpu.memref_slice %arg2[%add3A_50] : memref<16384xi32, #tpu.memory_space<hbm>> -> memref<128xi32, #tpu.memory_space<hbm>>
      tpu.enqueue_dma source(%dma_start3A_64 : memref<128xi32, #tpu.memory_space<hbm>>) target(%arg9 : memref<128xi32, #tpu.memory_space<vmem>>) target_semaphore(%run_scoped3A : memref<!tpu.dma_semaphore, #tpu.memory_space<semaphore_mem>>)
      %dma_wait3A_65 = tpu.memref_slice %arg2[%add3A_50] : memref<16384xi32, #tpu.memory_space<hbm>> -> memref<128xi32, #tpu.memory_space<hbm>>
      %dma_wait3A_66 = tpu.memref_slice %arg2[%add3A_50] : memref<16384xi32, #tpu.memory_space<hbm>> -> memref<128xi32, #tpu.memory_space<hbm>>
      tpu.wait_dma2 semaphore(%run_scoped3A : memref<!tpu.dma_semaphore, #tpu.memory_space<semaphore_mem>>) src(%dma_wait3A_66 : memref<128xi32, #tpu.memory_space<hbm>>) dst(%arg9 : memref<128xi32, #tpu.memory_space<vmem>>)
      tpu.yield
    }) : () -> ()
    "tpu.region"() ({
      %run_scoped3A = tpu.sem_alloc : memref<!tpu.dma_semaphore, #tpu.memory_space<semaphore_mem>>
      %dma_start3A_63 = tpu.memref_slice %arg3[%add3A_50] : memref<16384xi32, #tpu.memory_space<hbm>> -> memref<128xi32, #tpu.memory_space<hbm>>
      %dma_start3A_64 = tpu.memref_slice %arg3[%add3A_50] : memref<16384xi32, #tpu.memory_space<hbm>> -> memref<128xi32, #tpu.memory_space<hbm>>
      tpu.enqueue_dma source(%dma_start3A_64 : memref<128xi32, #tpu.memory_space<hbm>>) target(%arg10 : memref<128xi32, #tpu.memory_space<vmem>>) target_semaphore(%run_scoped3A : memref<!tpu.dma_semaphore, #tpu.memory_space<semaphore_mem>>)
      %dma_wait3A_65 = tpu.memref_slice %arg3[%add3A_50] : memref<16384xi32, #tpu.memory_space<hbm>> -> memref<128xi32, #tpu.memory_space<hbm>>
      %dma_wait3A_66 = tpu.memref_slice %arg3[%add3A_50] : memref<16384xi32, #tpu.memory_space<hbm>> -> memref<128xi32, #tpu.memory_space<hbm>>
      tpu.wait_dma2 semaphore(%run_scoped3A : memref<!tpu.dma_semaphore, #tpu.memory_space<semaphore_mem>>) src(%dma_wait3A_66 : memref<128xi32, #tpu.memory_space<hbm>>) dst(%arg10 : memref<128xi32, #tpu.memory_space<vmem>>)
      tpu.yield
    }) : () -> ()
    %dma_start3A_51 = arith.constant 0 : i32
    %dma_start3A_52 = arith.constant 0 : i32
    %dma_start3A_53 = tpu.memref_slice %arg4[%dma_start3A_51, %dma_start3A_52] : memref<251904x128xf32, #tpu.memory_space<hbm>> -> memref<251904x128xf32, #tpu.memory_space<hbm>>
    tpu.enqueue_indirect_dma source(%dma_start3A_53 : memref<251904x128xf32, #tpu.memory_space<hbm>>) target(%arg11 : memref<128x128xf32, #tpu.memory_space<vmem>>) offsets(%arg9 : memref<128xi32, #tpu.memory_space<vmem>>) semaphore(%arg13 : memref<!tpu.dma_semaphore, #tpu.memory_space<semaphore_mem>>)
    %dma_start3A_54 = arith.constant 0 : i32
    %dma_start3A_55 = arith.constant 0 : i32
    %dma_start3A_56 = tpu.memref_slice %arg5[%dma_start3A_54, %dma_start3A_55] : memref<251904x128xf32, #tpu.memory_space<hbm>> -> memref<251904x128xf32, #tpu.memory_space<hbm>>
    tpu.enqueue_indirect_dma source(%dma_start3A_56 : memref<251904x128xf32, #tpu.memory_space<hbm>>) target(%arg12 : memref<128x128xf32, #tpu.memory_space<vmem>>) offsets(%arg10 : memref<128xi32, #tpu.memory_space<vmem>>) semaphore(%arg14 : memref<!tpu.dma_semaphore, #tpu.memory_space<semaphore_mem>>)
    %dma_wait3A_57 = arith.constant 0 : i32
    %dma_wait3A_58 = arith.constant 0 : i32
    %dma_wait3A_59 = tpu.memref_slice %arg4[%dma_wait3A_57, %dma_wait3A_58] : memref<251904x128xf32, #tpu.memory_space<hbm>> -> memref<251904x128xf32, #tpu.memory_space<hbm>>
    tpu.wait_indirect_dma semaphore(%arg13 : memref<!tpu.dma_semaphore, #tpu.memory_space<semaphore_mem>>) src(%dma_wait3A_59 : memref<251904x128xf32, #tpu.memory_space<hbm>>) dst(%arg11 : memref<128x128xf32, #tpu.memory_space<vmem>>)
    "tpu.region"() ({
      %run_scoped3A = tpu.sem_alloc : memref<!tpu.dma_semaphore, #tpu.memory_space<semaphore_mem>>
      %dma_start3A_63 = arith.constant 0 : i32
      %dma_start3A_64 = tpu.memref_slice %arg7[%add3A_50, %dma_start3A_63] : memref<16384x128xf32, #tpu.memory_space<hbm>> -> memref<128x128xf32, #tpu.memory_space<hbm>>
      %dma_start3A_65 = arith.constant 0 : i32
      %dma_start3A_66 = tpu.memref_slice %arg7[%add3A_50, %dma_start3A_65] : memref<16384x128xf32, #tpu.memory_space<hbm>> -> memref<128x128xf32, #tpu.memory_space<hbm>>
      tpu.enqueue_dma source(%arg11 : memref<128x128xf32, #tpu.memory_space<vmem>>) target(%dma_start3A_66 : memref<128x128xf32, #tpu.memory_space<hbm>>) target_semaphore(%run_scoped3A : memref<!tpu.dma_semaphore, #tpu.memory_space<semaphore_mem>>)
      %dma_wait3A_67 = arith.constant 0 : i32
      %dma_wait3A_68 = tpu.memref_slice %arg7[%add3A_50, %dma_wait3A_67] : memref<16384x128xf32, #tpu.memory_space<hbm>> -> memref<128x128xf32, #tpu.memory_space<hbm>>
      %dma_wait3A_69 = arith.constant 0 : i32
      %dma_wait3A_70 = tpu.memref_slice %arg7[%add3A_50, %dma_wait3A_69] : memref<16384x128xf32, #tpu.memory_space<hbm>> -> memref<128x128xf32, #tpu.memory_space<hbm>>
      tpu.wait_dma2 semaphore(%run_scoped3A : memref<!tpu.dma_semaphore, #tpu.memory_space<semaphore_mem>>) src(%arg11 : memref<128x128xf32, #tpu.memory_space<vmem>>) dst(%dma_wait3A_70 : memref<128x128xf32, #tpu.memory_space<hbm>>)
      tpu.yield
    }) : () -> ()
    %dma_wait3A_60 = arith.constant 0 : i32
    %dma_wait3A_61 = arith.constant 0 : i32
    %dma_wait3A_62 = tpu.memref_slice %arg5[%dma_wait3A_60, %dma_wait3A_61] : memref<251904x128xf32, #tpu.memory_space<hbm>> -> memref<251904x128xf32, #tpu.memory_space<hbm>>
    tpu.wait_indirect_dma semaphore(%arg14 : memref<!tpu.dma_semaphore, #tpu.memory_space<semaphore_mem>>) src(%dma_wait3A_62 : memref<251904x128xf32, #tpu.memory_space<hbm>>) dst(%arg12 : memref<128x128xf32, #tpu.memory_space<vmem>>)
    "tpu.region"() ({
      %run_scoped3A = tpu.sem_alloc : memref<!tpu.dma_semaphore, #tpu.memory_space<semaphore_mem>>
      %dma_start3A_63 = arith.constant 0 : i32
      %dma_start3A_64 = tpu.memref_slice %arg8[%add3A_50, %dma_start3A_63] : memref<16384x128xf32, #tpu.memory_space<hbm>> -> memref<128x128xf32, #tpu.memory_space<hbm>>
      %dma_start3A_65 = arith.constant 0 : i32
      %dma_start3A_66 = tpu.memref_slice %arg8[%add3A_50, %dma_start3A_65] : memref<16384x128xf32, #tpu.memory_space<hbm>> -> memref<128x128xf32, #tpu.memory_space<hbm>>
      tpu.enqueue_dma source(%arg12 : memref<128x128xf32, #tpu.memory_space<vmem>>) target(%dma_start3A_66 : memref<128x128xf32, #tpu.memory_space<hbm>>) target_semaphore(%run_scoped3A : memref<!tpu.dma_semaphore, #tpu.memory_space<semaphore_mem>>)
      %dma_wait3A_67 = arith.constant 0 : i32
      %dma_wait3A_68 = tpu.memref_slice %arg8[%add3A_50, %dma_wait3A_67] : memref<16384x128xf32, #tpu.memory_space<hbm>> -> memref<128x128xf32, #tpu.memory_space<hbm>>
      %dma_wait3A_69 = arith.constant 0 : i32
      %dma_wait3A_70 = tpu.memref_slice %arg8[%add3A_50, %dma_wait3A_69] : memref<16384x128xf32, #tpu.memory_space<hbm>> -> memref<128x128xf32, #tpu.memory_space<hbm>>
      tpu.wait_dma2 semaphore(%run_scoped3A : memref<!tpu.dma_semaphore, #tpu.memory_space<semaphore_mem>>) src(%arg12 : memref<128x128xf32, #tpu.memory_space<vmem>>) dst(%dma_wait3A_70 : memref<128x128xf32, #tpu.memory_space<hbm>>)
      tpu.yield
    }) : () -> ()
    return
  }
}

module attributes {stable_mosaic.version = 14 : i64} {
  func.func @_tc_pack_body(%arg0: i32, %arg1: memref<64x8192xf32, #tpu.memory_space<vmem>>, %arg2: memref<64x8192xf32, #tpu.memory_space<vmem>>, %arg3: memref<1x64xf32, #tpu.memory_space<vmem>>, %arg4: memref<2048x128xf32, #tpu.memory_space<vmem>>, %arg5: memref<2048x128xf32, #tpu.memory_space<vmem>>) attributes {dimension_semantics = [#tpu.dimension_semantics<arbitrary>], iteration_bounds = array<i64: 123>, scalar_prefetch = 0 : i64, scratch_operands = 0 : i64, tpu.core_type = #tpu.core_type<tc>, window_params = [{transform_indices = @transform_0, window_bounds = array<i64: 64, 8192>}, {transform_indices = @transform_1, window_bounds = array<i64: 64, 8192>}, {pipeline_mode = #tpu.pipeline_mode<synchronous>, transform_indices = @transform_2, window_bounds = array<i64: 1, 64>}, {transform_indices = @transform_3, window_bounds = array<i64: 2048, 128>}, {transform_indices = @transform_4, window_bounds = array<i64: 2048, 128>}]} {
    %get3A = arith.constant 0 : index
    %get3A_0 = arith.constant 0 : index
    %get3A_1 = vector.load %arg1[%get3A, %get3A_0] : memref<64x8192xf32, #tpu.memory_space<vmem>>, vector<64x8192xf32>
    %transpose3A = tpu.transpose %get3A_1, [1, 0] : vector<64x8192xf32> -> vector<8192x64xf32>
    %get3A_2 = arith.constant 0 : index
    %get3A_3 = arith.constant 0 : index
    %get3A_4 = vector.load %arg3[%get3A_2, %get3A_3] : memref<1x64xf32, #tpu.memory_space<vmem>>, vector<1x64xf32>
    %mul3A = vector.broadcast %get3A_4 : vector<1x64xf32> to vector<8192x64xf32>
    %mul3A_5 = arith.mulf %transpose3A, %mul3A : vector<8192x64xf32>
    %get3A_6 = arith.constant 0 : index
    %get3A_7 = arith.constant 0 : index
    %get3A_8 = vector.load %arg2[%get3A_6, %get3A_7] : memref<64x8192xf32, #tpu.memory_space<vmem>>, vector<64x8192xf32>
    %transpose3A_9 = tpu.transpose %get3A_8, [1, 0] : vector<64x8192xf32> -> vector<8192x64xf32>
    %slice3A = vector.extract_strided_slice %mul3A_5 {offsets = [0, 0], sizes = [4096, 64], strides = [1, 1]} : vector<8192x64xf32> to vector<4096x64xf32>
    %slice3A_10 = vector.extract_strided_slice %mul3A_5 {offsets = [4096, 0], sizes = [4096, 64], strides = [1, 1]} : vector<8192x64xf32> to vector<4096x64xf32>
    %convert_element_type3A = arith.truncf %slice3A : vector<4096x64xf32> to vector<4096x64xbf16>
    %bitcast_convert_type3A = tpu.bitcast %convert_element_type3A : vector<4096x64xbf16> -> vector<4096x64xi16>
    %convert_element_type3A_11 = arith.truncf %slice3A_10 : vector<4096x64xf32> to vector<4096x64xbf16>
    %bitcast_convert_type3A_12 = tpu.bitcast %convert_element_type3A_11 : vector<4096x64xbf16> -> vector<4096x64xi16>
    %convert_element_type3A_13 = arith.extui %bitcast_convert_type3A : vector<4096x64xi16> to vector<4096x64xi32>
    %convert_element_type3A_14 = arith.extui %bitcast_convert_type3A_12 : vector<4096x64xi16> to vector<4096x64xi32>
    %shift_left3A = arith.constant 16 : i32
    %shift_left3A_15 = vector.broadcast %shift_left3A : i32 to vector<4096x64xi32>
    %shift_left3A_16 = arith.shli %convert_element_type3A_14, %shift_left3A_15 : vector<4096x64xi32>
    %or3A = arith.ori %convert_element_type3A_13, %shift_left3A_16 : vector<4096x64xi32>
    %bitcast_convert_type3A_17 = tpu.bitcast %or3A : vector<4096x64xi32> -> vector<4096x64xf32>
    %slice3A_18 = vector.extract_strided_slice %transpose3A_9 {offsets = [0, 0], sizes = [4096, 64], strides = [1, 1]} : vector<8192x64xf32> to vector<4096x64xf32>
    %slice3A_19 = vector.extract_strided_slice %transpose3A_9 {offsets = [4096, 0], sizes = [4096, 64], strides = [1, 1]} : vector<8192x64xf32> to vector<4096x64xf32>
    %convert_element_type3A_20 = arith.truncf %slice3A_18 : vector<4096x64xf32> to vector<4096x64xbf16>
    %bitcast_convert_type3A_21 = tpu.bitcast %convert_element_type3A_20 : vector<4096x64xbf16> -> vector<4096x64xi16>
    %convert_element_type3A_22 = arith.truncf %slice3A_19 : vector<4096x64xf32> to vector<4096x64xbf16>
    %bitcast_convert_type3A_23 = tpu.bitcast %convert_element_type3A_22 : vector<4096x64xbf16> -> vector<4096x64xi16>
    %convert_element_type3A_24 = arith.extui %bitcast_convert_type3A_21 : vector<4096x64xi16> to vector<4096x64xi32>
    %convert_element_type3A_25 = arith.extui %bitcast_convert_type3A_23 : vector<4096x64xi16> to vector<4096x64xi32>
    %shift_left3A_26 = arith.constant 16 : i32
    %shift_left3A_27 = vector.broadcast %shift_left3A_26 : i32 to vector<4096x64xi32>
    %shift_left3A_28 = arith.shli %convert_element_type3A_25, %shift_left3A_27 : vector<4096x64xi32>
    %or3A_29 = arith.ori %convert_element_type3A_24, %shift_left3A_28 : vector<4096x64xi32>
    %bitcast_convert_type3A_30 = tpu.bitcast %or3A_29 : vector<4096x64xi32> -> vector<4096x64xf32>
    %slice3A_31 = vector.extract_strided_slice %bitcast_convert_type3A_17 {offsets = [0, 0], sizes = [2048, 64], strides = [1, 1]} : vector<4096x64xf32> to vector<2048x64xf32>
    %slice3A_32 = vector.extract_strided_slice %bitcast_convert_type3A_17 {offsets = [2048, 0], sizes = [2048, 64], strides = [1, 1]} : vector<4096x64xf32> to vector<2048x64xf32>
    %concatenate3A = tpu.concatenate %slice3A_31, %slice3A_32 in 1 : vector<2048x64xf32>, vector<2048x64xf32> -> vector<2048x128xf32>
    %swap3A = arith.constant 0 : index
    %swap3A_33 = arith.constant 0 : index
    %swap3A_34 = vector.load %arg4[%swap3A, %swap3A_33] : memref<2048x128xf32, #tpu.memory_space<vmem>>, vector<2048x128xf32>
    tpu.vector_store %arg4[%swap3A, %swap3A_33], %concatenate3A {strides = array<i32>} : memref<2048x128xf32, #tpu.memory_space<vmem>>, vector<2048x128xf32>,
    %slice3A_35 = vector.extract_strided_slice %bitcast_convert_type3A_30 {offsets = [0, 0], sizes = [2048, 64], strides = [1, 1]} : vector<4096x64xf32> to vector<2048x64xf32>
    %slice3A_36 = vector.extract_strided_slice %bitcast_convert_type3A_30 {offsets = [2048, 0], sizes = [2048, 64], strides = [1, 1]} : vector<4096x64xf32> to vector<2048x64xf32>
    %concatenate3A_37 = tpu.concatenate %slice3A_35, %slice3A_36 in 1 : vector<2048x64xf32>, vector<2048x64xf32> -> vector<2048x128xf32>
    %swap3A_38 = arith.constant 0 : index
    %swap3A_39 = arith.constant 0 : index
    %swap3A_40 = vector.load %arg5[%swap3A_38, %swap3A_39] : memref<2048x128xf32, #tpu.memory_space<vmem>>, vector<2048x128xf32>
    tpu.vector_store %arg5[%swap3A_38, %swap3A_39], %concatenate3A_37 {strides = array<i32>} : memref<2048x128xf32, #tpu.memory_space<vmem>>, vector<2048x128xf32>,
    return
  }
  func.func @transform_0(%arg0: i32) -> (i32, i32) {
    %c0_i32 = arith.constant 0 : i32
    %c0_i32_0 = arith.constant 0 : i32
    return %c0_i32, %arg0 : i32, i32
  }
  func.func @transform_1(%arg0: i32) -> (i32, i32) {
    %c0_i32 = arith.constant 0 : i32
    %c0_i32_0 = arith.constant 0 : i32
    return %c0_i32, %arg0 : i32, i32
  }
  func.func @transform_2(%arg0: i32) -> (i32, i32) {
    %c0_i32 = arith.constant 0 : i32
    %c0_i32_0 = arith.constant 0 : i32
    %c0_i32_1 = arith.constant 0 : i32
    return %c0_i32, %c0_i32_0 : i32, i32
  }
  func.func @transform_3(%arg0: i32) -> (i32, i32) {
    %c0_i32 = arith.constant 0 : i32
    %c0_i32_0 = arith.constant 0 : i32
    return %arg0, %c0_i32 : i32, i32
  }
  func.func @transform_4(%arg0: i32) -> (i32, i32) {
    %c0_i32 = arith.constant 0 : i32
    %c0_i32_0 = arith.constant 0 : i32
    return %arg0, %c0_i32 : i32, i32
  }
}

module attributes {stable_mosaic.version = 14 : i64} {
  func.func @_tc_mlp_body(%arg0: i32, %arg1: memref<1024x128xf32, #tpu.memory_space<vmem>>, %arg2: memref<1024x128xf32, #tpu.memory_space<vmem>>, %arg3: memref<1024x1xf32, #tpu.memory_space<vmem>>, %arg4: memref<1024x1xf32, #tpu.memory_space<vmem>>, %arg5: memref<1024x1xf32, #tpu.memory_space<vmem>>, %arg6: memref<1024x1xf32, #tpu.memory_space<vmem>>, %arg7: memref<1024x256xf32, #tpu.memory_space<vmem>>, %arg8: memref<1024x256xf32, #tpu.memory_space<vmem>>, %arg9: memref<256x256xf32, #tpu.memory_space<vmem>>, %arg10: memref<256x256xf32, #tpu.memory_space<vmem>>, %arg11: memref<1x256xf32, #tpu.memory_space<vmem>>, %arg12: memref<256x128xf32, #tpu.memory_space<vmem>>, %arg13: memref<1x128xf32, #tpu.memory_space<vmem>>, %arg14: memref<128x64xf32, #tpu.memory_space<vmem>>, %arg15: memref<1x64xf32, #tpu.memory_space<vmem>>, %arg16: memref<1x64xf32, #tpu.memory_space<vmem>>, %arg17: memref<1x1xf32, #tpu.memory_space<vmem>>, %arg18: memref<1024xf32, #tpu.memory_space<vmem>>) attributes {dimension_semantics = [#tpu.dimension_semantics<arbitrary>], iteration_bounds = array<i64: 16>, scalar_prefetch = 0 : i64, scratch_operands = 0 : i64, tpu.core_type = #tpu.core_type<tc>, window_params = [{transform_indices = @transform_0, window_bounds = array<i64: 1024, 128>}, {transform_indices = @transform_1, window_bounds = array<i64: 1024, 128>}, {transform_indices = @transform_2, window_bounds = array<i64: 1024, 1>}, {transform_indices = @transform_3, window_bounds = array<i64: 1024, 1>}, {transform_indices = @transform_4, window_bounds = array<i64: 1024, 1>}, {transform_indices = @transform_5, window_bounds = array<i64: 1024, 1>}, {transform_indices = @transform_6, window_bounds = array<i64: 1024, 256>}, {transform_indices = @transform_7, window_bounds = array<i64: 1024, 256>}, {pipeline_mode = #tpu.pipeline_mode<synchronous>, transform_indices = @transform_8, window_bounds = array<i64: 256, 256>}, {pipeline_mode = #tpu.pipeline_mode<synchronous>, transform_indices = @transform_9, window_bounds = array<i64: 256, 256>}, {pipeline_mode = #tpu.pipeline_mode<synchronous>, transform_indices = @transform_10, window_bounds = array<i64: 1, 256>}, {pipeline_mode = #tpu.pipeline_mode<synchronous>, transform_indices = @transform_11, window_bounds = array<i64: 256, 128>}, {pipeline_mode = #tpu.pipeline_mode<synchronous>, transform_indices = @transform_12, window_bounds = array<i64: 1, 128>}, {pipeline_mode = #tpu.pipeline_mode<synchronous>, transform_indices = @transform_13, window_bounds = array<i64: 128, 64>}, {pipeline_mode = #tpu.pipeline_mode<synchronous>, transform_indices = @transform_14, window_bounds = array<i64: 1, 64>}, {pipeline_mode = #tpu.pipeline_mode<synchronous>, transform_indices = @transform_15, window_bounds = array<i64: 1, 64>}, {pipeline_mode = #tpu.pipeline_mode<synchronous>, transform_indices = @transform_16, window_bounds = array<i64: 1, 1>}, {transform_indices = @transform_17, window_bounds = array<i64: 1024>}]} {
    %get3A = arith.constant 0 : index
    %get3A_0 = arith.constant 0 : index
    %get3A_1 = vector.load %arg7[%get3A, %get3A_0] : memref<1024x256xf32, #tpu.memory_space<vmem>>, vector<1024x256xf32>
    %get3A_2 = arith.constant 0 : index
    %get3A_3 = arith.constant 0 : index
    %get3A_4 = vector.load %arg9[%get3A_2, %get3A_3] : memref<256x256xf32, #tpu.memory_space<vmem>>, vector<256x256xf32>
    %dot_general3A = arith.constant dense<0.000000e+00> : vector<1024x256xf32>
    %dot_general3A_5 = tpu.matmul %get3A_1, %get3A_4, %dot_general3A {dimension_numbers = #tpu.dot_dimension_numbers<[1], [0], [0], [1], [0, 0, 1, 1], [], []>, transpose_lhs_hint = false} : vector<1024x256xf32>, vector<256x256xf32>, vector<1024x256xf32> -> vector<1024x256xf32>
    %get3A_6 = arith.constant 0 : index
    %get3A_7 = arith.constant 0 : index
    %get3A_8 = vector.load %arg8[%get3A_6, %get3A_7] : memref<1024x256xf32, #tpu.memory_space<vmem>>, vector<1024x256xf32>
    %get3A_9 = arith.constant 0 : index
    %get3A_10 = arith.constant 0 : index
    %get3A_11 = vector.load %arg10[%get3A_9, %get3A_10] : memref<256x256xf32, #tpu.memory_space<vmem>>, vector<256x256xf32>
    %dot_general3A_12 = arith.constant dense<0.000000e+00> : vector<1024x256xf32>
    %dot_general3A_13 = tpu.matmul %get3A_8, %get3A_11, %dot_general3A_12 {dimension_numbers = #tpu.dot_dimension_numbers<[1], [0], [0], [1], [0, 0, 1, 1], [], []>, transpose_lhs_hint = false} : vector<1024x256xf32>, vector<256x256xf32>, vector<1024x256xf32> -> vector<1024x256xf32>
    %add3A = arith.addf %dot_general3A_5, %dot_general3A_13 : vector<1024x256xf32>
    %get3A_14 = arith.constant 0 : index
    %get3A_15 = arith.constant 0 : index
    %get3A_16 = vector.load %arg11[%get3A_14, %get3A_15] : memref<1x256xf32, #tpu.memory_space<vmem>>, vector<1x256xf32>
    %add3A_17 = vector.broadcast %get3A_16 : vector<1x256xf32> to vector<1024x256xf32>
    %add3A_18 = arith.addf %add3A, %add3A_17 : vector<1024x256xf32>
    %max3A = arith.constant 0.000000e+00 : f32
    %max3A_19 = vector.broadcast %max3A : f32 to vector<1024x256xf32>
    %max3A_20 = arith.maximumf %add3A_18, %max3A_19 : vector<1024x256xf32>
    %get3A_21 = arith.constant 0 : index
    %get3A_22 = arith.constant 0 : index
    %get3A_23 = vector.load %arg12[%get3A_21, %get3A_22] : memref<256x128xf32, #tpu.memory_space<vmem>>, vector<256x128xf32>
    %dot_general3A_24 = arith.constant dense<0.000000e+00> : vector<1024x128xf32>
    %dot_general3A_25 = tpu.matmul %max3A_20, %get3A_23, %dot_general3A_24 {dimension_numbers = #tpu.dot_dimension_numbers<[1], [0], [0], [1], [0, 0, 1, 1], [], []>, transpose_lhs_hint = false} : vector<1024x256xf32>, vector<256x128xf32>, vector<1024x128xf32> -> vector<1024x128xf32>
    %get3A_26 = arith.constant 0 : index
    %get3A_27 = arith.constant 0 : index
    %get3A_28 = vector.load %arg13[%get3A_26, %get3A_27] : memref<1x128xf32, #tpu.memory_space<vmem>>, vector<1x128xf32>
    %add3A_29 = vector.broadcast %get3A_28 : vector<1x128xf32> to vector<1024x128xf32>
    %add3A_30 = arith.addf %dot_general3A_25, %add3A_29 : vector<1024x128xf32>
    %max3A_31 = arith.constant 0.000000e+00 : f32
    %max3A_32 = vector.broadcast %max3A_31 : f32 to vector<1024x128xf32>
    %max3A_33 = arith.maximumf %add3A_30, %max3A_32 : vector<1024x128xf32>
    %get3A_34 = arith.constant 0 : index
    %get3A_35 = arith.constant 0 : index
    %get3A_36 = vector.load %arg14[%get3A_34, %get3A_35] : memref<128x64xf32, #tpu.memory_space<vmem>>, vector<128x64xf32>
    %dot_general3A_37 = arith.constant dense<0.000000e+00> : vector<1024x64xf32>
    %dot_general3A_38 = tpu.matmul %max3A_33, %get3A_36, %dot_general3A_37 {dimension_numbers = #tpu.dot_dimension_numbers<[1], [0], [0], [1], [0, 0, 1, 1], [], []>, transpose_lhs_hint = false} : vector<1024x128xf32>, vector<128x64xf32>, vector<1024x64xf32> -> vector<1024x64xf32>
    %get3A_39 = arith.constant 0 : index
    %get3A_40 = arith.constant 0 : index
    %get3A_41 = vector.load %arg15[%get3A_39, %get3A_40] : memref<1x64xf32, #tpu.memory_space<vmem>>, vector<1x64xf32>
    %add3A_42 = vector.broadcast %get3A_41 : vector<1x64xf32> to vector<1024x64xf32>
    %add3A_43 = arith.addf %dot_general3A_38, %add3A_42 : vector<1024x64xf32>
    %max3A_44 = arith.constant 0.000000e+00 : f32
    %max3A_45 = vector.broadcast %max3A_44 : f32 to vector<1024x64xf32>
    %max3A_46 = arith.maximumf %add3A_43, %max3A_45 : vector<1024x64xf32>
    %get3A_47 = arith.constant 0 : index
    %get3A_48 = arith.constant 0 : index
    %get3A_49 = vector.load %arg1[%get3A_47, %get3A_48] : memref<1024x128xf32, #tpu.memory_space<vmem>>, vector<1024x128xf32>
    %get3A_50 = arith.constant 0 : index
    %get3A_51 = arith.constant 0 : index
    %get3A_52 = vector.load %arg2[%get3A_50, %get3A_51] : memref<1024x128xf32, #tpu.memory_space<vmem>>, vector<1024x128xf32>
    %get3A_53 = arith.constant 0 : index
    %get3A_54 = arith.constant 0 : index
    %get3A_55 = vector.load %arg3[%get3A_53, %get3A_54] : memref<1024x1xf32, #tpu.memory_space<vmem>>, vector<1024x1xf32>
    %gt3A = arith.constant 5.000000e-01 : f32
    %gt3A_56 = vector.broadcast %gt3A : f32 to vector<1024x1xf32>
    %gt3A_57 = arith.cmpf ogt, %get3A_55, %gt3A_56 : vector<1024x1xf32>
    %slice3A = vector.extract_strided_slice %get3A_49 {offsets = [0, 64], sizes = [1024, 64], strides = [1, 1]} : vector<1024x128xf32> to vector<1024x64xf32>
    %slice3A_58 = vector.extract_strided_slice %get3A_49 {offsets = [0, 0], sizes = [1024, 64], strides = [1, 1]} : vector<1024x128xf32> to vector<1024x64xf32>
    %broadcast_in_dim3A = vector.shape_cast %gt3A_57 : vector<1024x1xi1> to vector<1024x1xi1>
    %broadcast_in_dim3A_59 = vector.broadcast %broadcast_in_dim3A : vector<1024x1xi1> to vector<1024x64xi1>
    %select_n3A = arith.select %broadcast_in_dim3A_59, %slice3A, %slice3A_58 : vector<1024x64xi1>, vector<1024x64xf32>
    %get3A_60 = arith.constant 0 : index
    %get3A_61 = arith.constant 0 : index
    %get3A_62 = vector.load %arg5[%get3A_60, %get3A_61] : memref<1024x1xf32, #tpu.memory_space<vmem>>, vector<1024x1xf32>
    %gt3A_63 = arith.constant 5.000000e-01 : f32
    %gt3A_64 = vector.broadcast %gt3A_63 : f32 to vector<1024x1xf32>
    %gt3A_65 = arith.cmpf ogt, %get3A_62, %gt3A_64 : vector<1024x1xf32>
    %slice3A_66 = vector.extract_strided_slice %get3A_52 {offsets = [0, 64], sizes = [1024, 64], strides = [1, 1]} : vector<1024x128xf32> to vector<1024x64xf32>
    %slice3A_67 = vector.extract_strided_slice %get3A_52 {offsets = [0, 0], sizes = [1024, 64], strides = [1, 1]} : vector<1024x128xf32> to vector<1024x64xf32>
    %broadcast_in_dim3A_68 = vector.shape_cast %gt3A_65 : vector<1024x1xi1> to vector<1024x1xi1>
    %broadcast_in_dim3A_69 = vector.broadcast %broadcast_in_dim3A_68 : vector<1024x1xi1> to vector<1024x64xi1>
    %select_n3A_70 = arith.select %broadcast_in_dim3A_69, %slice3A_66, %slice3A_67 : vector<1024x64xi1>, vector<1024x64xf32>
    %get3A_71 = arith.constant 0 : index
    %get3A_72 = arith.constant 0 : index
    %get3A_73 = vector.load %arg4[%get3A_71, %get3A_72] : memref<1024x1xf32, #tpu.memory_space<vmem>>, vector<1024x1xf32>
    %bitcast_convert_type3A = tpu.bitcast %select_n3A : vector<1024x64xf32> -> vector<1024x64xi32>
    %and3A = arith.constant 65535 : i32
    %and3A_74 = vector.broadcast %and3A : i32 to vector<1024x64xi32>
    %and3A_75 = arith.andi %bitcast_convert_type3A, %and3A_74 : vector<1024x64xi32>
    %shift_right_logical3A = arith.constant 16 : i32
    %shift_right_logical3A_76 = vector.broadcast %shift_right_logical3A : i32 to vector<1024x64xi32>
    %shift_right_logical3A_77 = arith.shrui %bitcast_convert_type3A, %shift_right_logical3A_76 : vector<1024x64xi32>
    %gt3A_78 = arith.constant 5.000000e-01 : f32
    %gt3A_79 = vector.broadcast %gt3A_78 : f32 to vector<1024x1xf32>
    %gt3A_80 = arith.cmpf ogt, %get3A_73, %gt3A_79 : vector<1024x1xf32>
    %broadcast_in_dim3A_81 = vector.shape_cast %gt3A_80 : vector<1024x1xi1> to vector<1024x1xi1>
    %broadcast_in_dim3A_82 = vector.broadcast %broadcast_in_dim3A_81 : vector<1024x1xi1> to vector<1024x64xi1>
    %select_n3A_83 = arith.select %broadcast_in_dim3A_82, %shift_right_logical3A_77, %and3A_75 : vector<1024x64xi1>, vector<1024x64xi32>
    %convert_element_type3A = arith.trunci %select_n3A_83 : vector<1024x64xi32> to vector<1024x64xi16>
    %bitcast_convert_type3A_84 = tpu.bitcast %convert_element_type3A : vector<1024x64xi16> -> vector<1024x64xbf16>
    %convert_element_type3A_85 = arith.extf %bitcast_convert_type3A_84 : vector<1024x64xbf16> to vector<1024x64xf32>
    %get3A_86 = arith.constant 0 : index
    %get3A_87 = arith.constant 0 : index
    %get3A_88 = vector.load %arg6[%get3A_86, %get3A_87] : memref<1024x1xf32, #tpu.memory_space<vmem>>, vector<1024x1xf32>
    %bitcast_convert_type3A_89 = tpu.bitcast %select_n3A_70 : vector<1024x64xf32> -> vector<1024x64xi32>
    %and3A_90 = arith.constant 65535 : i32
    %and3A_91 = vector.broadcast %and3A_90 : i32 to vector<1024x64xi32>
    %and3A_92 = arith.andi %bitcast_convert_type3A_89, %and3A_91 : vector<1024x64xi32>
    %shift_right_logical3A_93 = arith.constant 16 : i32
    %shift_right_logical3A_94 = vector.broadcast %shift_right_logical3A_93 : i32 to vector<1024x64xi32>
    %shift_right_logical3A_95 = arith.shrui %bitcast_convert_type3A_89, %shift_right_logical3A_94 : vector<1024x64xi32>
    %gt3A_96 = arith.constant 5.000000e-01 : f32
    %gt3A_97 = vector.broadcast %gt3A_96 : f32 to vector<1024x1xf32>
    %gt3A_98 = arith.cmpf ogt, %get3A_88, %gt3A_97 : vector<1024x1xf32>
    %broadcast_in_dim3A_99 = vector.shape_cast %gt3A_98 : vector<1024x1xi1> to vector<1024x1xi1>
    %broadcast_in_dim3A_100 = vector.broadcast %broadcast_in_dim3A_99 : vector<1024x1xi1> to vector<1024x64xi1>
    %select_n3A_101 = arith.select %broadcast_in_dim3A_100, %shift_right_logical3A_95, %and3A_92 : vector<1024x64xi1>, vector<1024x64xi32>
    %convert_element_type3A_102 = arith.trunci %select_n3A_101 : vector<1024x64xi32> to vector<1024x64xi16>
    %bitcast_convert_type3A_103 = tpu.bitcast %convert_element_type3A_102 : vector<1024x64xi16> -> vector<1024x64xbf16>
    %convert_element_type3A_104 = arith.extf %bitcast_convert_type3A_103 : vector<1024x64xbf16> to vector<1024x64xf32>
    %mul3A = arith.mulf %convert_element_type3A_85, %convert_element_type3A_104 : vector<1024x64xf32>
    %reduce_sum3A = arith.constant dense<0.000000e+00> : vector<1024xf32>
    %reduce_sum3A_105 = vector.multi_reduction <add>, %mul3A, %reduce_sum3A [1] : vector<1024x64xf32> to vector<1024xf32>
    %get3A_106 = arith.constant 0 : index
    %get3A_107 = arith.constant 0 : index
    %get3A_108 = vector.load %arg16[%get3A_106, %get3A_107] : memref<1x64xf32, #tpu.memory_space<vmem>>, vector<1x64xf32>
    %mul3A_109 = vector.broadcast %get3A_108 : vector<1x64xf32> to vector<1024x64xf32>
    %mul3A_110 = arith.mulf %max3A_46, %mul3A_109 : vector<1024x64xf32>
    %reduce_sum3A_111 = arith.constant dense<0.000000e+00> : vector<1024xf32>
    %reduce_sum3A_112 = vector.multi_reduction <add>, %mul3A_110, %reduce_sum3A_111 [1] : vector<1024x64xf32> to vector<1024xf32>
    %add3A_113 = arith.addf %reduce_sum3A_105, %reduce_sum3A_112 : vector<1024xf32>
    %get3A_114 = arith.constant 0 : index
    %get3A_115 = arith.constant 0 : index
    %get3A_116 = vector.load %arg17[%get3A_114, %get3A_115] : memref<1x1xf32, #tpu.memory_space<vmem>>, vector<1x1xf32>
    %get3A_117 = vector.extract %get3A_116[0, 0] : f32 from vector<1x1xf32>
    %add3A_118 = vector.broadcast %get3A_117 : f32 to vector<1024xf32>
    %add3A_119 = arith.addf %add3A_113, %add3A_118 : vector<1024xf32>
    %swap3A = arith.constant 0 : index
    %swap3A_120 = vector.load %arg18[%swap3A] : memref<1024xf32, #tpu.memory_space<vmem>>, vector<1024xf32>
    tpu.vector_store %arg18[%swap3A], %add3A_119 {strides = array<i32>} : memref<1024xf32, #tpu.memory_space<vmem>>, vector<1024xf32>,
    return
  }
  func.func @transform_0(%arg0: i32) -> (i32, i32) {
    %c0_i32 = arith.constant 0 : i32
    %c0_i32_0 = arith.constant 0 : i32
    return %arg0, %c0_i32 : i32, i32
  }
  func.func @transform_1(%arg0: i32) -> (i32, i32) {
    %c0_i32 = arith.constant 0 : i32
    %c0_i32_0 = arith.constant 0 : i32
    return %arg0, %c0_i32 : i32, i32
  }
  func.func @transform_2(%arg0: i32) -> (i32, i32) {
    %c0_i32 = arith.constant 0 : i32
    %c0_i32_0 = arith.constant 0 : i32
    return %arg0, %c0_i32 : i32, i32
  }
  func.func @transform_3(%arg0: i32) -> (i32, i32) {
    %c0_i32 = arith.constant 0 : i32
    %c0_i32_0 = arith.constant 0 : i32
    return %arg0, %c0_i32 : i32, i32
  }
  func.func @transform_4(%arg0: i32) -> (i32, i32) {
    %c0_i32 = arith.constant 0 : i32
    %c0_i32_0 = arith.constant 0 : i32
    return %arg0, %c0_i32 : i32, i32
  }
  func.func @transform_5(%arg0: i32) -> (i32, i32) {
    %c0_i32 = arith.constant 0 : i32
    %c0_i32_0 = arith.constant 0 : i32
    return %arg0, %c0_i32 : i32, i32
  }
  func.func @transform_6(%arg0: i32) -> (i32, i32) {
    %c0_i32 = arith.constant 0 : i32
    %c0_i32_0 = arith.constant 0 : i32
    return %arg0, %c0_i32 : i32, i32
  }
  func.func @transform_7(%arg0: i32) -> (i32, i32) {
    %c0_i32 = arith.constant 0 : i32
    %c0_i32_0 = arith.constant 0 : i32
    return %arg0, %c0_i32 : i32, i32
  }
  func.func @transform_8(%arg0: i32) -> (i32, i32) {
    %c0_i32 = arith.constant 0 : i32
    %c0_i32_0 = arith.constant 0 : i32
    %c0_i32_1 = arith.constant 0 : i32
    return %c0_i32, %c0_i32_0 : i32, i32
  }
  func.func @transform_9(%arg0: i32) -> (i32, i32) {
    %c0_i32 = arith.constant 0 : i32
    %c0_i32_0 = arith.constant 0 : i32
    %c0_i32_1 = arith.constant 0 : i32
    return %c0_i32, %c0_i32_0 : i32, i32
  }
  func.func @transform_10(%arg0: i32) -> (i32, i32) {
    %c0_i32 = arith.constant 0 : i32
    %c0_i32_0 = arith.constant 0 : i32
    %c0_i32_1 = arith.constant 0 : i32
    return %c0_i32, %c0_i32_0 : i32, i32
  }
  func.func @transform_11(%arg0: i32) -> (i32, i32) {
    %c0_i32 = arith.constant 0 : i32
    %c0_i32_0 = arith.constant 0 : i32
    %c0_i32_1 = arith.constant 0 : i32
    return %c0_i32, %c0_i32_0 : i32, i32
  }
  func.func @transform_12(%arg0: i32) -> (i32, i32) {
    %c0_i32 = arith.constant 0 : i32
    %c0_i32_0 = arith.constant 0 : i32
    %c0_i32_1 = arith.constant 0 : i32
    return %c0_i32, %c0_i32_0 : i32, i32
  }
  func.func @transform_13(%arg0: i32) -> (i32, i32) {
    %c0_i32 = arith.constant 0 : i32
    %c0_i32_0 = arith.constant 0 : i32
    %c0_i32_1 = arith.constant 0 : i32
    return %c0_i32, %c0_i32_0 : i32, i32
  }
  func.func @transform_14(%arg0: i32) -> (i32, i32) {
    %c0_i32 = arith.constant 0 : i32
    %c0_i32_0 = arith.constant 0 : i32
    %c0_i32_1 = arith.constant 0 : i32
    return %c0_i32, %c0_i32_0 : i32, i32
  }
  func.func @transform_15(%arg0: i32) -> (i32, i32) {
    %c0_i32 = arith.constant 0 : i32
    %c0_i32_0 = arith.constant 0 : i32
    %c0_i32_1 = arith.constant 0 : i32
    return %c0_i32, %c0_i32_0 : i32, i32
  }
  func.func @transform_16(%arg0: i32) -> (i32, i32) {
    %c0_i32 = arith.constant 0 : i32
    %c0_i32_0 = arith.constant 0 : i32
    %c0_i32_1 = arith.constant 0 : i32
    return %c0_i32, %c0_i32_0 : i32, i32
  }
  func.func @transform_17(%arg0: i32) -> i32 {
    %c0_i32 = arith.constant 0 : i32
    return %arg0 : i32
  }
}

</mosaic_0001>

<sc_bundles>
// kernel: kernel.6.cloned.1.call-start
scs
__scs_entry_jumppad:
0x0: {  	(pc) =	sbr.rel $0x88, $3  }
0x1: {  	(tag) =	ssettag $0x0;
	lr =	simm.s32 $0x1  }
0x2: {  	[smem:$0x3F93] =	sst lr;
	_ =	strace $0xD0000000  }
0x3: {  	_ = 	snop  }
0x4: {  	_ = 	snop  }
0x5: {  	_ = 	snop  }
0x6: {  	_ = 	snop  }
0x7: {  	_ = 	snop  }
__scs_overlays_trampoline_lowered:
0x8: {  	[smem:$0x3FA2] =	sst s0  }
0x9: {  	[smem:$0x3FA3] =	sst s1  }
0xa: {  	[smem:$0x3FA4] =	sst s2  }
0xb: {  	[smem:$0x3FA5] =	sst s3  }
0xc: {  	[smem:$0x3FA6] =	sst s4  }
0xd: {  	[smem:$0x3FA7] =	sst s5  }
0xe: {  	[smem:$0x3FA8] =	sst s6  }
0xf: {  	[smem:$0x3FA9] =	sst s7  }
0x10: {  	[smem:$0x3FAA] =	sst s8  }
0x11: {  	[smem:$0x3FAB] =	sst s9;
	s0 =	simm.s32 @!p0 $0x0  }
0x12: {  	s1 =	sld [smem:$0x3F91];
	s0 =	simm.s32 @p0 $0x1  }
0x13: {  	[smem:$0x3FAC] =	sst s0;
	s0 =	simm.s32 @!p1 $0x0  }
0x14: {  	s2 =	sld [smem:$0x3F90];
	s0 =	simm.s32 @p1 $0x1  }
0x15: {  	[smem:$0x3FAD] =	sst s0;
	s0 =	simm.s32 @!p2 $0x0  }
0x16: {  	s3 =	sld [smem:$0x3FDB];
	s0 =	simm.s32 @p2 $0x1  }
0x17: {  	s4 =	simm.s32 $0x1BF5;
	[smem:$0x3FAF] =	sst s0  }
0x18: {  	s0 =	sld [smem:$0x3F92];
	_ =	swait.ge [sflag:s4], $0x0  }
0x19: {  	s7 =	sld [smem:$0x3F93]  }
0x1a: {  	s8 =	sadd.s32 $0xFFFFE003, lr  }
0x1b: {  	s9 =	sadd.s32 $0xFFFFFEF7, lr;
	s5 =	simm.s32 $0xFFFFFFFF;
	p2 =	slt.u32 s8, $0xFFFFF086  }
0x1c: {  	p1 =	slt.u32 s9, $0xF7A;
	s5 =	simm.s32 @!p2 $0x0  }
0x1d: {  	s5 =	simm.s32 @p1 $0x1;
	p0 =	seq.s32 s7, s2  }
0x1e: {  	s7 =	smul.u32 @!p0 $0xF7A, s2;
	p2 =	seq.s32 @!p0 s5, $0x0  }
0x1f: {  	s9 =	smul.u32 $0xF7A, s1;
	s8 =	simm.s32 @!p0 $0x1BF5;
	p2 =	por !p2, p0  }
0x20: {  	[sflag:s8] =	ssyncset.s32 @!p0 $0xFFFFF086;
	s6 =	sadd.s32 @!p0 s3, s7;
	s7 =	simm.s32 @!p0 $0x108  }
0x21: {  	s3 =	sadd.s32 s3, s9;
	s6 =	sadd.s32 @!p0 $0x88, s6;
	s7 =	simm.s32 @p2 $0x1082  }
0x22: {  	[simem:s7], [sflag:s8] =	dma.local @!p0 [hbm:s6], $0xF7A  }
0x23: {  	s9 =	sor.u32 $0xD0000000, s2;
	s6 =	simm.s32 $0x108;
	_ =	swait.ge @!p0 [sflag:s8], $0x0  }
0x24: {  	s3 =	sadd.s32 $0x88, s3;
	s6 =	simm.s32 @!p1 $0x1082;
	[sflag:s4] =	ssyncset.s32 $0xFFFFF086  }
0x25: {  	[simem:s6], [sflag:s4] =	dma.local [hbm:s3], $0xF7A  }
0x26: {  	[smem:$0x3F93] =	sst s1;
	(tag) =	ssettag s2;
	_ =	strace s9  }
0x27: {  	s1 =	sld [smem:$0x3FA3]  }
0x28: {  	s2 =	sld [smem:$0x3FA4]  }
0x29: {  	s4 =	sld [smem:$0x3FA6]  }
0x2a: {  	p0 =	seq.s32 s5, $0x0;
	s5 =	sld [smem:$0x3FA7]  }
0x2b: {  	s6 =	sld [smem:$0x3FA8]  }
0x2c: {  	s7 =	sld [smem:$0x3FA9]  }
0x2d: {  	s3 =	simm.s32 $0x108;
	s8 =	sld [smem:$0x3FAA]  }
0x2e: {  	s3 =	simm.s32 @!p0 $0x1082;
	s9 =	sld [smem:$0x3FAB]  }
0x2f: {  	lr =	sadd.s32 s0, s3;
	s0 =	sld [smem:$0x3FA2]  }
0x30: {  	s3 =	sld [smem:$0x3FA5]  }
0x31: {  	[smem:$0x3FAE] =	sst s10  }
0x32: {  	s10 =	sld [smem:$0x3FAC];
	_ =	sdelay $0x3  }
0x33: {  	p0 =	seq.s32 s10, $0x1;
	s10 =	sld [smem:$0x3FAE];
	_ =	sdelay $0x3  }
0x34: {  	[smem:$0x3FAE] =	sst s10  }
0x35: {  	s10 =	sld [smem:$0x3FAD];
	_ =	sdelay $0x3  }
0x36: {  	p1 =	seq.s32 s10, $0x1;
	s10 =	sld [smem:$0x3FAE];
	_ =	sdelay $0x3  }
0x37: {  	[smem:$0x3FAE] =	sst s10  }
0x38: {  	s10 =	sld [smem:$0x3FAF]  }
0x39: {  	_ = 	snop;
	(pc) =	sbr.ind lr, $3  }
0x3a: {  	_ = 	snop  }
0x3b: {  	_ = 	snop  }
0x3c: {  	p2 =	seq.s32 s10, $0x1;
	s10 =	sld [smem:$0x3FAE]  }
0x3d: {  	_ =	shalt  }
0x3e: {  	_ =	shalt  }
0x3f: {  	_ =	shalt  }
0x40: {  	_ =	shalt  }
0x41: {  	_ =	shalt  }
0x42: {  	_ =	shalt  }
0x43: {  	_ =	shalt  }
0x44: {  	_ =	shalt  }
0x45: {  	_ =	shalt  }
0x46: {  	_ =	shalt  }
0x47: {  	_ =	shalt  }
0x48: {  	_ =	shalt  }
0x49: {  	_ =	shalt  }
0x4a: {  	_ =	shalt  }
0x4b: {  	_ =	shalt  }
0x4c: {  	_ =	shalt  }
0x4d: {  	_ =	shalt  }
0x4e: {  	_ =	shalt  }
0x4f: {  	_ =	shalt  }
0x50: {  	_ =	shalt  }
0x51: {  	_ =	shalt  }
0x52: {  	_ =	shalt  }
0x53: {  	_ =	shalt  }
0x54: {  	_ =	shalt  }
0x55: {  	_ =	shalt  }
0x56: {  	_ =	shalt  }
0x57: {  	_ =	shalt  }
0x58: {  	_ =	shalt  }
0x59: {  	_ =	shalt  }
0x5a: {  	_ =	shalt  }
0x5b: {  	_ =	shalt  }
0x5c: {  	_ =	shalt  }
0x5d: {  	_ =	shalt  }
0x5e: {  	_ =	shalt  }
0x5f: {  	_ =	shalt  }
0x60: {  	_ =	shalt  }
0x61: {  	_ =	shalt  }
0x62: {  	_ =	shalt  }
0x63: {  	_ =	shalt  }
0x64: {  	_ =	shalt  }
0x65: {  	_ =	shalt  }
0x66: {  	_ =	shalt  }
0x67: {  	_ =	shalt  }
0x68: {  	_ =	shalt  }
0x69: {  	_ =	shalt  }
0x6a: {  	_ =	shalt  }
0x6b: {  	_ =	shalt  }
0x6c: {  	_ =	shalt  }
0x6d: {  	_ =	shalt  }
0x6e: {  	_ =	shalt  }
0x6f: {  	_ =	shalt  }
0x70: {  	_ =	shalt  }
0x71: {  	_ =	shalt  }
0x72: {  	_ =	shalt  }
0x73: {  	_ =	shalt  }
0x74: {  	_ =	shalt  }
0x75: {  	_ =	shalt  }
0x76: {  	_ =	shalt  }
0x77: {  	_ =	shalt  }
0x78: {  	_ =	shalt  }
0x79: {  	_ =	shalt  }
0x7a: {  	_ =	shalt  }
0x7b: {  	_ =	shalt  }
0x7c: {  	_ =	shalt  }
0x7d: {  	_ =	shalt  }
0x7e: {  	_ =	shalt  }
0x7f: {  	_ =	shalt  }
0x80: {  	_ =	shalt  }
0x81: {  	_ =	shalt  }
0x82: {  	_ =	shalt  }
0x83: {  	_ =	shalt  }
0x84: {  	_ =	shalt  }
0x85: {  	_ =	shalt  }
0x86: {  	_ =	shalt  }
0x87: {  	_ =	shalt  }
.Lfunc_end0:
.L_simem_size_0:
called_computation_lowered:
.L_overlay_start_0:
0x88: {  	s2 =	sld [smem:$0x3FD9]  }
0x89: {  	s3 =	sld [smem:$0x3FFE];
	_ =	sdelay $0x1  }
0x8a: {  	s1 =	srdreg.scid  }
0x8b: {  	s0 =	sand.u32 $0x1, s1  }
0x8c: {  	s17 =	sshll.u32 s0, $0xA;
	s2 =	sadd.s32 s3, s2  }
0x8d: {  	s2 =	sadd.s32 s2, s17  }
0x8e: {  	[smem:$0x3FBA] =	sst s2  }
0x8f: {  	_ = 	snop  }
0x90: {  	s2 =	sld [smem:$0x3FC9]  }
0x91: {  	s18 =	sld [smem:$0x3FC8]  }
0x92: {  	s4 =	sld [smem:$0x3FC5]  }
0x93: {  	s5 =	sld [smem:$0x3FC4];
	(tm) =	ssettm $0x1  }
0x94: {  	s6 =	sld [smem:$0x3FFB];
	_ =	sdelay $0x3  }
0x95: {  	_ =	strace s6  }
0x96: {  	s6 =	sld [smem:$0x3FFC];
	_ =	sdelay $0x3  }
0x97: {  	_ =	strace s6  }
0x98: {  	s6 =	sld [smem:$0x3FFD];
	_ =	sdelay $0x3  }
0x99: {  	_ =	strace s6  }
0x9a: {  	_ =	strace $0x8FFFFFFF  }
0x9b: {  	s19 =	sld [smem:$0x3FDB];
	_ =	sdelay $0x1  }
0x9c: {  	s7 =	simm.s32 $_scs_section_size  }
0x9d: {  	s8 =	simm.s32 $_size__tile_overlayer_lowered;
	s9 =	simm.s32 $_tile_overlayer_lowered  }
0x9e: {  	s22 =	simm.s32 $0x1BFF;
	s21 =	sshll.u32 s9, $0x1;
	s6 =	sadd.s32 s7, s19  }
0x9f: {  	s10 =	simm.s32 $0x0;
	s20 =	sshll.u32 s8, $0x1;
	s8 =	sadd.s32 s21, s6  }
0xa0: {  	[timem:s10], [sflag:s22] =	dma.local [hbm:s8], s20  }
0xa1: {  	_ =	swait.ge [sflag:s22], s20  }
0xa2: {  	s7 =	ssub.s32 $0x0, s20;
	[sflag:s22] =	ssyncset.done $0x0  }
0xa3: {  	[sflag:s22] =	ssyncadd.s32 s7;
	_ =	sdelay $0x1  }
0xa4: {  	s23 =	simm.s32 $0x1B8B  }
0xa5: {  	_ =	swait.ge [sflag:s23], $0x1  }
0xa6: {  	[sflag:s23] =	ssyncset.done $0x0  }
0xa7: {  	s25 =	simm.s32 $0x1B8E;
	s24 =	sld [smem:$0x3FFE];
	[sflag:s23] =	ssyncadd.s32 $0xFFFFFFFF  }
0xa8: {  	s26 =	simm.s32 $execute0_lowered;
	[smem:$0x3FD2] =	sst s25  }
0xa9: {  	s8 =	sshll.u32 s26, $0x1;
	_ =	strace $0x80000046;
	[dreg:$0x1] =	wrdreg $0xFFFFFFFF  }
0xaa: {  	s28 =	simm.s32 $_size_execute0_lowered;
	s6 =	sadd.s32 s6, s8;
	[dreg:$0x0] =	wrdreg $0x0  }
0xab: {  	s8 =	sshll.u32 s28, $0x1;
	[dreg:$0x2] =	wrdreg s6  }
0xac: {  	[dreg:$0x3] =	wrdreg s8  }
0xad: {  	[dreg:$0x4] =	wrdreg $0xC0  }
0xae: {  	_ =	task [dreg:s10], $0x5FFFF  }
0xaf: {  	[dreg:$0x1] =	wrdreg $0xFFFFFFFF  }
0xb0: {  	[dreg:$0x0] =	wrdreg $0x60  }
0xb1: {  	[dreg:$0x2] =	wrdreg s2  }
0xb2: {  	[dreg:$0x3] =	wrdreg s18  }
0xb3: {  	[dreg:$0x4] =	wrdreg s4  }
0xb4: {  	[dreg:$0x5] =	wrdreg s5  }
0xb5: {  	[dreg:$0x6] =	wrdreg s24  }
0xb6: {  	[dreg:$0x7] =	wrdreg $0x9  }
0xb7: {  	_ =	task.clear_ibuf [dreg:s10], $0x8FFFF;
	_ =	strace $0x90000046  }
0xb8: {  	s29 =	simm.s32 $0x9;
	_ =	strace $0x80000048  }
0xb9: {  	_ =	swait.ge [sflag:s29], $0x1  }
0xba: {  	[sflag:s29] =	ssyncadd.s32 $0xFFFFFFFF  }
0xbb: {  	_ =	strace $0x90000048  }
0xbc: {  	_ =	sfence  }
0xbd: {  	s30 =	sld [smem:$0x0];
	_ =	sdelay $0x2  }
0xbe: {  	s31 =	sshll.u32 s1, $0xD;
	s1 =	sshrl.u32 s1, $0x2  }
0xbf: {  	s3 =	sand.u32 $0x4000, s31;
	s1 =	sadd.s32 s1, s30  }
0xc0: {  	s0 =	sor.u32 s3, s0;
	s1 =	sshll.u32 s1, $0x11  }
0xc1: {  	s0 =	sor.u32 s1, s0  }
0xc2: {  	s0 =	sadd.s32 $0x8F2B, s0  }
0xc3: {  	[sflag:s0] =	ssyncadd.remote.s32 $0x1  }
0xc4: {  	_ =	sfence.sel $0xFFFF  }
0xc5: {  	[dreg:$0x0] =	wrdreg $0xFFFFFFFF;
	(pc) =	sbr.abs _section_cstart, $3  }
0xc6: {  	[dreg:$0x1] =	wrdreg $0xFFFFFFFF  }
0xc7: {  	_ =	task.clear_ibuf [dreg:s10], $0x2FFFF;
	_ =	strace $0x9FFFFFFF  }
0xc8: {  	(tm) =	ssettm $0x7FFFFFFF  }
0xc9: {  	_ =	shalt  }
tec
execute0_lowered:
.L_overlay_start_1:
0x0: {  	(tag) =	ssettag $0x1  }
0x1: {  	s0 =	rddreg [dreg:$0x0]  }
0x2: {  	s2 =	rddreg [dreg:$0x1]  }
0x3: {  	s1 =	rddreg [dreg:$0x2]  }
0x4: {  	s3 =	rddreg [dreg:$0x3];
	s4 =	srdreg.scid  }
0x5: {  	s5 =	rddreg [dreg:$0x4];
	s7 =	stileid.u32;
	s6 =	sand.u32 $0x1, s4  }
0x6: {  	s4 =	simm.s32 $0x0;
	s7 =	sshll.u32 s7, $0xA;
	s8 =	sshll.u32 s6, $0x9  }
0x7: {  	s9 =	sadd.s32 $0x3800, s5;
	s5 =	sadd.s32 $0x83800, s5;
	s7 =	sor.u32 s8, s7  }
0x8: {  	[smem:$0x7FF] =	sst s4;
	s6 =	ssub.s32 $0x2, s6;
	s8 =	sshrl.u32 s7, $0x3  }
0x9: {  	_ =	strace $0x80000047;
	s29 =	sshrl.u32 s6, $0x1;
	s10 =	sadd.s32 s0, s8  }
0xa: {  	s30 =	sshll.u32 s7, $0x5;
	s8 =	sadd.s32 s2, s8;
	[dreg:$0x6] =	wrdreg s10  }
0xb: {  	s11 =	sor.u32 $0x80, s7;
	s31 =	sadd.s32 s9, s30;
	[dreg:$0x7] =	wrdreg s8  }
0xc: {  	s12 =	sshrl.u32 s11, $0x3;
	[dreg:$0x8] =	wrdreg s31;
	s10 =	sadd.s32 s5, s30  }
0xd: {  	s17 =	sor.u32 $0x100, s7;
	s13 =	sadd.s32 s0, s12;
	[dreg:$0x9] =	wrdreg s10  }
0xe: {  	s15 =	sshll.u32 s11, $0x5;
	s14 =	sadd.s32 s2, s12;
	[dreg:$0xa] =	wrdreg s13  }
0xf: {  	s7 =	sor.u32 $0x180, s7;
	s16 =	sadd.s32 s9, s15;
	[dreg:$0xb] =	wrdreg s14  }
0x10: {  	s19 =	sshrl.u32 s17, $0x3;
	s18 =	sadd.s32 s5, s15;
	[dreg:$0xc] =	wrdreg s16  }
0x11: {  	s6 =	ssub.s32 s6, s29;
	s20 =	sadd.s32 s0, s19;
	[dreg:$0xd] =	wrdreg s18  }
0x12: {  	s22 =	sshll.u32 s17, $0x5;
	s21 =	sadd.s32 s2, s19;
	[dreg:$0xe] =	wrdreg s20  }
0x13: {  	s25 =	sshrl.u32 s7, $0x3;
	s23 =	sadd.s32 s9, s22;
	[dreg:$0xf] =	wrdreg s21  }
0x14: {  	s28 =	sshll.u32 s7, $0x5;
	s24 =	sadd.s32 s5, s22;
	[dreg:$0x10] =	wrdreg s23  }
0x15: {  	s0 =	sadd.s32 s0, s25;
	s26 =	sadd.s32 s2, s25;
	[dreg:$0x11] =	wrdreg s24  }
0x16: {  	s30 =	sadd.s32 s9, s28;
	s31 =	sadd.s32 s5, s28;
	[dreg:$0x12] =	wrdreg s0  }
0x17: {  	v2 =	vlaneseq.u32;
	s5 =	smax.u32 s6, $0x1;
	s6 =	simm.s32 $0x3;
	[dreg:$0x13] =	wrdreg s26  }
0x18: {  	vm0 =	vmmov $0xffff;
	v1 =	vshrl.u32 v2, $0x3;
	s25 =	simm.s32 $0x100;
	s15 =	simm.s32 $0x1;
	[dreg:$0x14] =	wrdreg s30  }
0x19: {  	v0 =	vand.u32 $0x7, v2;
	v2 =	vor.u32 $0x8, v2;
	v1 =	vmul.u32 $0x8, v1;
	[dreg:$0x15] =	wrdreg s31;
	s24 =	simm.s32 $0x8100;
	s16 =	simm.s32 $0x2  }
.LBB2_1:
0x1a: {  	s17 =	rddreg [dreg:$0x6]  }
0x1b: {  	[tilespmem:s4], [sflag:$0x3] =	stream.linear.gather [hbm4b:s17+s4], $0x80, $0x38;
	[tilespmem:$0x10100] =	vst v63  }
0x1c: {  	_ =	swait.ge [sflag:s6], $0x80  }
0x1d: {  	[sflag:s6] =	ssyncset.done $0x0  }
0x1e: {  	s0 =	simm.s32 $0x80;
	s14 =	rddreg [dreg:$0x7];
	[sflag:s6] =	ssyncadd.s32 $0xFFFFFF80  }
0x1f: {  	[tilespmem:s0], [sflag:$0x3] =	stream.linear.gather [hbm4b:s14+s4], $0x80, $0x38;
	[tilespmem:$0x10100] =	vst v63  }
0x20: {  	_ =	swait.ge [sflag:s6], $0x80  }
0x21: {  	[sflag:s6] =	ssyncset.done $0x0  }
0x22: {  	[sflag:s6] =	ssyncadd.s32 $0xFFFFFF80  }
0x23: {  	v3 =	vld [tilespmem:$0x0];
	_ =	sdelay $0x4  }
0x24: {  	v4 =	vshll.u32 v3, $0x1  }
0x25: {  	v3 =	vand.u32 $0x7, v3;
	v4 =	vand.u32 $0xFFFFFFF0, v4  }
0x26: {  	v3 =	vor.u32 v3, v4  }
0x27: {  	v4 =	vperm.xlane v3, v0;
	_ =	sdelay $0x1  }
0x28: {  	v3 =	vperm.xlane v3, v2;
	v4 =	vadd.s32 v1, v4;
	_ =	sdelay $0x1  }
0x29: {  	v3 =	vadd.s32 v1, v3;
	_ =	sdelay $0x2  }
0x2a: {  	[tilespmem:s25], [sflag:$0x1] =	stream.indirect_vreg.gather [hbm4b:s1+s4], $0x80, v4, vm0, $0xb8;
	[tilespmem:$0x10100] =	vst v63  }
0x2b: {  	s18 =	simm.s32 $0x900  }
0x2c: {  	[tilespmem:s18], [sflag:$0x1] =	stream.indirect_vreg.gather [hbm4b:s1+s4], $0x80, v3, vm0, $0xb8;
	[tilespmem:$0x10100] =	vst v63  }
0x2d: {  	v3 =	vld [tilespmem:$0x10];
	_ =	sdelay $0x4  }
0x2e: {  	v57 =	vshll.u32 v3, $0x1  }
0x2f: {  	v3 =	vand.u32 $0x7, v3;
	v4 =	vand.u32 $0xFFFFFFF0, v57  }
0x30: {  	v3 =	vor.u32 v3, v4  }
0x31: {  	v4 =	vperm.xlane v3, v0;
	_ =	sdelay $0x1  }
0x32: {  	v3 =	vperm.xlane v3, v2;
	v4 =	vadd.s32 v1, v4;
	_ =	sdelay $0x1  }
0x33: {  	v3 =	vadd.s32 v1, v3;
	_ =	sdelay $0x1  }
0x34: {  	s19 =	simm.s32 $0x1100  }
0x35: {  	[tilespmem:s19], [sflag:$0x1] =	stream.indirect_vreg.gather [hbm4b:s1+s4], $0x80, v4, vm0, $0xb8;
	[tilespmem:$0x10100] =	vst v63  }
0x36: {  	s20 =	simm.s32 $0x1900  }
0x37: {  	[tilespmem:s20], [sflag:$0x1] =	stream.indirect_vreg.gather [hbm4b:s1+s4], $0x80, v3, vm0, $0xb8;
	[tilespmem:$0x10100] =	vst v63  }
0x38: {  	v3 =	vld [tilespmem:$0x20];
	_ =	sdelay $0x4  }
0x39: {  	v58 =	vshll.u32 v3, $0x1  }
0x3a: {  	v3 =	vand.u32 $0x7, v3;
	v4 =	vand.u32 $0xFFFFFFF0, v58  }
0x3b: {  	v3 =	vor.u32 v3, v4  }
0x3c: {  	v4 =	vperm.xlane v3, v0;
	_ =	sdelay $0x1  }
0x3d: {  	v3 =	vperm.xlane v3, v2;
	v4 =	vadd.s32 v1, v4;
	_ =	sdelay $0x1  }
0x3e: {  	v3 =	vadd.s32 v1, v3;
	_ =	sdelay $0x1  }
0x3f: {  	s21 =	simm.s32 $0x2100  }
0x40: {  	[tilespmem:s21], [sflag:$0x1] =	stream.indirect_vreg.gather [hbm4b:s1+s4], $0x80, v4, vm0, $0xb8;
	[tilespmem:$0x10100] =	vst v63  }
0x41: {  	s22 =	simm.s32 $0x2900  }
0x42: {  	[tilespmem:s22], [sflag:$0x1] =	stream.indirect_vreg.gather [hbm4b:s1+s4], $0x80, v3, vm0, $0xb8;
	[tilespmem:$0x10100] =	vst v63  }
0x43: {  	v3 =	vld [tilespmem:$0x30];
	_ =	sdelay $0x4  }
0x44: {  	v59 =	vshll.u32 v3, $0x1  }
0x45: {  	v3 =	vand.u32 $0x7, v3;
	v4 =	vand.u32 $0xFFFFFFF0, v59  }
0x46: {  	v3 =	vor.u32 v3, v4  }
0x47: {  	v4 =	vperm.xlane v3, v0;
	_ =	sdelay $0x1  }
0x48: {  	v3 =	vperm.xlane v3, v2;
	v4 =	vadd.s32 v1, v4;
	_ =	sdelay $0x1  }
0x49: {  	v3 =	vadd.s32 v1, v3;
	_ =	sdelay $0x1  }
0x4a: {  	s23 =	simm.s32 $0x3100  }
0x4b: {  	[tilespmem:s23], [sflag:$0x1] =	stream.indirect_vreg.gather [hbm4b:s1+s4], $0x80, v4, vm0, $0xb8;
	[tilespmem:$0x10100] =	vst v63  }
0x4c: {  	s26 =	simm.s32 $0x3900  }
0x4d: {  	[tilespmem:s26], [sflag:$0x1] =	stream.indirect_vreg.gather [hbm4b:s1+s4], $0x80, v3, vm0, $0xb8;
	[tilespmem:$0x10100] =	vst v63  }
0x4e: {  	v3 =	vld [tilespmem:$0x40];
	_ =	sdelay $0x4  }
0x4f: {  	v60 =	vshll.u32 v3, $0x1  }
0x50: {  	v3 =	vand.u32 $0x7, v3;
	v4 =	vand.u32 $0xFFFFFFF0, v60  }
0x51: {  	v3 =	vor.u32 v3, v4  }
0x52: {  	v4 =	vperm.xlane v3, v0;
	_ =	sdelay $0x1  }
0x53: {  	v3 =	vperm.xlane v3, v2;
	v4 =	vadd.s32 v1, v4;
	_ =	sdelay $0x1  }
0x54: {  	v3 =	vadd.s32 v1, v3;
	_ =	sdelay $0x1  }
0x55: {  	s28 =	simm.s32 $0x4100  }
0x56: {  	[tilespmem:s28], [sflag:$0x1] =	stream.indirect_vreg.gather [hbm4b:s1+s4], $0x80, v4, vm0, $0xb8;
	[tilespmem:$0x10100] =	vst v63  }
0x57: {  	s29 =	simm.s32 $0x4900  }
0x58: {  	[tilespmem:s29], [sflag:$0x1] =	stream.indirect_vreg.gather [hbm4b:s1+s4], $0x80, v3, vm0, $0xb8;
	[tilespmem:$0x10100] =	vst v63  }
0x59: {  	v3 =	vld [tilespmem:$0x50];
	_ =	sdelay $0x4  }
0x5a: {  	v61 =	vshll.u32 v3, $0x1  }
0x5b: {  	v3 =	vand.u32 $0x7, v3;
	v4 =	vand.u32 $0xFFFFFFF0, v61  }
0x5c: {  	v3 =	vor.u32 v3, v4  }
0x5d: {  	v4 =	vperm.xlane v3, v0;
	_ =	sdelay $0x1  }
0x5e: {  	v3 =	vperm.xlane v3, v2;
	v4 =	vadd.s32 v1, v4;
	_ =	sdelay $0x1  }
0x5f: {  	v3 =	vadd.s32 v1, v3;
	_ =	sdelay $0x1  }
0x60: {  	s30 =	simm.s32 $0x5100  }
0x61: {  	[tilespmem:s30], [sflag:$0x1] =	stream.indirect_vreg.gather [hbm4b:s1+s4], $0x80, v4, vm0, $0xb8;
	[tilespmem:$0x10100] =	vst v63  }
0x62: {  	s31 =	simm.s32 $0x5900  }
0x63: {  	[tilespmem:s31], [sflag:$0x1] =	stream.indirect_vreg.gather [hbm4b:s1+s4], $0x80, v3, vm0, $0xb8;
	[tilespmem:$0x10100] =	vst v63  }
0x64: {  	v3 =	vld [tilespmem:$0x60];
	_ =	sdelay $0x4  }
0x65: {  	v62 =	vshll.u32 v3, $0x1  }
0x66: {  	v3 =	vand.u32 $0x7, v3;
	v4 =	vand.u32 $0xFFFFFFF0, v62  }
0x67: {  	v3 =	vor.u32 v3, v4  }
0x68: {  	v4 =	vperm.xlane v3, v0;
	_ =	sdelay $0x1  }
0x69: {  	v3 =	vperm.xlane v3, v2;
	v4 =	vadd.s32 v1, v4;
	_ =	sdelay $0x1  }
0x6a: {  	v3 =	vadd.s32 v1, v3;
	_ =	sdelay $0x1  }
0x6b: {  	s13 =	simm.s32 $0x6100  }
0x6c: {  	[tilespmem:s13], [sflag:$0x1] =	stream.indirect_vreg.gather [hbm4b:s1+s4], $0x80, v4, vm0, $0xb8;
	[tilespmem:$0x10100] =	vst v63  }
0x6d: {  	s14 =	simm.s32 $0x6900  }
0x6e: {  	[tilespmem:s14], [sflag:$0x1] =	stream.indirect_vreg.gather [hbm4b:s1+s4], $0x80, v3, vm0, $0xb8;
	[tilespmem:$0x10100] =	vst v63  }
0x6f: {  	v3 =	vld [tilespmem:$0x70];
	_ =	sdelay $0x4  }
0x70: {  	v63 =	vshll.u32 v3, $0x1  }
0x71: {  	v3 =	vand.u32 $0x7, v3;
	v4 =	vand.u32 $0xFFFFFFF0, v63  }
0x72: {  	v3 =	vor.u32 v3, v4  }
0x73: {  	v4 =	vperm.xlane v3, v0;
	_ =	sdelay $0x1  }
0x74: {  	v3 =	vperm.xlane v3, v2;
	v4 =	vadd.s32 v1, v4;
	_ =	sdelay $0x1  }
0x75: {  	v3 =	vadd.s32 v1, v3;
	_ =	sdelay $0x1  }
0x76: {  	s17 =	simm.s32 $0x7100  }
0x77: {  	[tilespmem:s17], [sflag:$0x1] =	stream.indirect_vreg.gather [hbm4b:s1+s4], $0x80, v4, vm0, $0xb8;
	[tilespmem:$0x10100] =	vst v63  }
0x78: {  	s18 =	simm.s32 $0x7900  }
0x79: {  	[tilespmem:s18], [sflag:$0x1] =	stream.indirect_vreg.gather [hbm4b:s1+s4], $0x80, v3, vm0, $0xb8;
	[tilespmem:$0x10100] =	vst v63  }
0x7a: {  	v3 =	vld [tilespmem:$0x80];
	_ =	sdelay $0x4  }
0x7b: {  	v8 =	vshll.u32 v3, $0x1  }
0x7c: {  	v3 =	vand.u32 $0x7, v3;
	v4 =	vand.u32 $0xFFFFFFF0, v8  }
0x7d: {  	v3 =	vor.u32 v3, v4  }
0x7e: {  	v4 =	vperm.xlane v3, v0;
	_ =	sdelay $0x1  }
0x7f: {  	v3 =	vperm.xlane v3, v2;
	v4 =	vadd.s32 v1, v4;
	_ =	sdelay $0x1  }
0x80: {  	v3 =	vadd.s32 v1, v3;
	_ =	sdelay $0x2  }
0x81: {  	[tilespmem:s24], [sflag:$0x2] =	stream.indirect_vreg.gather [hbm4b:s3+s4], $0x80, v4, vm0, $0xb8;
	[tilespmem:$0x10100] =	vst v63  }
0x82: {  	s19 =	simm.s32 $0x8900  }
0x83: {  	[tilespmem:s19], [sflag:$0x2] =	stream.indirect_vreg.gather [hbm4b:s3+s4], $0x80, v3, vm0, $0xb8;
	[tilespmem:$0x10100] =	vst v63  }
0x84: {  	v3 =	vld [tilespmem:$0x90];
	_ =	sdelay $0x4  }
0x85: {  	v9 =	vshll.u32 v3, $0x1  }
0x86: {  	v3 =	vand.u32 $0x7, v3;
	v4 =	vand.u32 $0xFFFFFFF0, v9  }
0x87: {  	v3 =	vor.u32 v3, v4  }
0x88: {  	v4 =	vperm.xlane v3, v0;
	_ =	sdelay $0x1  }
0x89: {  	v3 =	vperm.xlane v3, v2;
	v4 =	vadd.s32 v1, v4;
	_ =	sdelay $0x1  }
0x8a: {  	v3 =	vadd.s32 v1, v3;
	_ =	sdelay $0x1  }
0x8b: {  	s20 =	simm.s32 $0x9100  }
0x8c: {  	[tilespmem:s20], [sflag:$0x2] =	stream.indirect_vreg.gather [hbm4b:s3+s4], $0x80, v4, vm0, $0xb8;
	[tilespmem:$0x10100] =	vst v63  }
0x8d: {  	s21 =	simm.s32 $0x9900  }
0x8e: {  	[tilespmem:s21], [sflag:$0x2] =	stream.indirect_vreg.gather [hbm4b:s3+s4], $0x80, v3, vm0, $0xb8;
	[tilespmem:$0x10100] =	vst v63  }
0x8f: {  	v3 =	vld [tilespmem:$0xA0];
	_ =	sdelay $0x4  }
0x90: {  	v10 =	vshll.u32 v3, $0x1  }
0x91: {  	v3 =	vand.u32 $0x7, v3;
	v4 =	vand.u32 $0xFFFFFFF0, v10  }
0x92: {  	v3 =	vor.u32 v3, v4  }
0x93: {  	v4 =	vperm.xlane v3, v0;
	_ =	sdelay $0x1  }
0x94: {  	v3 =	vperm.xlane v3, v2;
	v4 =	vadd.s32 v1, v4;
	_ =	sdelay $0x1  }
0x95: {  	v3 =	vadd.s32 v1, v3;
	_ =	sdelay $0x1  }
0x96: {  	s22 =	simm.s32 $0xA100  }
0x97: {  	[tilespmem:s22], [sflag:$0x2] =	stream.indirect_vreg.gather [hbm4b:s3+s4], $0x80, v4, vm0, $0xb8;
	[tilespmem:$0x10100] =	vst v63  }
0x98: {  	s23 =	simm.s32 $0xA900  }
0x99: {  	[tilespmem:s23], [sflag:$0x2] =	stream.indirect_vreg.gather [hbm4b:s3+s4], $0x80, v3, vm0, $0xb8;
	[tilespmem:$0x10100] =	vst v63  }
0x9a: {  	v3 =	vld [tilespmem:$0xB0];
	_ =	sdelay $0x4  }
0x9b: {  	v11 =	vshll.u32 v3, $0x1  }
0x9c: {  	v3 =	vand.u32 $0x7, v3;
	v4 =	vand.u32 $0xFFFFFFF0, v11  }
0x9d: {  	v3 =	vor.u32 v3, v4  }
0x9e: {  	v4 =	vperm.xlane v3, v0;
	_ =	sdelay $0x1  }
0x9f: {  	v3 =	vperm.xlane v3, v2;
	v4 =	vadd.s32 v1, v4;
	_ =	sdelay $0x1  }
0xa0: {  	v3 =	vadd.s32 v1, v3;
	_ =	sdelay $0x1  }
0xa1: {  	s26 =	simm.s32 $0xB100  }
0xa2: {  	[tilespmem:s26], [sflag:$0x2] =	stream.indirect_vreg.gather [hbm4b:s3+s4], $0x80, v4, vm0, $0xb8;
	[tilespmem:$0x10100] =	vst v63  }
0xa3: {  	s28 =	simm.s32 $0xB900  }
0xa4: {  	[tilespmem:s28], [sflag:$0x2] =	stream.indirect_vreg.gather [hbm4b:s3+s4], $0x80, v3, vm0, $0xb8;
	[tilespmem:$0x10100] =	vst v63  }
0xa5: {  	v3 =	vld [tilespmem:$0xC0];
	_ =	sdelay $0x4  }
0xa6: {  	v12 =	vshll.u32 v3, $0x1  }
0xa7: {  	v3 =	vand.u32 $0x7, v3;
	v4 =	vand.u32 $0xFFFFFFF0, v12  }
0xa8: {  	v3 =	vor.u32 v3, v4  }
0xa9: {  	v4 =	vperm.xlane v3, v0;
	_ =	sdelay $0x1  }
0xaa: {  	v3 =	vperm.xlane v3, v2;
	v4 =	vadd.s32 v1, v4;
	_ =	sdelay $0x1  }
0xab: {  	v3 =	vadd.s32 v1, v3;
	_ =	sdelay $0x1  }
0xac: {  	s30 =	simm.s32 $0xC100  }
0xad: {  	[tilespmem:s30], [sflag:$0x2] =	stream.indirect_vreg.gather [hbm4b:s3+s4], $0x80, v4, vm0, $0xb8;
	[tilespmem:$0x10100] =	vst v63  }
0xae: {  	s0 =	simm.s32 $0xC900  }
0xaf: {  	[tilespmem:s0], [sflag:$0x2] =	stream.indirect_vreg.gather [hbm4b:s3+s4], $0x80, v3, vm0, $0xb8;
	[tilespmem:$0x10100] =	vst v63  }
0xb0: {  	v3 =	vld [tilespmem:$0xD0];
	_ =	sdelay $0x4  }
0xb1: {  	v13 =	vshll.u32 v3, $0x1  }
0xb2: {  	v3 =	vand.u32 $0x7, v3;
	v4 =	vand.u32 $0xFFFFFFF0, v13  }
0xb3: {  	v3 =	vor.u32 v3, v4  }
0xb4: {  	v4 =	vperm.xlane v3, v0;
	_ =	sdelay $0x1  }
0xb5: {  	v3 =	vperm.xlane v3, v2;
	v4 =	vadd.s32 v1, v4;
	_ =	sdelay $0x1  }
0xb6: {  	v3 =	vadd.s32 v1, v3;
	_ =	sdelay $0x1  }
0xb7: {  	s13 =	simm.s32 $0xD100  }
0xb8: {  	[tilespmem:s13], [sflag:$0x2] =	stream.indirect_vreg.gather [hbm4b:s3+s4], $0x80, v4, vm0, $0xb8;
	[tilespmem:$0x10100] =	vst v63  }
0xb9: {  	s19 =	simm.s32 $0xD900  }
0xba: {  	[tilespmem:s19], [sflag:$0x2] =	stream.indirect_vreg.gather [hbm4b:s3+s4], $0x80, v3, vm0, $0xb8;
	[tilespmem:$0x10100] =	vst v63  }
0xbb: {  	v3 =	vld [tilespmem:$0xE0];
	_ =	sdelay $0x4  }
0xbc: {  	v14 =	vshll.u32 v3, $0x1  }
0xbd: {  	v3 =	vand.u32 $0x7, v3;
	v4 =	vand.u32 $0xFFFFFFF0, v14  }
0xbe: {  	v3 =	vor.u32 v3, v4  }
0xbf: {  	v4 =	vperm.xlane v3, v0;
	_ =	sdelay $0x1  }
0xc0: {  	v3 =	vperm.xlane v3, v2;
	v4 =	vadd.s32 v1, v4;
	_ =	sdelay $0x1  }
0xc1: {  	v3 =	vadd.s32 v1, v3;
	_ =	sdelay $0x1  }
0xc2: {  	s21 =	simm.s32 $0xE100  }
0xc3: {  	[tilespmem:s21], [sflag:$0x2] =	stream.indirect_vreg.gather [hbm4b:s3+s4], $0x80, v4, vm0, $0xb8;
	[tilespmem:$0x10100] =	vst v63  }
0xc4: {  	s22 =	simm.s32 $0xE900  }
0xc5: {  	[tilespmem:s22], [sflag:$0x2] =	stream.indirect_vreg.gather [hbm4b:s3+s4], $0x80, v3, vm0, $0xb8;
	[tilespmem:$0x10100] =	vst v63  }
0xc6: {  	v3 =	vld [tilespmem:$0xF0];
	_ =	sdelay $0x4  }
0xc7: {  	v15 =	vshll.u32 v3, $0x1  }
0xc8: {  	v3 =	vand.u32 $0x7, v3;
	v4 =	vand.u32 $0xFFFFFFF0, v15  }
0xc9: {  	v3 =	vor.u32 v3, v4  }
0xca: {  	v4 =	vperm.xlane v3, v0;
	_ =	sdelay $0x1  }
0xcb: {  	v3 =	vperm.xlane v3, v2;
	v4 =	vadd.s32 v1, v4;
	_ =	sdelay $0x1  }
0xcc: {  	v3 =	vadd.s32 v1, v3;
	_ =	sdelay $0x1  }
0xcd: {  	s23 =	simm.s32 $0xF100  }
0xce: {  	[tilespmem:s23], [sflag:$0x2] =	stream.indirect_vreg.gather [hbm4b:s3+s4], $0x80, v4, vm0, $0xb8;
	[tilespmem:$0x10100] =	vst v63  }
0xcf: {  	s26 =	simm.s32 $0xF900  }
0xd0: {  	[tilespmem:s26], [sflag:$0x2] =	stream.indirect_vreg.gather [hbm4b:s3+s4], $0x80, v3, vm0, $0xb8;
	[tilespmem:$0x10100] =	vst v63  }
0xd1: {  	_ =	swait.ge [sflag:s15], $0x8000  }
0xd2: {  	[sflag:s15] =	ssyncset.done $0x0  }
0xd3: {  	s28 =	rddreg [dreg:$0x8];
	[sflag:s15] =	ssyncadd.s32 $0xFFFF8000  }
0xd4: {  	[hbm4b:s28+s4] =	stream.linear.scatter [tilespmem:s25], [sflag:$0x3], $0x8000, $0x38;
	[tilespmem:$0x10100] =	vst v63  }
0xd5: {  	_ =	swait.ge [sflag:s6], $0x8000  }
0xd6: {  	[sflag:s6] =	ssyncset.done $0x0  }
0xd7: {  	[sflag:s6] =	ssyncadd.s32 $0xFFFF8000  }
0xd8: {  	_ =	swait.ge [sflag:s16], $0x8000  }
0xd9: {  	[sflag:s16] =	ssyncset.done $0x0  }
0xda: {  	s30 =	rddreg [dreg:$0x9];
	[sflag:s16] =	ssyncadd.s32 $0xFFFF8000  }
0xdb: {  	[hbm4b:s30+s4] =	stream.linear.scatter [tilespmem:s24], [sflag:$0x3], $0x8000, $0x38;
	[tilespmem:$0x10100] =	vst v63  }
0xdc: {  	_ =	swait.ge [sflag:s6], $0x8000  }
0xdd: {  	[sflag:s6] =	ssyncset.done $0x0  }
0xde: {  	s0 =	rddreg [dreg:$0xa];
	[sflag:s6] =	ssyncadd.s32 $0xFFFF8000  }
0xdf: {  	[tilespmem:s4], [sflag:$0x3] =	stream.linear.gather [hbm4b:s0+s4], $0x80, $0x38;
	[tilespmem:$0x10100] =	vst v63  }
0xe0: {  	_ =	swait.ge [sflag:s6], $0x80  }
0xe1: {  	[sflag:s6] =	ssyncset.done $0x0  }
0xe2: {  	s10 =	simm.s32 $0x80;
	s13 =	rddreg [dreg:$0xb];
	[sflag:s6] =	ssyncadd.s32 $0xFFFFFF80  }
0xe3: {  	[tilespmem:s10], [sflag:$0x3] =	stream.linear.gather [hbm4b:s13+s4], $0x80, $0x38;
	[tilespmem:$0x10100] =	vst v63  }
0xe4: {  	_ =	swait.ge [sflag:s6], $0x80  }
0xe5: {  	[sflag:s6] =	ssyncset.done $0x0  }
0xe6: {  	[sflag:s6] =	ssyncadd.s32 $0xFFFFFF80  }
0xe7: {  	v3 =	vld [tilespmem:$0x0];
	_ =	sdelay $0x4  }
0xe8: {  	v16 =	vshll.u32 v3, $0x1  }
0xe9: {  	v3 =	vand.u32 $0x7, v3;
	v4 =	vand.u32 $0xFFFFFFF0, v16  }
0xea: {  	v3 =	vor.u32 v3, v4  }
0xeb: {  	v4 =	vperm.xlane v3, v0;
	_ =	sdelay $0x1  }
0xec: {  	v3 =	vperm.xlane v3, v2;
	v4 =	vadd.s32 v1, v4;
	_ =	sdelay $0x1  }
0xed: {  	v3 =	vadd.s32 v1, v3;
	_ =	sdelay $0x2  }
0xee: {  	[tilespmem:s25], [sflag:$0x1] =	stream.indirect_vreg.gather [hbm4b:s1+s4], $0x80, v4, vm0, $0xb8;
	[tilespmem:$0x10100] =	vst v63  }
0xef: {  	s11 =	simm.s32 $0x900  }
0xf0: {  	[tilespmem:s11], [sflag:$0x1] =	stream.indirect_vreg.gather [hbm4b:s1+s4], $0x80, v3, vm0, $0xb8;
	[tilespmem:$0x10100] =	vst v63  }
0xf1: {  	v3 =	vld [tilespmem:$0x10];
	_ =	sdelay $0x4  }
0xf2: {  	v17 =	vshll.u32 v3, $0x1  }
0xf3: {  	v3 =	vand.u32 $0x7, v3;
	v4 =	vand.u32 $0xFFFFFFF0, v17  }
0xf4: {  	v3 =	vor.u32 v3, v4  }
0xf5: {  	v4 =	vperm.xlane v3, v0;
	_ =	sdelay $0x1  }
0xf6: {  	v3 =	vperm.xlane v3, v2;
	v4 =	vadd.s32 v1, v4;
	_ =	sdelay $0x1  }
0xf7: {  	v3 =	vadd.s32 v1, v3;
	_ =	sdelay $0x1  }
0xf8: {  	s2 =	simm.s32 $0x1100  }
0xf9: {  	[tilespmem:s2], [sflag:$0x1] =	stream.indirect_vreg.gather [hbm4b:s1+s4], $0x80, v4, vm0, $0xb8;
	[tilespmem:$0x10100] =	vst v63  }
0xfa: {  	s23 =	simm.s32 $0x1900  }
0xfb: {  	[tilespmem:s23], [sflag:$0x1] =	stream.indirect_vreg.gather [hbm4b:s1+s4], $0x80, v3, vm0, $0xb8;
	[tilespmem:$0x10100] =	vst v63  }
0xfc: {  	v3 =	vld [tilespmem:$0x20];
	_ =	sdelay $0x4  }
0xfd: {  	v18 =	vshll.u32 v3, $0x1  }
0xfe: {  	v3 =	vand.u32 $0x7, v3;
	v4 =	vand.u32 $0xFFFFFFF0, v18  }
0xff: {  	v3 =	vor.u32 v3, v4  }
0x100: {  	v4 =	vperm.xlane v3, v0;
	_ =	sdelay $0x1  }
0x101: {  	v3 =	vperm.xlane v3, v2;
	v4 =	vadd.s32 v1, v4;
	_ =	sdelay $0x1  }
0x102: {  	v3 =	vadd.s32 v1, v3;
	_ =	sdelay $0x1  }
0x103: {  	s7 =	simm.s32 $0x2100  }
0x104: {  	[tilespmem:s7], [sflag:$0x1] =	stream.indirect_vreg.gather [hbm4b:s1+s4], $0x80, v4, vm0, $0xb8;
	[tilespmem:$0x10100] =	vst v63  }
0x105: {  	s12 =	simm.s32 $0x2900  }
0x106: {  	[tilespmem:s12], [sflag:$0x1] =	stream.indirect_vreg.gather [hbm4b:s1+s4], $0x80, v3, vm0, $0xb8;
	[tilespmem:$0x10100] =	vst v63  }
0x107: {  	v3 =	vld [tilespmem:$0x30];
	_ =	sdelay $0x4  }
0x108: {  	v19 =	vshll.u32 v3, $0x1  }
0x109: {  	v3 =	vand.u32 $0x7, v3;
	v4 =	vand.u32 $0xFFFFFFF0, v19  }
0x10a: {  	v3 =	vor.u32 v3, v4  }
0x10b: {  	v4 =	vperm.xlane v3, v0;
	_ =	sdelay $0x1  }
0x10c: {  	v3 =	vperm.xlane v3, v2;
	v4 =	vadd.s32 v1, v4;
	_ =	sdelay $0x1  }
0x10d: {  	v3 =	vadd.s32 v1, v3;
	_ =	sdelay $0x1  }
0x10e: {  	s8 =	simm.s32 $0x3100  }
0x10f: {  	[tilespmem:s8], [sflag:$0x1] =	stream.indirect_vreg.gather [hbm4b:s1+s4], $0x80, v4, vm0, $0xb8;
	[tilespmem:$0x10100] =	vst v63  }
0x110: {  	s30 =	simm.s32 $0x3900  }
0x111: {  	[tilespmem:s30], [sflag:$0x1] =	stream.indirect_vreg.gather [hbm4b:s1+s4], $0x80, v3, vm0, $0xb8;
	[tilespmem:$0x10100] =	vst v63  }
0x112: {  	v3 =	vld [tilespmem:$0x40];
	_ =	sdelay $0x4  }
0x113: {  	v20 =	vshll.u32 v3, $0x1  }
0x114: {  	v3 =	vand.u32 $0x7, v3;
	v4 =	vand.u32 $0xFFFFFFF0, v20  }
0x115: {  	v3 =	vor.u32 v3, v4  }
0x116: {  	v4 =	vperm.xlane v3, v0;
	_ =	sdelay $0x1  }
0x117: {  	v3 =	vperm.xlane v3, v2;
	v4 =	vadd.s32 v1, v4;
	_ =	sdelay $0x1  }
0x118: {  	v3 =	vadd.s32 v1, v3;
	_ =	sdelay $0x1  }
0x119: {  	s9 =	simm.s32 $0x4100  }
0x11a: {  	[tilespmem:s9], [sflag:$0x1] =	stream.indirect_vreg.gather [hbm4b:s1+s4], $0x80, v4, vm0, $0xb8;
	[tilespmem:$0x10100] =	vst v63  }
0x11b: {  	s22 =	simm.s32 $0x4900  }
0x11c: {  	[tilespmem:s22], [sflag:$0x1] =	stream.indirect_vreg.gather [hbm4b:s1+s4], $0x80, v3, vm0, $0xb8;
	[tilespmem:$0x10100] =	vst v63  }
0x11d: {  	v3 =	vld [tilespmem:$0x50];
	_ =	sdelay $0x4  }
0x11e: {  	v21 =	vshll.u32 v3, $0x1  }
0x11f: {  	v3 =	vand.u32 $0x7, v3;
	v4 =	vand.u32 $0xFFFFFFF0, v21  }
0x120: {  	v3 =	vor.u32 v3, v4  }
0x121: {  	v4 =	vperm.xlane v3, v0;
	_ =	sdelay $0x1  }
0x122: {  	v3 =	vperm.xlane v3, v2;
	v4 =	vadd.s32 v1, v4;
	_ =	sdelay $0x1  }
0x123: {  	v3 =	vadd.s32 v1, v3;
	_ =	sdelay $0x1  }
0x124: {  	s12 =	simm.s32 $0x5100  }
0x125: {  	[tilespmem:s12], [sflag:$0x1] =	stream.indirect_vreg.gather [hbm4b:s1+s4], $0x80, v4, vm0, $0xb8;
	[tilespmem:$0x10100] =	vst v63  }
0x126: {  	s13 =	simm.s32 $0x5900  }
0x127: {  	[tilespmem:s13], [sflag:$0x1] =	stream.indirect_vreg.gather [hbm4b:s1+s4], $0x80, v3, vm0, $0xb8;
	[tilespmem:$0x10100] =	vst v63  }
0x128: {  	v3 =	vld [tilespmem:$0x60];
	_ =	sdelay $0x4  }
0x129: {  	v22 =	vshll.u32 v3, $0x1  }
0x12a: {  	v3 =	vand.u32 $0x7, v3;
	v4 =	vand.u32 $0xFFFFFFF0, v22  }
0x12b: {  	v3 =	vor.u32 v3, v4  }
0x12c: {  	v4 =	vperm.xlane v3, v0;
	_ =	sdelay $0x1  }
0x12d: {  	v3 =	vperm.xlane v3, v2;
	v4 =	vadd.s32 v1, v4;
	_ =	sdelay $0x1  }
0x12e: {  	v3 =	vadd.s32 v1, v3;
	_ =	sdelay $0x1  }
0x12f: {  	s0 =	simm.s32 $0x6100  }
0x130: {  	[tilespmem:s0], [sflag:$0x1] =	stream.indirect_vreg.gather [hbm4b:s1+s4], $0x80, v4, vm0, $0xb8;
	[tilespmem:$0x10100] =	vst v63  }
0x131: {  	s8 =	simm.s32 $0x6900  }
0x132: {  	[tilespmem:s8], [sflag:$0x1] =	stream.indirect_vreg.gather [hbm4b:s1+s4], $0x80, v3, vm0, $0xb8;
	[tilespmem:$0x10100] =	vst v63  }
0x133: {  	v3 =	vld [tilespmem:$0x70];
	_ =	sdelay $0x4  }
0x134: {  	v23 =	vshll.u32 v3, $0x1  }
0x135: {  	v3 =	vand.u32 $0x7, v3;
	v4 =	vand.u32 $0xFFFFFFF0, v23  }
0x136: {  	v3 =	vor.u32 v3, v4  }
0x137: {  	v4 =	vperm.xlane v3, v0;
	_ =	sdelay $0x1  }
0x138: {  	v3 =	vperm.xlane v3, v2;
	v4 =	vadd.s32 v1, v4;
	_ =	sdelay $0x1  }
0x139: {  	v3 =	vadd.s32 v1, v3;
	_ =	sdelay $0x1  }
0x13a: {  	s2 =	simm.s32 $0x7100  }
0x13b: {  	[tilespmem:s2], [sflag:$0x1] =	stream.indirect_vreg.gather [hbm4b:s1+s4], $0x80, v4, vm0, $0xb8;
	[tilespmem:$0x10100] =	vst v63  }
0x13c: {  	s9 =	simm.s32 $0x7900  }
0x13d: {  	[tilespmem:s9], [sflag:$0x1] =	stream.indirect_vreg.gather [hbm4b:s1+s4], $0x80, v3, vm0, $0xb8;
	[tilespmem:$0x10100] =	vst v63  }
0x13e: {  	v3 =	vld [tilespmem:$0x80];
	_ =	sdelay $0x4  }
0x13f: {  	v24 =	vshll.u32 v3, $0x1  }
0x140: {  	v3 =	vand.u32 $0x7, v3;
	v4 =	vand.u32 $0xFFFFFFF0, v24  }
0x141: {  	v3 =	vor.u32 v3, v4  }
0x142: {  	v4 =	vperm.xlane v3, v0;
	_ =	sdelay $0x1  }
0x143: {  	v3 =	vperm.xlane v3, v2;
	v4 =	vadd.s32 v1, v4;
	_ =	sdelay $0x1  }
0x144: {  	v3 =	vadd.s32 v1, v3;
	_ =	sdelay $0x2  }
0x145: {  	[tilespmem:s24], [sflag:$0x2] =	stream.indirect_vreg.gather [hbm4b:s3+s4], $0x80, v4, vm0, $0xb8;
	[tilespmem:$0x10100] =	vst v63  }
0x146: {  	s10 =	simm.s32 $0x8900  }
0x147: {  	[tilespmem:s10], [sflag:$0x2] =	stream.indirect_vreg.gather [hbm4b:s3+s4], $0x80, v3, vm0, $0xb8;
	[tilespmem:$0x10100] =	vst v63  }
0x148: {  	v3 =	vld [tilespmem:$0x90];
	_ =	sdelay $0x4  }
0x149: {  	v25 =	vshll.u32 v3, $0x1  }
0x14a: {  	v3 =	vand.u32 $0x7, v3;
	v4 =	vand.u32 $0xFFFFFFF0, v25  }
0x14b: {  	v3 =	vor.u32 v3, v4  }
0x14c: {  	v4 =	vperm.xlane v3, v0;
	_ =	sdelay $0x1  }
0x14d: {  	v3 =	vperm.xlane v3, v2;
	v4 =	vadd.s32 v1, v4;
	_ =	sdelay $0x1  }
0x14e: {  	v3 =	vadd.s32 v1, v3;
	_ =	sdelay $0x1  }
0x14f: {  	s7 =	simm.s32 $0x9100  }
0x150: {  	[tilespmem:s7], [sflag:$0x2] =	stream.indirect_vreg.gather [hbm4b:s3+s4], $0x80, v4, vm0, $0xb8;
	[tilespmem:$0x10100] =	vst v63  }
0x151: {  	s11 =	simm.s32 $0x9900  }
0x152: {  	[tilespmem:s11], [sflag:$0x2] =	stream.indirect_vreg.gather [hbm4b:s3+s4], $0x80, v3, vm0, $0xb8;
	[tilespmem:$0x10100] =	vst v63  }
0x153: {  	v3 =	vld [tilespmem:$0xA0];
	_ =	sdelay $0x4  }
0x154: {  	v26 =	vshll.u32 v3, $0x1  }
0x155: {  	v3 =	vand.u32 $0x7, v3;
	v4 =	vand.u32 $0xFFFFFFF0, v26  }
0x156: {  	v3 =	vor.u32 v3, v4  }
0x157: {  	v4 =	vperm.xlane v3, v0;
	_ =	sdelay $0x1  }
0x158: {  	v3 =	vperm.xlane v3, v2;
	v4 =	vadd.s32 v1, v4;
	_ =	sdelay $0x1  }
0x159: {  	v3 =	vadd.s32 v1, v3;
	_ =	sdelay $0x1  }
0x15a: {  	s29 =	simm.s32 $0xA100  }
0x15b: {  	[tilespmem:s29], [sflag:$0x2] =	stream.indirect_vreg.gather [hbm4b:s3+s4], $0x80, v4, vm0, $0xb8;
	[tilespmem:$0x10100] =	vst v63  }
0x15c: {  	s20 =	simm.s32 $0xA900  }
0x15d: {  	[tilespmem:s20], [sflag:$0x2] =	stream.indirect_vreg.gather [hbm4b:s3+s4], $0x80, v3, vm0, $0xb8;
	[tilespmem:$0x10100] =	vst v63  }
0x15e: {  	v3 =	vld [tilespmem:$0xB0];
	_ =	sdelay $0x4  }
0x15f: {  	v27 =	vshll.u32 v3, $0x1  }
0x160: {  	v3 =	vand.u32 $0x7, v3;
	v4 =	vand.u32 $0xFFFFFFF0, v27  }
0x161: {  	v3 =	vor.u32 v3, v4  }
0x162: {  	v4 =	vperm.xlane v3, v0;
	_ =	sdelay $0x1  }
0x163: {  	v3 =	vperm.xlane v3, v2;
	v4 =	vadd.s32 v1, v4;
	_ =	sdelay $0x1  }
0x164: {  	v3 =	vadd.s32 v1, v3;
	_ =	sdelay $0x1  }
0x165: {  	s31 =	simm.s32 $0xB100  }
0x166: {  	[tilespmem:s31], [sflag:$0x2] =	stream.indirect_vreg.gather [hbm4b:s3+s4], $0x80, v4, vm0, $0xb8;
	[tilespmem:$0x10100] =	vst v63  }
0x167: {  	s14 =	simm.s32 $0xB900  }
0x168: {  	[tilespmem:s14], [sflag:$0x2] =	stream.indirect_vreg.gather [hbm4b:s3+s4], $0x80, v3, vm0, $0xb8;
	[tilespmem:$0x10100] =	vst v63  }
0x169: {  	v3 =	vld [tilespmem:$0xC0];
	_ =	sdelay $0x4  }
0x16a: {  	v28 =	vshll.u32 v3, $0x1  }
0x16b: {  	v3 =	vand.u32 $0x7, v3;
	v4 =	vand.u32 $0xFFFFFFF0, v28  }
0x16c: {  	v3 =	vor.u32 v3, v4  }
0x16d: {  	v4 =	vperm.xlane v3, v0;
	_ =	sdelay $0x1  }
0x16e: {  	v3 =	vperm.xlane v3, v2;
	v4 =	vadd.s32 v1, v4;
	_ =	sdelay $0x1  }
0x16f: {  	v3 =	vadd.s32 v1, v3;
	_ =	sdelay $0x1  }
0x170: {  	s17 =	simm.s32 $0xC100  }
0x171: {  	[tilespmem:s17], [sflag:$0x2] =	stream.indirect_vreg.gather [hbm4b:s3+s4], $0x80, v4, vm0, $0xb8;
	[tilespmem:$0x10100] =	vst v63  }
0x172: {  	s18 =	simm.s32 $0xC900  }
0x173: {  	[tilespmem:s18], [sflag:$0x2] =	stream.indirect_vreg.gather [hbm4b:s3+s4], $0x80, v3, vm0, $0xb8;
	[tilespmem:$0x10100] =	vst v63  }
0x174: {  	v3 =	vld [tilespmem:$0xD0];
	_ =	sdelay $0x4  }
0x175: {  	v29 =	vshll.u32 v3, $0x1  }
0x176: {  	v3 =	vand.u32 $0x7, v3;
	v4 =	vand.u32 $0xFFFFFFF0, v29  }
0x177: {  	v3 =	vor.u32 v3, v4  }
0x178: {  	v4 =	vperm.xlane v3, v0;
	_ =	sdelay $0x1  }
0x179: {  	v3 =	vperm.xlane v3, v2;
	v4 =	vadd.s32 v1, v4;
	_ =	sdelay $0x1  }
0x17a: {  	v3 =	vadd.s32 v1, v3;
	_ =	sdelay $0x1  }
0x17b: {  	s18 =	simm.s32 $0xD100  }
0x17c: {  	[tilespmem:s18], [sflag:$0x2] =	stream.indirect_vreg.gather [hbm4b:s3+s4], $0x80, v4, vm0, $0xb8;
	[tilespmem:$0x10100] =	vst v63  }
0x17d: {  	s19 =	simm.s32 $0xD900  }
0x17e: {  	[tilespmem:s19], [sflag:$0x2] =	stream.indirect_vreg.gather [hbm4b:s3+s4], $0x80, v3, vm0, $0xb8;
	[tilespmem:$0x10100] =	vst v63  }
0x17f: {  	v3 =	vld [tilespmem:$0xE0];
	_ =	sdelay $0x4  }
0x180: {  	v30 =	vshll.u32 v3, $0x1  }
0x181: {  	v3 =	vand.u32 $0x7, v3;
	v4 =	vand.u32 $0xFFFFFFF0, v30  }
0x182: {  	v3 =	vor.u32 v3, v4  }
0x183: {  	v4 =	vperm.xlane v3, v0;
	_ =	sdelay $0x1  }
0x184: {  	v3 =	vperm.xlane v3, v2;
	v4 =	vadd.s32 v1, v4;
	_ =	sdelay $0x1  }
0x185: {  	v3 =	vadd.s32 v1, v3;
	_ =	sdelay $0x1  }
0x186: {  	s19 =	simm.s32 $0xE100  }
0x187: {  	[tilespmem:s19], [sflag:$0x2] =	stream.indirect_vreg.gather [hbm4b:s3+s4], $0x80, v4, vm0, $0xb8;
	[tilespmem:$0x10100] =	vst v63  }
0x188: {  	s21 =	simm.s32 $0xE900  }
0x189: {  	[tilespmem:s21], [sflag:$0x2] =	stream.indirect_vreg.gather [hbm4b:s3+s4], $0x80, v3, vm0, $0xb8;
	[tilespmem:$0x10100] =	vst v63  }
0x18a: {  	v3 =	vld [tilespmem:$0xF0];
	_ =	sdelay $0x4  }
0x18b: {  	v31 =	vshll.u32 v3, $0x1  }
0x18c: {  	v3 =	vand.u32 $0x7, v3;
	v4 =	vand.u32 $0xFFFFFFF0, v31  }
0x18d: {  	v3 =	vor.u32 v3, v4  }
0x18e: {  	v4 =	vperm.xlane v3, v0;
	_ =	sdelay $0x1  }
0x18f: {  	v3 =	vperm.xlane v3, v2;
	v4 =	vadd.s32 v1, v4;
	_ =	sdelay $0x1  }
0x190: {  	v3 =	vadd.s32 v1, v3;
	_ =	sdelay $0x1  }
0x191: {  	s21 =	simm.s32 $0xF100  }
0x192: {  	[tilespmem:s21], [sflag:$0x2] =	stream.indirect_vreg.gather [hbm4b:s3+s4], $0x80, v4, vm0, $0xb8;
	[tilespmem:$0x10100] =	vst v63  }
0x193: {  	s26 =	simm.s32 $0xF900  }
0x194: {  	[tilespmem:s26], [sflag:$0x2] =	stream.indirect_vreg.gather [hbm4b:s3+s4], $0x80, v3, vm0, $0xb8;
	[tilespmem:$0x10100] =	vst v63  }
0x195: {  	_ =	swait.ge [sflag:s15], $0x8000  }
0x196: {  	[sflag:s15] =	ssyncset.done $0x0  }
0x197: {  	s26 =	rddreg [dreg:$0xc];
	[sflag:s15] =	ssyncadd.s32 $0xFFFF8000  }
0x198: {  	[hbm4b:s26+s4] =	stream.linear.scatter [tilespmem:s25], [sflag:$0x3], $0x8000, $0x38;
	[tilespmem:$0x10100] =	vst v63  }
0x199: {  	_ =	swait.ge [sflag:s6], $0x8000  }
0x19a: {  	[sflag:s6] =	ssyncset.done $0x0  }
0x19b: {  	[sflag:s6] =	ssyncadd.s32 $0xFFFF8000  }
0x19c: {  	_ =	swait.ge [sflag:s16], $0x8000  }
0x19d: {  	[sflag:s16] =	ssyncset.done $0x0  }
0x19e: {  	s18 =	rddreg [dreg:$0xd];
	[sflag:s16] =	ssyncadd.s32 $0xFFFF8000  }
0x19f: {  	[hbm4b:s18+s4] =	stream.linear.scatter [tilespmem:s24], [sflag:$0x3], $0x8000, $0x38;
	[tilespmem:$0x10100] =	vst v63  }
0x1a0: {  	_ =	swait.ge [sflag:s6], $0x8000  }
0x1a1: {  	[sflag:s6] =	ssyncset.done $0x0  }
0x1a2: {  	s26 =	rddreg [dreg:$0xe];
	[sflag:s6] =	ssyncadd.s32 $0xFFFF8000  }
0x1a3: {  	[tilespmem:s4], [sflag:$0x3] =	stream.linear.gather [hbm4b:s26+s4], $0x80, $0x38;
	[tilespmem:$0x10100] =	vst v63  }
0x1a4: {  	_ =	swait.ge [sflag:s6], $0x80  }
0x1a5: {  	[sflag:s6] =	ssyncset.done $0x0  }
0x1a6: {  	s26 =	simm.s32 $0x80;
	s18 =	rddreg [dreg:$0xf];
	[sflag:s6] =	ssyncadd.s32 $0xFFFFFF80  }
0x1a7: {  	[tilespmem:s26], [sflag:$0x3] =	stream.linear.gather [hbm4b:s18+s4], $0x80, $0x38;
	[tilespmem:$0x10100] =	vst v63  }
0x1a8: {  	_ =	swait.ge [sflag:s6], $0x80  }
0x1a9: {  	[sflag:s6] =	ssyncset.done $0x0  }
0x1aa: {  	[sflag:s6] =	ssyncadd.s32 $0xFFFFFF80  }
0x1ab: {  	v3 =	vld [tilespmem:$0x0];
	_ =	sdelay $0x4  }
0x1ac: {  	v32 =	vshll.u32 v3, $0x1  }
0x1ad: {  	v3 =	vand.u32 $0x7, v3;
	v4 =	vand.u32 $0xFFFFFFF0, v32  }
0x1ae: {  	v3 =	vor.u32 v3, v4  }
0x1af: {  	v4 =	vperm.xlane v3, v0;
	_ =	sdelay $0x1  }
0x1b0: {  	v3 =	vperm.xlane v3, v2;
	v4 =	vadd.s32 v1, v4;
	_ =	sdelay $0x1  }
0x1b1: {  	v3 =	vadd.s32 v1, v3;
	_ =	sdelay $0x2  }
0x1b2: {  	[tilespmem:s25], [sflag:$0x1] =	stream.indirect_vreg.gather [hbm4b:s1+s4], $0x80, v4, vm0, $0xb8;
	[tilespmem:$0x10100] =	vst v63  }
0x1b3: {  	s18 =	simm.s32 $0x900  }
0x1b4: {  	[tilespmem:s18], [sflag:$0x1] =	stream.indirect_vreg.gather [hbm4b:s1+s4], $0x80, v3, vm0, $0xb8;
	[tilespmem:$0x10100] =	vst v63  }
0x1b5: {  	v3 =	vld [tilespmem:$0x10];
	_ =	sdelay $0x4  }
0x1b6: {  	v33 =	vshll.u32 v3, $0x1  }
0x1b7: {  	v3 =	vand.u32 $0x7, v3;
	v4 =	vand.u32 $0xFFFFFFF0, v33  }
0x1b8: {  	v3 =	vor.u32 v3, v4  }
0x1b9: {  	v4 =	vperm.xlane v3, v0;
	_ =	sdelay $0x1  }
0x1ba: {  	v3 =	vperm.xlane v3, v2;
	v4 =	vadd.s32 v1, v4;
	_ =	sdelay $0x1  }
0x1bb: {  	v3 =	vadd.s32 v1, v3;
	_ =	sdelay $0x1  }
0x1bc: {  	s28 =	simm.s32 $0x1100  }
0x1bd: {  	[tilespmem:s28], [sflag:$0x1] =	stream.indirect_vreg.gather [hbm4b:s1+s4], $0x80, v4, vm0, $0xb8;
	[tilespmem:$0x10100] =	vst v63  }
0x1be: {  	_ = 	snop  }
0x1bf: {  	[tilespmem:s23], [sflag:$0x1] =	stream.indirect_vreg.gather [hbm4b:s1+s4], $0x80, v3, vm0, $0xb8;
	[tilespmem:$0x10100] =	vst v63  }
0x1c0: {  	v3 =	vld [tilespmem:$0x20];
	_ =	sdelay $0x4  }
0x1c1: {  	v34 =	vshll.u32 v3, $0x1  }
0x1c2: {  	v3 =	vand.u32 $0x7, v3;
	v4 =	vand.u32 $0xFFFFFFF0, v34  }
0x1c3: {  	v3 =	vor.u32 v3, v4  }
0x1c4: {  	v4 =	vperm.xlane v3, v0;
	_ =	sdelay $0x1  }
0x1c5: {  	v3 =	vperm.xlane v3, v2;
	v4 =	vadd.s32 v1, v4;
	_ =	sdelay $0x1  }
0x1c6: {  	v3 =	vadd.s32 v1, v3;
	_ =	sdelay $0x1  }
0x1c7: {  	s26 =	simm.s32 $0x2100  }
0x1c8: {  	[tilespmem:s26], [sflag:$0x1] =	stream.indirect_vreg.gather [hbm4b:s1+s4], $0x80, v4, vm0, $0xb8;
	[tilespmem:$0x10100] =	vst v63  }
0x1c9: {  	s18 =	simm.s32 $0x2900  }
0x1ca: {  	[tilespmem:s18], [sflag:$0x1] =	stream.indirect_vreg.gather [hbm4b:s1+s4], $0x80, v3, vm0, $0xb8;
	[tilespmem:$0x10100] =	vst v63  }
0x1cb: {  	v3 =	vld [tilespmem:$0x30];
	_ =	sdelay $0x4  }
0x1cc: {  	v35 =	vshll.u32 v3, $0x1  }
0x1cd: {  	v3 =	vand.u32 $0x7, v3;
	v4 =	vand.u32 $0xFFFFFFF0, v35  }
0x1ce: {  	v3 =	vor.u32 v3, v4  }
0x1cf: {  	v4 =	vperm.xlane v3, v0;
	_ =	sdelay $0x1  }
0x1d0: {  	v3 =	vperm.xlane v3, v2;
	v4 =	vadd.s32 v1, v4;
	_ =	sdelay $0x1  }
0x1d1: {  	v3 =	vadd.s32 v1, v3;
	_ =	sdelay $0x1  }
0x1d2: {  	s23 =	simm.s32 $0x3100  }
0x1d3: {  	[tilespmem:s23], [sflag:$0x1] =	stream.indirect_vreg.gather [hbm4b:s1+s4], $0x80, v4, vm0, $0xb8;
	[tilespmem:$0x10100] =	vst v63  }
0x1d4: {  	_ = 	snop  }
0x1d5: {  	[tilespmem:s30], [sflag:$0x1] =	stream.indirect_vreg.gather [hbm4b:s1+s4], $0x80, v3, vm0, $0xb8;
	[tilespmem:$0x10100] =	vst v63  }
0x1d6: {  	v3 =	vld [tilespmem:$0x40];
	_ =	sdelay $0x4  }
0x1d7: {  	v36 =	vshll.u32 v3, $0x1  }
0x1d8: {  	v3 =	vand.u32 $0x7, v3;
	v4 =	vand.u32 $0xFFFFFFF0, v36  }
0x1d9: {  	v3 =	vor.u32 v3, v4  }
0x1da: {  	v4 =	vperm.xlane v3, v0;
	_ =	sdelay $0x1  }
0x1db: {  	v3 =	vperm.xlane v3, v2;
	v4 =	vadd.s32 v1, v4;
	_ =	sdelay $0x1  }
0x1dc: {  	v3 =	vadd.s32 v1, v3;
	_ =	sdelay $0x1  }
0x1dd: {  	s26 =	simm.s32 $0x4100  }
0x1de: {  	[tilespmem:s26], [sflag:$0x1] =	stream.indirect_vreg.gather [hbm4b:s1+s4], $0x80, v4, vm0, $0xb8;
	[tilespmem:$0x10100] =	vst v63  }
0x1df: {  	_ = 	snop  }
0x1e0: {  	[tilespmem:s22], [sflag:$0x1] =	stream.indirect_vreg.gather [hbm4b:s1+s4], $0x80, v3, vm0, $0xb8;
	[tilespmem:$0x10100] =	vst v63  }
0x1e1: {  	v3 =	vld [tilespmem:$0x50];
	_ =	sdelay $0x4  }
0x1e2: {  	v37 =	vshll.u32 v3, $0x1  }
0x1e3: {  	v3 =	vand.u32 $0x7, v3;
	v4 =	vand.u32 $0xFFFFFFF0, v37  }
0x1e4: {  	v3 =	vor.u32 v3, v4  }
0x1e5: {  	v4 =	vperm.xlane v3, v0;
	_ =	sdelay $0x1  }
0x1e6: {  	v3 =	vperm.xlane v3, v2;
	v4 =	vadd.s32 v1, v4;
	_ =	sdelay $0x1  }
0x1e7: {  	v3 =	vadd.s32 v1, v3;
	_ =	sdelay $0x2  }
0x1e8: {  	[tilespmem:s12], [sflag:$0x1] =	stream.indirect_vreg.gather [hbm4b:s1+s4], $0x80, v4, vm0, $0xb8;
	[tilespmem:$0x10100] =	vst v63  }
0x1e9: {  	_ = 	snop  }
0x1ea: {  	[tilespmem:s13], [sflag:$0x1] =	stream.indirect_vreg.gather [hbm4b:s1+s4], $0x80, v3, vm0, $0xb8;
	[tilespmem:$0x10100] =	vst v63  }
0x1eb: {  	v3 =	vld [tilespmem:$0x60];
	_ =	sdelay $0x4  }
0x1ec: {  	v38 =	vshll.u32 v3, $0x1  }
0x1ed: {  	v3 =	vand.u32 $0x7, v3;
	v4 =	vand.u32 $0xFFFFFFF0, v38  }
0x1ee: {  	v3 =	vor.u32 v3, v4  }
0x1ef: {  	v4 =	vperm.xlane v3, v0;
	_ =	sdelay $0x1  }
0x1f0: {  	v3 =	vperm.xlane v3, v2;
	v4 =	vadd.s32 v1, v4;
	_ =	sdelay $0x1  }
0x1f1: {  	v3 =	vadd.s32 v1, v3;
	_ =	sdelay $0x2  }
0x1f2: {  	[tilespmem:s0], [sflag:$0x1] =	stream.indirect_vreg.gather [hbm4b:s1+s4], $0x80, v4, vm0, $0xb8;
	[tilespmem:$0x10100] =	vst v63  }
0x1f3: {  	_ = 	snop  }
0x1f4: {  	[tilespmem:s8], [sflag:$0x1] =	stream.indirect_vreg.gather [hbm4b:s1+s4], $0x80, v3, vm0, $0xb8;
	[tilespmem:$0x10100] =	vst v63  }
0x1f5: {  	v3 =	vld [tilespmem:$0x70];
	_ =	sdelay $0x4  }
0x1f6: {  	v39 =	vshll.u32 v3, $0x1  }
0x1f7: {  	v3 =	vand.u32 $0x7, v3;
	v4 =	vand.u32 $0xFFFFFFF0, v39  }
0x1f8: {  	v3 =	vor.u32 v3, v4  }
0x1f9: {  	v4 =	vperm.xlane v3, v0;
	_ =	sdelay $0x1  }
0x1fa: {  	v3 =	vperm.xlane v3, v2;
	v4 =	vadd.s32 v1, v4;
	_ =	sdelay $0x1  }
0x1fb: {  	v3 =	vadd.s32 v1, v3;
	_ =	sdelay $0x2  }
0x1fc: {  	[tilespmem:s2], [sflag:$0x1] =	stream.indirect_vreg.gather [hbm4b:s1+s4], $0x80, v4, vm0, $0xb8;
	[tilespmem:$0x10100] =	vst v63  }
0x1fd: {  	_ = 	snop  }
0x1fe: {  	[tilespmem:s9], [sflag:$0x1] =	stream.indirect_vreg.gather [hbm4b:s1+s4], $0x80, v3, vm0, $0xb8;
	[tilespmem:$0x10100] =	vst v63  }
0x1ff: {  	v3 =	vld [tilespmem:$0x80];
	_ =	sdelay $0x4  }
0x200: {  	v40 =	vshll.u32 v3, $0x1  }
0x201: {  	v3 =	vand.u32 $0x7, v3;
	v4 =	vand.u32 $0xFFFFFFF0, v40  }
0x202: {  	v3 =	vor.u32 v3, v4  }
0x203: {  	v4 =	vperm.xlane v3, v0;
	_ =	sdelay $0x1  }
0x204: {  	v3 =	vperm.xlane v3, v2;
	v4 =	vadd.s32 v1, v4;
	_ =	sdelay $0x1  }
0x205: {  	v3 =	vadd.s32 v1, v3;
	_ =	sdelay $0x2  }
0x206: {  	[tilespmem:s24], [sflag:$0x2] =	stream.indirect_vreg.gather [hbm4b:s3+s4], $0x80, v4, vm0, $0xb8;
	[tilespmem:$0x10100] =	vst v63  }
0x207: {  	_ = 	snop  }
0x208: {  	[tilespmem:s10], [sflag:$0x2] =	stream.indirect_vreg.gather [hbm4b:s3+s4], $0x80, v3, vm0, $0xb8;
	[tilespmem:$0x10100] =	vst v63  }
0x209: {  	v3 =	vld [tilespmem:$0x90];
	_ =	sdelay $0x4  }
0x20a: {  	v41 =	vshll.u32 v3, $0x1  }
0x20b: {  	v3 =	vand.u32 $0x7, v3;
	v4 =	vand.u32 $0xFFFFFFF0, v41  }
0x20c: {  	v3 =	vor.u32 v3, v4  }
0x20d: {  	v4 =	vperm.xlane v3, v0;
	_ =	sdelay $0x1  }
0x20e: {  	v3 =	vperm.xlane v3, v2;
	v4 =	vadd.s32 v1, v4;
	_ =	sdelay $0x1  }
0x20f: {  	v3 =	vadd.s32 v1, v3;
	_ =	sdelay $0x2  }
0x210: {  	[tilespmem:s7], [sflag:$0x2] =	stream.indirect_vreg.gather [hbm4b:s3+s4], $0x80, v4, vm0, $0xb8;
	[tilespmem:$0x10100] =	vst v63  }
0x211: {  	_ = 	snop  }
0x212: {  	[tilespmem:s11], [sflag:$0x2] =	stream.indirect_vreg.gather [hbm4b:s3+s4], $0x80, v3, vm0, $0xb8;
	[tilespmem:$0x10100] =	vst v63  }
0x213: {  	v3 =	vld [tilespmem:$0xA0];
	_ =	sdelay $0x4  }
0x214: {  	v42 =	vshll.u32 v3, $0x1  }
0x215: {  	v3 =	vand.u32 $0x7, v3;
	v4 =	vand.u32 $0xFFFFFFF0, v42  }
0x216: {  	v3 =	vor.u32 v3, v4  }
0x217: {  	v4 =	vperm.xlane v3, v0;
	_ =	sdelay $0x1  }
0x218: {  	v3 =	vperm.xlane v3, v2;
	v4 =	vadd.s32 v1, v4;
	_ =	sdelay $0x1  }
0x219: {  	v3 =	vadd.s32 v1, v3;
	_ =	sdelay $0x1  }
0x21a: {  	s29 =	simm.s32 $0xA100  }
0x21b: {  	[tilespmem:s29], [sflag:$0x2] =	stream.indirect_vreg.gather [hbm4b:s3+s4], $0x80, v4, vm0, $0xb8;
	[tilespmem:$0x10100] =	vst v63  }
0x21c: {  	s30 =	simm.s32 $0xA900  }
0x21d: {  	[tilespmem:s30], [sflag:$0x2] =	stream.indirect_vreg.gather [hbm4b:s3+s4], $0x80, v3, vm0, $0xb8;
	[tilespmem:$0x10100] =	vst v63  }
0x21e: {  	v3 =	vld [tilespmem:$0xB0];
	_ =	sdelay $0x4  }
0x21f: {  	v43 =	vshll.u32 v3, $0x1  }
0x220: {  	v3 =	vand.u32 $0x7, v3;
	v4 =	vand.u32 $0xFFFFFFF0, v43  }
0x221: {  	v3 =	vor.u32 v3, v4  }
0x222: {  	v4 =	vperm.xlane v3, v0;
	_ =	sdelay $0x1  }
0x223: {  	v3 =	vperm.xlane v3, v2;
	v4 =	vadd.s32 v1, v4;
	_ =	sdelay $0x1  }
0x224: {  	v3 =	vadd.s32 v1, v3;
	_ =	sdelay $0x1  }
0x225: {  	s20 =	simm.s32 $0xB100  }
0x226: {  	[tilespmem:s20], [sflag:$0x2] =	stream.indirect_vreg.gather [hbm4b:s3+s4], $0x80, v4, vm0, $0xb8;
	[tilespmem:$0x10100] =	vst v63  }
0x227: {  	s31 =	simm.s32 $0xB900  }
0x228: {  	[tilespmem:s31], [sflag:$0x2] =	stream.indirect_vreg.gather [hbm4b:s3+s4], $0x80, v3, vm0, $0xb8;
	[tilespmem:$0x10100] =	vst v63  }
0x229: {  	v3 =	vld [tilespmem:$0xC0];
	_ =	sdelay $0x4  }
0x22a: {  	v44 =	vshll.u32 v3, $0x1  }
0x22b: {  	v3 =	vand.u32 $0x7, v3;
	v4 =	vand.u32 $0xFFFFFFF0, v44  }
0x22c: {  	v3 =	vor.u32 v3, v4  }
0x22d: {  	v4 =	vperm.xlane v3, v0;
	_ =	sdelay $0x1  }
0x22e: {  	v3 =	vperm.xlane v3, v2;
	v4 =	vadd.s32 v1, v4;
	_ =	sdelay $0x1  }
0x22f: {  	v3 =	vadd.s32 v1, v3;
	_ =	sdelay $0x1  }
0x230: {  	s14 =	simm.s32 $0xC100  }
0x231: {  	[tilespmem:s14], [sflag:$0x2] =	stream.indirect_vreg.gather [hbm4b:s3+s4], $0x80, v4, vm0, $0xb8;
	[tilespmem:$0x10100] =	vst v63  }
0x232: {  	s31 =	simm.s32 $0xC900  }
0x233: {  	[tilespmem:s31], [sflag:$0x2] =	stream.indirect_vreg.gather [hbm4b:s3+s4], $0x80, v3, vm0, $0xb8;
	[tilespmem:$0x10100] =	vst v63  }
0x234: {  	v3 =	vld [tilespmem:$0xD0];
	_ =	sdelay $0x4  }
0x235: {  	v45 =	vshll.u32 v3, $0x1  }
0x236: {  	v3 =	vand.u32 $0x7, v3;
	v4 =	vand.u32 $0xFFFFFFF0, v45  }
0x237: {  	v3 =	vor.u32 v3, v4  }
0x238: {  	v4 =	vperm.xlane v3, v0;
	_ =	sdelay $0x1  }
0x239: {  	v3 =	vperm.xlane v3, v2;
	v4 =	vadd.s32 v1, v4;
	_ =	sdelay $0x1  }
0x23a: {  	v3 =	vadd.s32 v1, v3;
	_ =	sdelay $0x1  }
0x23b: {  	s0 =	simm.s32 $0xD100  }
0x23c: {  	[tilespmem:s0], [sflag:$0x2] =	stream.indirect_vreg.gather [hbm4b:s3+s4], $0x80, v4, vm0, $0xb8;
	[tilespmem:$0x10100] =	vst v63  }
0x23d: {  	s17 =	simm.s32 $0xD900  }
0x23e: {  	[tilespmem:s17], [sflag:$0x2] =	stream.indirect_vreg.gather [hbm4b:s3+s4], $0x80, v3, vm0, $0xb8;
	[tilespmem:$0x10100] =	vst v63  }
0x23f: {  	v3 =	vld [tilespmem:$0xE0];
	_ =	sdelay $0x4  }
0x240: {  	v46 =	vshll.u32 v3, $0x1  }
0x241: {  	v3 =	vand.u32 $0x7, v3;
	v4 =	vand.u32 $0xFFFFFFF0, v46  }
0x242: {  	v3 =	vor.u32 v3, v4  }
0x243: {  	v4 =	vperm.xlane v3, v0;
	_ =	sdelay $0x1  }
0x244: {  	v3 =	vperm.xlane v3, v2;
	v4 =	vadd.s32 v1, v4;
	_ =	sdelay $0x1  }
0x245: {  	v3 =	vadd.s32 v1, v3;
	_ =	sdelay $0x1  }
0x246: {  	s19 =	simm.s32 $0xE100  }
0x247: {  	[tilespmem:s19], [sflag:$0x2] =	stream.indirect_vreg.gather [hbm4b:s3+s4], $0x80, v4, vm0, $0xb8;
	[tilespmem:$0x10100] =	vst v63  }
0x248: {  	s19 =	simm.s32 $0xE900  }
0x249: {  	[tilespmem:s19], [sflag:$0x2] =	stream.indirect_vreg.gather [hbm4b:s3+s4], $0x80, v3, vm0, $0xb8;
	[tilespmem:$0x10100] =	vst v63  }
0x24a: {  	v3 =	vld [tilespmem:$0xF0];
	_ =	sdelay $0x4  }
0x24b: {  	v47 =	vshll.u32 v3, $0x1  }
0x24c: {  	v3 =	vand.u32 $0x7, v3;
	v4 =	vand.u32 $0xFFFFFFF0, v47  }
0x24d: {  	v3 =	vor.u32 v3, v4  }
0x24e: {  	v4 =	vperm.xlane v3, v0;
	_ =	sdelay $0x1  }
0x24f: {  	v3 =	vperm.xlane v3, v2;
	v4 =	vadd.s32 v1, v4;
	_ =	sdelay $0x1  }
0x250: {  	v3 =	vadd.s32 v1, v3;
	_ =	sdelay $0x1  }
0x251: {  	s21 =	simm.s32 $0xF100  }
0x252: {  	[tilespmem:s21], [sflag:$0x2] =	stream.indirect_vreg.gather [hbm4b:s3+s4], $0x80, v4, vm0, $0xb8;
	[tilespmem:$0x10100] =	vst v63  }
0x253: {  	s21 =	simm.s32 $0xF900  }
0x254: {  	[tilespmem:s21], [sflag:$0x2] =	stream.indirect_vreg.gather [hbm4b:s3+s4], $0x80, v3, vm0, $0xb8;
	[tilespmem:$0x10100] =	vst v63  }
0x255: {  	_ =	swait.ge [sflag:s15], $0x8000  }
0x256: {  	[sflag:s15] =	ssyncset.done $0x0  }
0x257: {  	s0 =	rddreg [dreg:$0x10];
	[sflag:s15] =	ssyncadd.s32 $0xFFFF8000  }
0x258: {  	[hbm4b:s0+s4] =	stream.linear.scatter [tilespmem:s25], [sflag:$0x3], $0x8000, $0x38;
	[tilespmem:$0x10100] =	vst v63  }
0x259: {  	_ =	swait.ge [sflag:s6], $0x8000  }
0x25a: {  	[sflag:s6] =	ssyncset.done $0x0  }
0x25b: {  	[sflag:s6] =	ssyncadd.s32 $0xFFFF8000  }
0x25c: {  	_ =	swait.ge [sflag:s16], $0x8000  }
0x25d: {  	[sflag:s16] =	ssyncset.done $0x0  }
0x25e: {  	s0 =	rddreg [dreg:$0x11];
	[sflag:s16] =	ssyncadd.s32 $0xFFFF8000  }
0x25f: {  	[hbm4b:s0+s4] =	stream.linear.scatter [tilespmem:s24], [sflag:$0x3], $0x8000, $0x38;
	[tilespmem:$0x10100] =	vst v63  }
0x260: {  	_ =	swait.ge [sflag:s6], $0x8000  }
0x261: {  	[sflag:s6] =	ssyncset.done $0x0  }
0x262: {  	s0 =	rddreg [dreg:$0x12];
	[sflag:s6] =	ssyncadd.s32 $0xFFFF8000  }
0x263: {  	[tilespmem:s4], [sflag:$0x3] =	stream.linear.gather [hbm4b:s0+s4], $0x80, $0x38;
	[tilespmem:$0x10100] =	vst v63  }
0x264: {  	_ =	swait.ge [sflag:s6], $0x80  }
0x265: {  	[sflag:s6] =	ssyncset.done $0x0  }
0x266: {  	s0 =	simm.s32 $0x80;
	s17 =	rddreg [dreg:$0x13];
	[sflag:s6] =	ssyncadd.s32 $0xFFFFFF80  }
0x267: {  	[tilespmem:s0], [sflag:$0x3] =	stream.linear.gather [hbm4b:s17+s4], $0x80, $0x38;
	[tilespmem:$0x10100] =	vst v63  }
0x268: {  	_ =	swait.ge [sflag:s6], $0x80  }
0x269: {  	[sflag:s6] =	ssyncset.done $0x0  }
0x26a: {  	[sflag:s6] =	ssyncadd.s32 $0xFFFFFF80  }
0x26b: {  	v3 =	vld [tilespmem:$0x0];
	_ =	sdelay $0x4  }
0x26c: {  	v48 =	vshll.u32 v3, $0x1  }
0x26d: {  	v3 =	vand.u32 $0x7, v3;
	v4 =	vand.u32 $0xFFFFFFF0, v48  }
0x26e: {  	v3 =	vor.u32 v3, v4  }
0x26f: {  	v4 =	vperm.xlane v3, v0;
	_ =	sdelay $0x1  }
0x270: {  	v3 =	vperm.xlane v3, v2;
	v4 =	vadd.s32 v1, v4;
	_ =	sdelay $0x1  }
0x271: {  	v3 =	vadd.s32 v1, v3;
	_ =	sdelay $0x2  }
0x272: {  	[tilespmem:s25], [sflag:$0x1] =	stream.indirect_vreg.gather [hbm4b:s1+s4], $0x80, v4, vm0, $0xb8;
	[tilespmem:$0x10100] =	vst v63  }
0x273: {  	s17 =	simm.s32 $0x900  }
0x274: {  	[tilespmem:s17], [sflag:$0x1] =	stream.indirect_vreg.gather [hbm4b:s1+s4], $0x80, v3, vm0, $0xb8;
	[tilespmem:$0x10100] =	vst v63  }
0x275: {  	v3 =	vld [tilespmem:$0x10];
	_ =	sdelay $0x4  }
0x276: {  	v49 =	vshll.u32 v3, $0x1  }
0x277: {  	v3 =	vand.u32 $0x7, v3;
	v4 =	vand.u32 $0xFFFFFFF0, v49  }
0x278: {  	v3 =	vor.u32 v3, v4  }
0x279: {  	v4 =	vperm.xlane v3, v0;
	_ =	sdelay $0x1  }
0x27a: {  	v3 =	vperm.xlane v3, v2;
	v4 =	vadd.s32 v1, v4;
	_ =	sdelay $0x1  }
0x27b: {  	v3 =	vadd.s32 v1, v3;
	_ =	sdelay $0x1  }
0x27c: {  	s0 =	simm.s32 $0x1100  }
0x27d: {  	[tilespmem:s0], [sflag:$0x1] =	stream.indirect_vreg.gather [hbm4b:s1+s4], $0x80, v4, vm0, $0xb8;
	[tilespmem:$0x10100] =	vst v63  }
0x27e: {  	s28 =	simm.s32 $0x1900  }
0x27f: {  	[tilespmem:s28], [sflag:$0x1] =	stream.indirect_vreg.gather [hbm4b:s1+s4], $0x80, v3, vm0, $0xb8;
	[tilespmem:$0x10100] =	vst v63  }
0x280: {  	v3 =	vld [tilespmem:$0x20];
	_ =	sdelay $0x4  }
0x281: {  	v50 =	vshll.u32 v3, $0x1  }
0x282: {  	v3 =	vand.u32 $0x7, v3;
	v4 =	vand.u32 $0xFFFFFFF0, v50  }
0x283: {  	v3 =	vor.u32 v3, v4  }
0x284: {  	v4 =	vperm.xlane v3, v0;
	_ =	sdelay $0x1  }
0x285: {  	v3 =	vperm.xlane v3, v2;
	v4 =	vadd.s32 v1, v4;
	_ =	sdelay $0x1  }
0x286: {  	v3 =	vadd.s32 v1, v3;
	_ =	sdelay $0x1  }
0x287: {  	s0 =	simm.s32 $0x2100  }
0x288: {  	[tilespmem:s0], [sflag:$0x1] =	stream.indirect_vreg.gather [hbm4b:s1+s4], $0x80, v4, vm0, $0xb8;
	[tilespmem:$0x10100] =	vst v63  }
0x289: {  	s17 =	simm.s32 $0x2900  }
0x28a: {  	[tilespmem:s17], [sflag:$0x1] =	stream.indirect_vreg.gather [hbm4b:s1+s4], $0x80, v3, vm0, $0xb8;
	[tilespmem:$0x10100] =	vst v63  }
0x28b: {  	v3 =	vld [tilespmem:$0x30];
	_ =	sdelay $0x4  }
0x28c: {  	v51 =	vshll.u32 v3, $0x1  }
0x28d: {  	v3 =	vand.u32 $0x7, v3;
	v4 =	vand.u32 $0xFFFFFFF0, v51  }
0x28e: {  	v3 =	vor.u32 v3, v4  }
0x28f: {  	v4 =	vperm.xlane v3, v0;
	_ =	sdelay $0x1  }
0x290: {  	v3 =	vperm.xlane v3, v2;
	v4 =	vadd.s32 v1, v4;
	_ =	sdelay $0x1  }
0x291: {  	v3 =	vadd.s32 v1, v3;
	_ =	sdelay $0x1  }
0x292: {  	s28 =	simm.s32 $0x3100  }
0x293: {  	[tilespmem:s28], [sflag:$0x1] =	stream.indirect_vreg.gather [hbm4b:s1+s4], $0x80, v4, vm0, $0xb8;
	[tilespmem:$0x10100] =	vst v63  }
0x294: {  	s23 =	simm.s32 $0x3900  }
0x295: {  	[tilespmem:s23], [sflag:$0x1] =	stream.indirect_vreg.gather [hbm4b:s1+s4], $0x80, v3, vm0, $0xb8;
	[tilespmem:$0x10100] =	vst v63  }
0x296: {  	v3 =	vld [tilespmem:$0x40];
	_ =	sdelay $0x4  }
0x297: {  	v52 =	vshll.u32 v3, $0x1  }
0x298: {  	v3 =	vand.u32 $0x7, v3;
	v4 =	vand.u32 $0xFFFFFFF0, v52  }
0x299: {  	v3 =	vor.u32 v3, v4  }
0x29a: {  	v4 =	vperm.xlane v3, v0;
	_ =	sdelay $0x1  }
0x29b: {  	v3 =	vperm.xlane v3, v2;
	v4 =	vadd.s32 v1, v4;
	_ =	sdelay $0x1  }
0x29c: {  	v3 =	vadd.s32 v1, v3;
	_ =	sdelay $0x1  }
0x29d: {  	s0 =	simm.s32 $0x4100  }
0x29e: {  	[tilespmem:s0], [sflag:$0x1] =	stream.indirect_vreg.gather [hbm4b:s1+s4], $0x80, v4, vm0, $0xb8;
	[tilespmem:$0x10100] =	vst v63  }
0x29f: {  	s22 =	simm.s32 $0x4900  }
0x2a0: {  	[tilespmem:s22], [sflag:$0x1] =	stream.indirect_vreg.gather [hbm4b:s1+s4], $0x80, v3, vm0, $0xb8;
	[tilespmem:$0x10100] =	vst v63  }
0x2a1: {  	v3 =	vld [tilespmem:$0x50];
	_ =	sdelay $0x4  }
0x2a2: {  	v53 =	vshll.u32 v3, $0x1  }
0x2a3: {  	v3 =	vand.u32 $0x7, v3;
	v4 =	vand.u32 $0xFFFFFFF0, v53  }
0x2a4: {  	v3 =	vor.u32 v3, v4  }
0x2a5: {  	v4 =	vperm.xlane v3, v0;
	_ =	sdelay $0x1  }
0x2a6: {  	v3 =	vperm.xlane v3, v2;
	v4 =	vadd.s32 v1, v4;
	_ =	sdelay $0x1  }
0x2a7: {  	v3 =	vadd.s32 v1, v3;
	_ =	sdelay $0x1  }
0x2a8: {  	s12 =	simm.s32 $0x5100  }
0x2a9: {  	[tilespmem:s12], [sflag:$0x1] =	stream.indirect_vreg.gather [hbm4b:s1+s4], $0x80, v4, vm0, $0xb8;
	[tilespmem:$0x10100] =	vst v63  }
0x2aa: {  	s13 =	simm.s32 $0x5900  }
0x2ab: {  	[tilespmem:s13], [sflag:$0x1] =	stream.indirect_vreg.gather [hbm4b:s1+s4], $0x80, v3, vm0, $0xb8;
	[tilespmem:$0x10100] =	vst v63  }
0x2ac: {  	v3 =	vld [tilespmem:$0x60];
	_ =	sdelay $0x4  }
0x2ad: {  	v54 =	vshll.u32 v3, $0x1  }
0x2ae: {  	v3 =	vand.u32 $0x7, v3;
	v4 =	vand.u32 $0xFFFFFFF0, v54  }
0x2af: {  	v3 =	vor.u32 v3, v4  }
0x2b0: {  	v4 =	vperm.xlane v3, v0;
	_ =	sdelay $0x1  }
0x2b1: {  	v3 =	vperm.xlane v3, v2;
	v4 =	vadd.s32 v1, v4;
	_ =	sdelay $0x1  }
0x2b2: {  	v3 =	vadd.s32 v1, v3;
	_ =	sdelay $0x1  }
0x2b3: {  	s22 =	simm.s32 $0x6100  }
0x2b4: {  	[tilespmem:s22], [sflag:$0x1] =	stream.indirect_vreg.gather [hbm4b:s1+s4], $0x80, v4, vm0, $0xb8;
	[tilespmem:$0x10100] =	vst v63  }
0x2b5: {  	s8 =	simm.s32 $0x6900  }
0x2b6: {  	[tilespmem:s8], [sflag:$0x1] =	stream.indirect_vreg.gather [hbm4b:s1+s4], $0x80, v3, vm0, $0xb8;
	[tilespmem:$0x10100] =	vst v63  }
0x2b7: {  	v3 =	vld [tilespmem:$0x70];
	_ =	sdelay $0x4  }
0x2b8: {  	v55 =	vshll.u32 v3, $0x1  }
0x2b9: {  	v3 =	vand.u32 $0x7, v3;
	v4 =	vand.u32 $0xFFFFFFF0, v55  }
0x2ba: {  	v3 =	vor.u32 v3, v4  }
0x2bb: {  	v4 =	vperm.xlane v3, v0;
	_ =	sdelay $0x1  }
0x2bc: {  	v3 =	vperm.xlane v3, v2;
	v4 =	vadd.s32 v1, v4;
	_ =	sdelay $0x1  }
0x2bd: {  	v3 =	vadd.s32 v1, v3;
	_ =	sdelay $0x1  }
0x2be: {  	s2 =	simm.s32 $0x7100  }
0x2bf: {  	[tilespmem:s2], [sflag:$0x1] =	stream.indirect_vreg.gather [hbm4b:s1+s4], $0x80, v4, vm0, $0xb8;
	[tilespmem:$0x10100] =	vst v63  }
0x2c0: {  	s9 =	simm.s32 $0x7900  }
0x2c1: {  	[tilespmem:s9], [sflag:$0x1] =	stream.indirect_vreg.gather [hbm4b:s1+s4], $0x80, v3, vm0, $0xb8;
	[tilespmem:$0x10100] =	vst v63  }
0x2c2: {  	v3 =	vld [tilespmem:$0x80];
	_ =	sdelay $0x4  }
0x2c3: {  	v56 =	vshll.u32 v3, $0x1  }
0x2c4: {  	v3 =	vand.u32 $0x7, v3;
	v4 =	vand.u32 $0xFFFFFFF0, v56  }
0x2c5: {  	v3 =	vor.u32 v3, v4  }
0x2c6: {  	v4 =	vperm.xlane v3, v0;
	_ =	sdelay $0x1  }
0x2c7: {  	v3 =	vperm.xlane v3, v2;
	v4 =	vadd.s32 v1, v4;
	_ =	sdelay $0x1  }
0x2c8: {  	v3 =	vadd.s32 v1, v3;
	_ =	sdelay $0x2  }
0x2c9: {  	[tilespmem:s24], [sflag:$0x2] =	stream.indirect_vreg.gather [hbm4b:s3+s4], $0x80, v4, vm0, $0xb8;
	[tilespmem:$0x10100] =	vst v63  }
0x2ca: {  	s10 =	simm.s32 $0x8900  }
0x2cb: {  	[tilespmem:s10], [sflag:$0x2] =	stream.indirect_vreg.gather [hbm4b:s3+s4], $0x80, v3, vm0, $0xb8;
	[tilespmem:$0x10100] =	vst v63  }
0x2cc: {  	v3 =	vld [tilespmem:$0x90];
	_ =	sdelay $0x4  }
0x2cd: {  	v57 =	vshll.u32 v3, $0x1  }
0x2ce: {  	v3 =	vand.u32 $0x7, v3;
	v4 =	vand.u32 $0xFFFFFFF0, v57  }
0x2cf: {  	v3 =	vor.u32 v3, v4  }
0x2d0: {  	v4 =	vperm.xlane v3, v0;
	_ =	sdelay $0x1  }
0x2d1: {  	v3 =	vperm.xlane v3, v2;
	v4 =	vadd.s32 v1, v4;
	_ =	sdelay $0x1  }
0x2d2: {  	v3 =	vadd.s32 v1, v3;
	_ =	sdelay $0x1  }
0x2d3: {  	s7 =	simm.s32 $0x9100  }
0x2d4: {  	[tilespmem:s7], [sflag:$0x2] =	stream.indirect_vreg.gather [hbm4b:s3+s4], $0x80, v4, vm0, $0xb8;
	[tilespmem:$0x10100] =	vst v63  }
0x2d5: {  	s11 =	simm.s32 $0x9900  }
0x2d6: {  	[tilespmem:s11], [sflag:$0x2] =	stream.indirect_vreg.gather [hbm4b:s3+s4], $0x80, v3, vm0, $0xb8;
	[tilespmem:$0x10100] =	vst v63  }
0x2d7: {  	v3 =	vld [tilespmem:$0xA0];
	_ =	sdelay $0x4  }
0x2d8: {  	v58 =	vshll.u32 v3, $0x1  }
0x2d9: {  	v3 =	vand.u32 $0x7, v3;
	v4 =	vand.u32 $0xFFFFFFF0, v58  }
0x2da: {  	v3 =	vor.u32 v3, v4  }
0x2db: {  	v4 =	vperm.xlane v3, v0;
	_ =	sdelay $0x1  }
0x2dc: {  	v3 =	vperm.xlane v3, v2;
	v4 =	vadd.s32 v1, v4;
	_ =	sdelay $0x1  }
0x2dd: {  	v3 =	vadd.s32 v1, v3;
	_ =	sdelay $0x1  }
0x2de: {  	s18 =	simm.s32 $0xA100  }
0x2df: {  	[tilespmem:s18], [sflag:$0x2] =	stream.indirect_vreg.gather [hbm4b:s3+s4], $0x80, v4, vm0, $0xb8;
	[tilespmem:$0x10100] =	vst v63  }
0x2e0: {  	s23 =	simm.s32 $0xA900  }
0x2e1: {  	[tilespmem:s23], [sflag:$0x2] =	stream.indirect_vreg.gather [hbm4b:s3+s4], $0x80, v3, vm0, $0xb8;
	[tilespmem:$0x10100] =	vst v63  }
0x2e2: {  	v3 =	vld [tilespmem:$0xB0];
	_ =	sdelay $0x4  }
0x2e3: {  	v59 =	vshll.u32 v3, $0x1  }
0x2e4: {  	v3 =	vand.u32 $0x7, v3;
	v4 =	vand.u32 $0xFFFFFFF0, v59  }
0x2e5: {  	v3 =	vor.u32 v3, v4  }
0x2e6: {  	v4 =	vperm.xlane v3, v0;
	_ =	sdelay $0x1  }
0x2e7: {  	v3 =	vperm.xlane v3, v2;
	v4 =	vadd.s32 v1, v4;
	_ =	sdelay $0x1  }
0x2e8: {  	v3 =	vadd.s32 v1, v3;
	_ =	sdelay $0x1  }
0x2e9: {  	s30 =	simm.s32 $0xB100  }
0x2ea: {  	[tilespmem:s30], [sflag:$0x2] =	stream.indirect_vreg.gather [hbm4b:s3+s4], $0x80, v4, vm0, $0xb8;
	[tilespmem:$0x10100] =	vst v63  }
0x2eb: {  	s29 =	simm.s32 $0xB900  }
0x2ec: {  	[tilespmem:s29], [sflag:$0x2] =	stream.indirect_vreg.gather [hbm4b:s3+s4], $0x80, v3, vm0, $0xb8;
	[tilespmem:$0x10100] =	vst v63  }
0x2ed: {  	v3 =	vld [tilespmem:$0xC0];
	_ =	sdelay $0x4  }
0x2ee: {  	v60 =	vshll.u32 v3, $0x1  }
0x2ef: {  	v3 =	vand.u32 $0x7, v3;
	v4 =	vand.u32 $0xFFFFFFF0, v60  }
0x2f0: {  	v3 =	vor.u32 v3, v4  }
0x2f1: {  	v4 =	vperm.xlane v3, v0;
	_ =	sdelay $0x1  }
0x2f2: {  	v3 =	vperm.xlane v3, v2;
	v4 =	vadd.s32 v1, v4;
	_ =	sdelay $0x1  }
0x2f3: {  	v3 =	vadd.s32 v1, v3;
	_ =	sdelay $0x1  }
0x2f4: {  	s20 =	simm.s32 $0xC100  }
0x2f5: {  	[tilespmem:s20], [sflag:$0x2] =	stream.indirect_vreg.gather [hbm4b:s3+s4], $0x80, v4, vm0, $0xb8;
	[tilespmem:$0x10100] =	vst v63  }
0x2f6: {  	s26 =	simm.s32 $0xC900  }
0x2f7: {  	[tilespmem:s26], [sflag:$0x2] =	stream.indirect_vreg.gather [hbm4b:s3+s4], $0x80, v3, vm0, $0xb8;
	[tilespmem:$0x10100] =	vst v63  }
0x2f8: {  	v3 =	vld [tilespmem:$0xD0];
	_ =	sdelay $0x4  }
0x2f9: {  	v61 =	vshll.u32 v3, $0x1  }
0x2fa: {  	v3 =	vand.u32 $0x7, v3;
	v4 =	vand.u32 $0xFFFFFFF0, v61  }
0x2fb: {  	v3 =	vor.u32 v3, v4  }
0x2fc: {  	v4 =	vperm.xlane v3, v0;
	_ =	sdelay $0x1  }
0x2fd: {  	v3 =	vperm.xlane v3, v2;
	v4 =	vadd.s32 v1, v4;
	_ =	sdelay $0x1  }
0x2fe: {  	v3 =	vadd.s32 v1, v3;
	_ =	sdelay $0x1  }
0x2ff: {  	s31 =	simm.s32 $0xD100  }
0x300: {  	[tilespmem:s31], [sflag:$0x2] =	stream.indirect_vreg.gather [hbm4b:s3+s4], $0x80, v4, vm0, $0xb8;
	[tilespmem:$0x10100] =	vst v63  }
0x301: {  	s28 =	simm.s32 $0xD900  }
0x302: {  	[tilespmem:s28], [sflag:$0x2] =	stream.indirect_vreg.gather [hbm4b:s3+s4], $0x80, v3, vm0, $0xb8;
	[tilespmem:$0x10100] =	vst v63  }
0x303: {  	v3 =	vld [tilespmem:$0xE0];
	_ =	sdelay $0x4  }
0x304: {  	v62 =	vshll.u32 v3, $0x1  }
0x305: {  	v3 =	vand.u32 $0x7, v3;
	v4 =	vand.u32 $0xFFFFFFF0, v62  }
0x306: {  	v3 =	vor.u32 v3, v4  }
0x307: {  	v4 =	vperm.xlane v3, v0;
	_ =	sdelay $0x1  }
0x308: {  	v3 =	vperm.xlane v3, v2;
	v4 =	vadd.s32 v1, v4;
	_ =	sdelay $0x1  }
0x309: {  	v3 =	vadd.s32 v1, v3;
	_ =	sdelay $0x1  }
0x30a: {  	s14 =	simm.s32 $0xE100  }
0x30b: {  	[tilespmem:s14], [sflag:$0x2] =	stream.indirect_vreg.gather [hbm4b:s3+s4], $0x80, v4, vm0, $0xb8;
	[tilespmem:$0x10100] =	vst v63  }
0x30c: {  	s29 =	simm.s32 $0xE900  }
0x30d: {  	[tilespmem:s29], [sflag:$0x2] =	stream.indirect_vreg.gather [hbm4b:s3+s4], $0x80, v3, vm0, $0xb8;
	[tilespmem:$0x10100] =	vst v63  }
0x30e: {  	v3 =	vld [tilespmem:$0xF0];
	_ =	sdelay $0x4  }
0x30f: {  	v63 =	vshll.u32 v3, $0x1  }
0x310: {  	v3 =	vand.u32 $0x7, v3;
	v4 =	vand.u32 $0xFFFFFFF0, v63  }
0x311: {  	v3 =	vor.u32 v3, v4  }
0x312: {  	v4 =	vperm.xlane v3, v0;
	_ =	sdelay $0x1  }
0x313: {  	v3 =	vperm.xlane v3, v2;
	v4 =	vadd.s32 v1, v4;
	_ =	sdelay $0x1  }
0x314: {  	v3 =	vadd.s32 v1, v3;
	_ =	sdelay $0x1  }
0x315: {  	s19 =	simm.s32 $0xF100  }
0x316: {  	[tilespmem:s19], [sflag:$0x2] =	stream.indirect_vreg.gather [hbm4b:s3+s4], $0x80, v4, vm0, $0xb8;
	[tilespmem:$0x10100] =	vst v63  }
0x317: {  	s21 =	simm.s32 $0xF900  }
0x318: {  	[tilespmem:s21], [sflag:$0x2] =	stream.indirect_vreg.gather [hbm4b:s3+s4], $0x80, v3, vm0, $0xb8;
	[tilespmem:$0x10100] =	vst v63  }
0x319: {  	_ =	swait.ge [sflag:s15], $0x8000  }
0x31a: {  	[sflag:s15] =	ssyncset.done $0x0  }
0x31b: {  	s30 =	rddreg [dreg:$0x14];
	[sflag:s15] =	ssyncadd.s32 $0xFFFF8000  }
0x31c: {  	[hbm4b:s30+s4] =	stream.linear.scatter [tilespmem:s25], [sflag:$0x3], $0x8000, $0x38;
	[tilespmem:$0x10100] =	vst v63  }
0x31d: {  	_ =	swait.ge [sflag:s6], $0x8000  }
0x31e: {  	[sflag:s6] =	ssyncset.done $0x0  }
0x31f: {  	[sflag:s6] =	ssyncadd.s32 $0xFFFF8000  }
0x320: {  	_ =	swait.ge [sflag:s16], $0x8000  }
0x321: {  	p0 =	sne.s32 s5, $0x1;
	[sflag:s16] =	ssyncset.done $0x0  }
.Ltmp0:
0x322: {  	s31 =	rddreg [dreg:$0x15];
	[sflag:s16] =	ssyncadd.s32 $0xFFFF8000;
	(pc) =	sbr.rel @p0 .LBB2_1-.Ltmp0, $4  }
0x323: {  	[hbm4b:s31+s4] =	stream.linear.scatter [tilespmem:s24], [sflag:$0x3], $0x8000, $0x38;
	[tilespmem:$0x10100] =	vst v63  }
0x324: {  	_ =	swait.ge [sflag:s6], $0x8000  }
0x325: {  	[sflag:s6] =	ssyncset.done $0x0  }
0x326: {  	s5 =	sadd.s32 $0xFFFFFFFF, s5;
	[sflag:s6] =	ssyncadd.s32 $0xFFFF8000  }
0x327: {  	_ =	sfence.sel $0x180000  }
0x328: {  	[bflag:$0x0] =	sbarrier.arrive $0xFFFF  }
0x329: {  	_ =	strace $0x90000047  }
0x32a: {  	s0 =	stileid.u32;
	[bflag:$0x2] =	sbarrier.arrive $0xFFFF  }
0x32b: {  	p0 =	sne.s32 s0, $0x0;
	s0 =	rddreg [dreg:$0x5]  }
0x32c: {  	s0 =	sadd.s32 @!p0 $0x100000, s0  }
0x32d: {  	[sflag:s0] =	ssyncadd.tile.s32 @!p0 $0x1;
	_ =	shalt  }
.Lfunc_end2:
_tile_overlayer_lowered:
.L_overlay_start_2:
0x32e: {  	(tag) =	ssettag $0x2  }
0x32f: {  	s0 =	rddreg [dreg:$0x0];
	s2 =	stileid.u32  }
0x330: {  	s1 =	rddreg [dreg:$0x1];
	p0 =	sne.s32 s2, $0x0  }
0x331: {  	s3 =	rddreg [dreg:$0x2];
	[bflag:$0x3] =	sbarrier.arrive $0xFFFF;
	s2 =	simm.s32 @!p0 $0x1C03  }
0x332: {  	[timem:s3], [sflag:s2] =	dma.local @!p0 [hbm:s0], s1  }
0x333: {  	s0 =	simm.s32 @!p0 $0x3  }
0x334: {  	_ =	swait.ge @!p0 [sflag:s0], s1  }
0x335: {  	s1 =	ssub.s32 @!p0 $0x0, s1;
	[sflag:s0] =	ssyncset.done @!p0 $0x0  }
0x336: {  	[sflag:s0] =	ssyncadd.s32 @!p0 s1  }
0x337: {  	[bflag:$0x3] =	sbarrier.arrive $0xFFFF  }
0x338: {  	_ =	shalt  }

// kernel: kernel.9.cloned.1.call-start
scs
__scs_entry_jumppad:
0x0: {  	(pc) =	sbr.rel $0x88, $3  }
0x1: {  	(tag) =	ssettag $0x0;
	lr =	simm.s32 $0x1  }
0x2: {  	[smem:$0x3F93] =	sst lr;
	_ =	strace $0xD0000000  }
0x3: {  	_ = 	snop  }
0x4: {  	_ = 	snop  }
0x5: {  	_ = 	snop  }
0x6: {  	_ = 	snop  }
0x7: {  	_ = 	snop  }
__scs_overlays_trampoline_lowered:
0x8: {  	[smem:$0x3FA2] =	sst s0  }
0x9: {  	[smem:$0x3FA3] =	sst s1  }
0xa: {  	[smem:$0x3FA4] =	sst s2  }
0xb: {  	[smem:$0x3FA5] =	sst s3  }
0xc: {  	[smem:$0x3FA6] =	sst s4  }
0xd: {  	[smem:$0x3FA7] =	sst s5  }
0xe: {  	[smem:$0x3FA8] =	sst s6  }
0xf: {  	[smem:$0x3FA9] =	sst s7  }
0x10: {  	[smem:$0x3FAA] =	sst s8  }
0x11: {  	[smem:$0x3FAB] =	sst s9;
	s0 =	simm.s32 @!p0 $0x0  }
0x12: {  	s1 =	sld [smem:$0x3F91];
	s0 =	simm.s32 @p0 $0x1  }
0x13: {  	[smem:$0x3FAC] =	sst s0;
	s0 =	simm.s32 @!p1 $0x0  }
0x14: {  	s2 =	sld [smem:$0x3F90];
	s0 =	simm.s32 @p1 $0x1  }
0x15: {  	[smem:$0x3FAD] =	sst s0;
	s0 =	simm.s32 @!p2 $0x0  }
0x16: {  	s3 =	sld [smem:$0x3FDB];
	s0 =	simm.s32 @p2 $0x1  }
0x17: {  	s4 =	simm.s32 $0x1BF5;
	[smem:$0x3FAF] =	sst s0  }
0x18: {  	s0 =	sld [smem:$0x3F92];
	_ =	swait.ge [sflag:s4], $0x0  }
0x19: {  	s7 =	sld [smem:$0x3F93]  }
0x1a: {  	s8 =	sadd.s32 $0xFFFFE003, lr  }
0x1b: {  	s9 =	sadd.s32 $0xFFFFFEF7, lr;
	s5 =	simm.s32 $0xFFFFFFFF;
	p2 =	slt.u32 s8, $0xFFFFF086  }
0x1c: {  	p1 =	slt.u32 s9, $0xF7A;
	s5 =	simm.s32 @!p2 $0x0  }
0x1d: {  	s5 =	simm.s32 @p1 $0x1;
	p0 =	seq.s32 s7, s2  }
0x1e: {  	s7 =	smul.u32 @!p0 $0xF7A, s2;
	p2 =	seq.s32 @!p0 s5, $0x0  }
0x1f: {  	s9 =	smul.u32 $0xF7A, s1;
	s8 =	simm.s32 @!p0 $0x1BF5;
	p2 =	por !p2, p0  }
0x20: {  	[sflag:s8] =	ssyncset.s32 @!p0 $0xFFFFF086;
	s6 =	sadd.s32 @!p0 s3, s7;
	s7 =	simm.s32 @!p0 $0x108  }
0x21: {  	s3 =	sadd.s32 s3, s9;
	s6 =	sadd.s32 @!p0 $0x88, s6;
	s7 =	simm.s32 @p2 $0x1082  }
0x22: {  	[simem:s7], [sflag:s8] =	dma.local @!p0 [hbm:s6], $0xF7A  }
0x23: {  	s9 =	sor.u32 $0xD0000000, s2;
	s6 =	simm.s32 $0x108;
	_ =	swait.ge @!p0 [sflag:s8], $0x0  }
0x24: {  	s3 =	sadd.s32 $0x88, s3;
	s6 =	simm.s32 @!p1 $0x1082;
	[sflag:s4] =	ssyncset.s32 $0xFFFFF086  }
0x25: {  	[simem:s6], [sflag:s4] =	dma.local [hbm:s3], $0xF7A  }
0x26: {  	[smem:$0x3F93] =	sst s1;
	(tag) =	ssettag s2;
	_ =	strace s9  }
0x27: {  	s1 =	sld [smem:$0x3FA3]  }
0x28: {  	s2 =	sld [smem:$0x3FA4]  }
0x29: {  	s4 =	sld [smem:$0x3FA6]  }
0x2a: {  	p0 =	seq.s32 s5, $0x0;
	s5 =	sld [smem:$0x3FA7]  }
0x2b: {  	s6 =	sld [smem:$0x3FA8]  }
0x2c: {  	s7 =	sld [smem:$0x3FA9]  }
0x2d: {  	s3 =	simm.s32 $0x108;
	s8 =	sld [smem:$0x3FAA]  }
0x2e: {  	s3 =	simm.s32 @!p0 $0x1082;
	s9 =	sld [smem:$0x3FAB]  }
0x2f: {  	lr =	sadd.s32 s0, s3;
	s0 =	sld [smem:$0x3FA2]  }
0x30: {  	s3 =	sld [smem:$0x3FA5]  }
0x31: {  	[smem:$0x3FAE] =	sst s10  }
0x32: {  	s10 =	sld [smem:$0x3FAC];
	_ =	sdelay $0x3  }
0x33: {  	p0 =	seq.s32 s10, $0x1;
	s10 =	sld [smem:$0x3FAE];
	_ =	sdelay $0x3  }
0x34: {  	[smem:$0x3FAE] =	sst s10  }
0x35: {  	s10 =	sld [smem:$0x3FAD];
	_ =	sdelay $0x3  }
0x36: {  	p1 =	seq.s32 s10, $0x1;
	s10 =	sld [smem:$0x3FAE];
	_ =	sdelay $0x3  }
0x37: {  	[smem:$0x3FAE] =	sst s10  }
0x38: {  	s10 =	sld [smem:$0x3FAF]  }
0x39: {  	_ = 	snop;
	(pc) =	sbr.ind lr, $3  }
0x3a: {  	_ = 	snop  }
0x3b: {  	_ = 	snop  }
0x3c: {  	p2 =	seq.s32 s10, $0x1;
	s10 =	sld [smem:$0x3FAE]  }
0x3d: {  	_ =	shalt  }
0x3e: {  	_ =	shalt  }
0x3f: {  	_ =	shalt  }
0x40: {  	_ =	shalt  }
0x41: {  	_ =	shalt  }
0x42: {  	_ =	shalt  }
0x43: {  	_ =	shalt  }
0x44: {  	_ =	shalt  }
0x45: {  	_ =	shalt  }
0x46: {  	_ =	shalt  }
0x47: {  	_ =	shalt  }
0x48: {  	_ =	shalt  }
0x49: {  	_ =	shalt  }
0x4a: {  	_ =	shalt  }
0x4b: {  	_ =	shalt  }
0x4c: {  	_ =	shalt  }
0x4d: {  	_ =	shalt  }
0x4e: {  	_ =	shalt  }
0x4f: {  	_ =	shalt  }
0x50: {  	_ =	shalt  }
0x51: {  	_ =	shalt  }
0x52: {  	_ =	shalt  }
0x53: {  	_ =	shalt  }
0x54: {  	_ =	shalt  }
0x55: {  	_ =	shalt  }
0x56: {  	_ =	shalt  }
0x57: {  	_ =	shalt  }
0x58: {  	_ =	shalt  }
0x59: {  	_ =	shalt  }
0x5a: {  	_ =	shalt  }
0x5b: {  	_ =	shalt  }
0x5c: {  	_ =	shalt  }
0x5d: {  	_ =	shalt  }
0x5e: {  	_ =	shalt  }
0x5f: {  	_ =	shalt  }
0x60: {  	_ =	shalt  }
0x61: {  	_ =	shalt  }
0x62: {  	_ =	shalt  }
0x63: {  	_ =	shalt  }
0x64: {  	_ =	shalt  }
0x65: {  	_ =	shalt  }
0x66: {  	_ =	shalt  }
0x67: {  	_ =	shalt  }
0x68: {  	_ =	shalt  }
0x69: {  	_ =	shalt  }
0x6a: {  	_ =	shalt  }
0x6b: {  	_ =	shalt  }
0x6c: {  	_ =	shalt  }
0x6d: {  	_ =	shalt  }
0x6e: {  	_ =	shalt  }
0x6f: {  	_ =	shalt  }
0x70: {  	_ =	shalt  }
0x71: {  	_ =	shalt  }
0x72: {  	_ =	shalt  }
0x73: {  	_ =	shalt  }
0x74: {  	_ =	shalt  }
0x75: {  	_ =	shalt  }
0x76: {  	_ =	shalt  }
0x77: {  	_ =	shalt  }
0x78: {  	_ =	shalt  }
0x79: {  	_ =	shalt  }
0x7a: {  	_ =	shalt  }
0x7b: {  	_ =	shalt  }
0x7c: {  	_ =	shalt  }
0x7d: {  	_ =	shalt  }
0x7e: {  	_ =	shalt  }
0x7f: {  	_ =	shalt  }
0x80: {  	_ =	shalt  }
0x81: {  	_ =	shalt  }
0x82: {  	_ =	shalt  }
0x83: {  	_ =	shalt  }
0x84: {  	_ =	shalt  }
0x85: {  	_ =	shalt  }
0x86: {  	_ =	shalt  }
0x87: {  	_ =	shalt  }
.Lfunc_end0:
.L_simem_size_0:
called_computation.1_lowered:
.L_overlay_start_0:
0x88: {  	s2 =	sld [smem:$0x3FD9]  }
0x89: {  	s3 =	sld [smem:$0x3FFE];
	_ =	sdelay $0x1  }
0x8a: {  	s1 =	srdreg.scid  }
0x8b: {  	s0 =	sand.u32 $0x1, s1  }
0x8c: {  	s16 =	sshll.u32 s0, $0xA;
	s2 =	sadd.s32 s3, s2  }
0x8d: {  	s2 =	sadd.s32 s2, s16  }
0x8e: {  	[smem:$0x3FBA] =	sst s2  }
0x8f: {  	_ = 	snop  }
0x90: {  	(tm) =	ssettm $0x1  }
0x91: {  	s17 =	sld [smem:$0x3FFB];
	_ =	sdelay $0x3  }
0x92: {  	_ =	strace s17  }
0x93: {  	s2 =	sld [smem:$0x3FFC];
	_ =	sdelay $0x3  }
0x94: {  	_ =	strace s2  }
0x95: {  	s2 =	sld [smem:$0x3FFD];
	_ =	sdelay $0x3  }
0x96: {  	_ =	strace s2  }
0x97: {  	_ =	strace $0x8FFFFFFF  }
0x98: {  	s18 =	sld [smem:$0x3FDB];
	_ =	sdelay $0x1  }
0x99: {  	s19 =	simm.s32 $_scs_section_size  }
0x9a: {  	s4 =	simm.s32 $_size__tile_overlayer_lowered;
	s5 =	simm.s32 $_tile_overlayer_lowered  }
0x9b: {  	s22 =	simm.s32 $0x1BFF;
	s21 =	sshll.u32 s5, $0x1;
	s2 =	sadd.s32 s19, s18  }
0x9c: {  	s6 =	simm.s32 $0x0;
	s20 =	sshll.u32 s4, $0x1;
	s4 =	sadd.s32 s21, s2  }
0x9d: {  	[timem:s6], [sflag:s22] =	dma.local [hbm:s4], s20  }
0x9e: {  	_ =	swait.ge [sflag:s22], s20  }
0x9f: {  	s3 =	ssub.s32 $0x0, s20;
	[sflag:s22] =	ssyncset.done $0x0  }
0xa0: {  	[sflag:s22] =	ssyncadd.s32 s3;
	_ =	sdelay $0x1  }
0xa1: {  	s23 =	simm.s32 $0x1B8B  }
0xa2: {  	_ =	swait.ge [sflag:s23], $0x1  }
0xa3: {  	[sflag:s23] =	ssyncset.done $0x0  }
0xa4: {  	s25 =	simm.s32 $0x1B8E;
	s24 =	sld [smem:$0x3FFE];
	[sflag:s23] =	ssyncadd.s32 $0xFFFFFFFF  }
0xa5: {  	s26 =	simm.s32 $execute0_lowered;
	[smem:$0x3FD2] =	sst s25  }
0xa6: {  	s4 =	sshll.u32 s26, $0x1;
	_ =	strace $0x80000049;
	[dreg:$0x1] =	wrdreg $0xFFFFFFFF  }
0xa7: {  	s28 =	simm.s32 $_size_execute0_lowered;
	s2 =	sadd.s32 s2, s4;
	[dreg:$0x0] =	wrdreg $0x0  }
0xa8: {  	s4 =	sshll.u32 s28, $0x1;
	[dreg:$0x2] =	wrdreg s2  }
0xa9: {  	[dreg:$0x3] =	wrdreg s4  }
0xaa: {  	[dreg:$0x4] =	wrdreg $0xC0  }
0xab: {  	_ =	task [dreg:s6], $0x5FFFF  }
0xac: {  	[dreg:$0x1] =	wrdreg $0xFFFFFFFF  }
0xad: {  	[dreg:$0x0] =	wrdreg $0x60  }
0xae: {  	[dreg:$0x2] =	wrdreg s24  }
0xaf: {  	[dreg:$0x3] =	wrdreg $0x9  }
0xb0: {  	_ =	task.clear_ibuf [dreg:s6], $0x4FFFF;
	_ =	strace $0x90000049  }
0xb1: {  	s29 =	simm.s32 $0x9;
	_ =	strace $0x8000004B  }
0xb2: {  	_ =	swait.ge [sflag:s29], $0x1  }
0xb3: {  	[sflag:s29] =	ssyncadd.s32 $0xFFFFFFFF  }
0xb4: {  	_ =	strace $0x9000004B  }
0xb5: {  	_ =	sfence  }
0xb6: {  	s30 =	sld [smem:$0x0];
	_ =	sdelay $0x2  }
0xb7: {  	s31 =	sshll.u32 s1, $0xD;
	s1 =	sshrl.u32 s1, $0x2  }
0xb8: {  	s3 =	sand.u32 $0x4000, s31;
	s1 =	sadd.s32 s1, s30  }
0xb9: {  	s0 =	sor.u32 s3, s0;
	s1 =	sshll.u32 s1, $0x11  }
0xba: {  	s0 =	sor.u32 s1, s0  }
0xbb: {  	s0 =	sadd.s32 $0x8F2B, s0  }
0xbc: {  	[sflag:s0] =	ssyncadd.remote.s32 $0x1  }
0xbd: {  	_ =	sfence.sel $0xFFFF  }
0xbe: {  	[dreg:$0x0] =	wrdreg $0xFFFFFFFF;
	(pc) =	sbr.abs _section_cstart, $3  }
0xbf: {  	[dreg:$0x1] =	wrdreg $0xFFFFFFFF  }
0xc0: {  	_ =	task.clear_ibuf [dreg:s6], $0x2FFFF;
	_ =	strace $0x9FFFFFFF  }
0xc1: {  	(tm) =	ssettm $0x7FFFFFFF  }
tec
execute0_lowered:
.L_overlay_start_1:
0x0: {  	(tag) =	ssettag $0x1  }
0x1: {  	s1 =	srdreg.scid  }
0x2: {  	s0 =	stileid.u32;
	s26 =	sand.u32 $0x1, s1  }
0x3: {  	s14 =	rddreg [dreg:$0x0];
	s3 =	sshll.u32 s0, $0xA;
	s4 =	sshll.u32 s26, $0x9  }
0x4: {  	s2 =	simm.s32 $0x0;
	s1 =	rddreg [dreg:$0x1];
	s25 =	sor.u32 s4, s3  }
0x5: {  	[smem:$0x7FF] =	sst s2;
	s23 =	sadd.s32 $0x8B5A00, s14;
	s5 =	sshrl.u32 s25, $0x3  }
0x6: {  	_ =	strace $0x8000004A;
	s3 =	simm.s32 $0x3;
	s4 =	sadd.s32 s23, s5  }
0x7: {  	[tilespmem:s2], [sflag:$0x3] =	stream.linear.gather [hbm4b:s4+s2], $0x80, $0x38;
	[tilespmem:$0x8100] =	vst v63  }
0x8: {  	_ =	swait.ge [sflag:s3], $0x80  }
0x9: {  	s24 =	sadd.s32 $0x8B5200, s14;
	[sflag:s3] =	ssyncset.done $0x0  }
0xa: {  	s6 =	simm.s32 $0x80;
	s5 =	sadd.s32 s24, s5;
	[sflag:s3] =	ssyncadd.s32 $0xFFFFFF80  }
0xb: {  	[tilespmem:s6], [sflag:$0x3] =	stream.linear.gather [hbm4b:s5+s2], $0x80, $0x38;
	[tilespmem:$0x8100] =	vst v63  }
0xc: {  	_ =	swait.ge [sflag:s3], $0x80  }
0xd: {  	[sflag:s3] =	ssyncset.done $0x0  }
0xe: {  	s8 =	simm.s32 $0x100;
	s7 =	sadd.s32 $0x103A00, s14;
	[sflag:s3] =	ssyncadd.s32 $0xFFFFFF80  }
0xf: {  	[tilespmem:s8], [sflag:$0x1] =	stream.indirect.gather [hbm4b:s7+s6], $0x80, s2, s6, $0xb8;
	[tilespmem:$0x8100] =	vst v63  }
0x10: {  	s10 =	simm.s32 $0x4100;
	s11 =	simm.s32 $0x1;
	s9 =	sadd.s32 $0x4DBA00, s14  }
0x11: {  	[tilespmem:s10], [sflag:$0x2] =	stream.indirect.gather [hbm4b:s9+s6], $0x80, s6, s6, $0xb8;
	[tilespmem:$0x8100] =	vst v63  }
0x12: {  	_ =	swait.ge [sflag:s11], $0x4000  }
0x13: {  	s28 =	sadd.s32 $0x8B6200, s14;
	s15 =	sshll.u32 s25, $0x4;
	[sflag:s11] =	ssyncset.done $0x0  }
0x14: {  	s12 =	sadd.s32 s28, s15;
	[sflag:s11] =	ssyncadd.s32 $0xFFFFC000  }
0x15: {  	[hbm4b:s12+s2] =	stream.linear.scatter [tilespmem:s8], [sflag:$0x3], $0x4000, $0x38;
	[tilespmem:$0x8100] =	vst v63  }
0x16: {  	_ =	swait.ge [sflag:s3], $0x4000  }
0x17: {  	[sflag:s3] =	ssyncset.done $0x0  }
0x18: {  	s13 =	simm.s32 $0x2;
	[sflag:s3] =	ssyncadd.s32 $0xFFFFC000  }
0x19: {  	_ =	swait.ge [sflag:s13], $0x4000  }
0x1a: {  	s29 =	sadd.s32 $0x8F6200, s14;
	[sflag:s13] =	ssyncset.done $0x0  }
0x1b: {  	s14 =	sadd.s32 s29, s15;
	[sflag:s13] =	ssyncadd.s32 $0xFFFFC000  }
0x1c: {  	[hbm4b:s14+s2] =	stream.linear.scatter [tilespmem:s10], [sflag:$0x3], $0x4000, $0x38;
	[tilespmem:$0x8100] =	vst v63  }
0x1d: {  	s17 =	sor.u32 $0x80, s25;
	_ =	swait.ge [sflag:s3], $0x4000  }
0x1e: {  	s16 =	sshrl.u32 s17, $0x3;
	[sflag:s3] =	ssyncset.done $0x0  }
0x1f: {  	s15 =	sadd.s32 s23, s16;
	[sflag:s3] =	ssyncadd.s32 $0xFFFFC000  }
0x20: {  	[tilespmem:s2], [sflag:$0x3] =	stream.linear.gather [hbm4b:s15+s2], $0x80, $0x38;
	[tilespmem:$0x8100] =	vst v63  }
0x21: {  	_ =	swait.ge [sflag:s3], $0x80  }
0x22: {  	[sflag:s3] =	ssyncset.done $0x0  }
0x23: {  	s16 =	sadd.s32 s24, s16;
	[sflag:s3] =	ssyncadd.s32 $0xFFFFFF80  }
0x24: {  	[tilespmem:s6], [sflag:$0x3] =	stream.linear.gather [hbm4b:s16+s2], $0x80, $0x38;
	[tilespmem:$0x8100] =	vst v63  }
0x25: {  	_ =	swait.ge [sflag:s3], $0x80  }
0x26: {  	[sflag:s3] =	ssyncset.done $0x0  }
0x27: {  	[sflag:s3] =	ssyncadd.s32 $0xFFFFFF80  }
0x28: {  	[tilespmem:s8], [sflag:$0x1] =	stream.indirect.gather [hbm4b:s7+s6], $0x80, s2, s6, $0xb8;
	[tilespmem:$0x8100] =	vst v63  }
0x29: {  	_ = 	snop  }
0x2a: {  	[tilespmem:s10], [sflag:$0x2] =	stream.indirect.gather [hbm4b:s9+s6], $0x80, s6, s6, $0xb8;
	[tilespmem:$0x8100] =	vst v63  }
0x2b: {  	_ =	swait.ge [sflag:s11], $0x4000  }
0x2c: {  	s18 =	sshll.u32 s17, $0x4;
	[sflag:s11] =	ssyncset.done $0x0  }
0x2d: {  	s17 =	sadd.s32 s28, s18;
	[sflag:s11] =	ssyncadd.s32 $0xFFFFC000  }
0x2e: {  	[hbm4b:s17+s2] =	stream.linear.scatter [tilespmem:s8], [sflag:$0x3], $0x4000, $0x38;
	[tilespmem:$0x8100] =	vst v63  }
0x2f: {  	_ =	swait.ge [sflag:s3], $0x4000  }
0x30: {  	[sflag:s3] =	ssyncset.done $0x0  }
0x31: {  	[sflag:s3] =	ssyncadd.s32 $0xFFFFC000  }
0x32: {  	_ =	swait.ge [sflag:s13], $0x4000  }
0x33: {  	[sflag:s13] =	ssyncset.done $0x0  }
0x34: {  	s18 =	sadd.s32 s29, s18;
	[sflag:s13] =	ssyncadd.s32 $0xFFFFC000  }
0x35: {  	[hbm4b:s18+s2] =	stream.linear.scatter [tilespmem:s10], [sflag:$0x3], $0x4000, $0x38;
	[tilespmem:$0x8100] =	vst v63  }
0x36: {  	s21 =	sor.u32 $0x100, s25;
	_ =	swait.ge [sflag:s3], $0x4000  }
0x37: {  	s20 =	sshrl.u32 s21, $0x3;
	[sflag:s3] =	ssyncset.done $0x0  }
0x38: {  	s19 =	sadd.s32 s23, s20;
	[sflag:s3] =	ssyncadd.s32 $0xFFFFC000  }
0x39: {  	[tilespmem:s2], [sflag:$0x3] =	stream.linear.gather [hbm4b:s19+s2], $0x80, $0x38;
	[tilespmem:$0x8100] =	vst v63  }
0x3a: {  	_ =	swait.ge [sflag:s3], $0x80  }
0x3b: {  	[sflag:s3] =	ssyncset.done $0x0  }
0x3c: {  	s20 =	sadd.s32 s24, s20;
	[sflag:s3] =	ssyncadd.s32 $0xFFFFFF80  }
0x3d: {  	[tilespmem:s6], [sflag:$0x3] =	stream.linear.gather [hbm4b:s20+s2], $0x80, $0x38;
	[tilespmem:$0x8100] =	vst v63  }
0x3e: {  	_ =	swait.ge [sflag:s3], $0x80  }
0x3f: {  	[sflag:s3] =	ssyncset.done $0x0  }
0x40: {  	[sflag:s3] =	ssyncadd.s32 $0xFFFFFF80  }
0x41: {  	[tilespmem:s8], [sflag:$0x1] =	stream.indirect.gather [hbm4b:s7+s6], $0x80, s2, s6, $0xb8;
	[tilespmem:$0x8100] =	vst v63  }
0x42: {  	_ = 	snop  }
0x43: {  	[tilespmem:s10], [sflag:$0x2] =	stream.indirect.gather [hbm4b:s9+s6], $0x80, s6, s6, $0xb8;
	[tilespmem:$0x8100] =	vst v63  }
0x44: {  	_ =	swait.ge [sflag:s11], $0x4000  }
0x45: {  	s22 =	sshll.u32 s21, $0x4;
	[sflag:s11] =	ssyncset.done $0x0  }
0x46: {  	s21 =	sadd.s32 s28, s22;
	[sflag:s11] =	ssyncadd.s32 $0xFFFFC000  }
0x47: {  	[hbm4b:s21+s2] =	stream.linear.scatter [tilespmem:s8], [sflag:$0x3], $0x4000, $0x38;
	[tilespmem:$0x8100] =	vst v63  }
0x48: {  	_ =	swait.ge [sflag:s3], $0x4000  }
0x49: {  	[sflag:s3] =	ssyncset.done $0x0  }
0x4a: {  	[sflag:s3] =	ssyncadd.s32 $0xFFFFC000  }
0x4b: {  	_ =	swait.ge [sflag:s13], $0x4000  }
0x4c: {  	[sflag:s13] =	ssyncset.done $0x0  }
0x4d: {  	s22 =	sadd.s32 s29, s22;
	[sflag:s13] =	ssyncadd.s32 $0xFFFFC000  }
0x4e: {  	[hbm4b:s22+s2] =	stream.linear.scatter [tilespmem:s10], [sflag:$0x3], $0x4000, $0x38;
	[tilespmem:$0x8100] =	vst v63  }
0x4f: {  	s25 =	sor.u32 $0x180, s25;
	_ =	swait.ge [sflag:s3], $0x4000  }
0x50: {  	s30 =	sshrl.u32 s25, $0x3;
	[sflag:s3] =	ssyncset.done $0x0  }
0x51: {  	s23 =	sadd.s32 s23, s30;
	[sflag:s3] =	ssyncadd.s32 $0xFFFFC000  }
0x52: {  	[tilespmem:s2], [sflag:$0x3] =	stream.linear.gather [hbm4b:s23+s2], $0x80, $0x38;
	[tilespmem:$0x8100] =	vst v63  }
0x53: {  	_ =	swait.ge [sflag:s3], $0x80  }
0x54: {  	[sflag:s3] =	ssyncset.done $0x0  }
0x55: {  	s24 =	sadd.s32 s24, s30;
	[sflag:s3] =	ssyncadd.s32 $0xFFFFFF80  }
0x56: {  	[tilespmem:s6], [sflag:$0x3] =	stream.linear.gather [hbm4b:s24+s2], $0x80, $0x38;
	[tilespmem:$0x8100] =	vst v63  }
0x57: {  	_ =	swait.ge [sflag:s3], $0x80  }
0x58: {  	[sflag:s3] =	ssyncset.done $0x0  }
0x59: {  	[sflag:s3] =	ssyncadd.s32 $0xFFFFFF80  }
0x5a: {  	[tilespmem:s8], [sflag:$0x1] =	stream.indirect.gather [hbm4b:s7+s6], $0x80, s2, s6, $0xb8;
	[tilespmem:$0x8100] =	vst v63  }
0x5b: {  	_ = 	snop  }
0x5c: {  	[tilespmem:s10], [sflag:$0x2] =	stream.indirect.gather [hbm4b:s9+s6], $0x80, s6, s6, $0xb8;
	[tilespmem:$0x8100] =	vst v63  }
0x5d: {  	_ =	swait.ge [sflag:s11], $0x4000  }
0x5e: {  	s31 =	sshll.u32 s25, $0x4;
	[sflag:s11] =	ssyncset.done $0x0  }
0x5f: {  	s26 =	ssub.s32 $0x2, s26;
	s25 =	sadd.s32 s28, s31;
	[sflag:s11] =	ssyncadd.s32 $0xFFFFC000  }
0x60: {  	[hbm4b:s25+s2] =	stream.linear.scatter [tilespmem:s8], [sflag:$0x3], $0x4000, $0x38;
	[tilespmem:$0x8100] =	vst v63  }
0x61: {  	s28 =	sshrl.u32 s26, $0x1;
	_ =	swait.ge [sflag:s3], $0x4000  }
0x62: {  	s28 =	ssub.s32 s26, s28;
	[sflag:s3] =	ssyncset.done $0x0  }
0x63: {  	s28 =	smax.u32 s28, $0x1;
	[sflag:s3] =	ssyncadd.s32 $0xFFFFC000  }
0x64: {  	p0 =	sne.s32 s28, $0x1;
	_ =	swait.ge [sflag:s13], $0x4000  }
.Ltmp0:
0x65: {  	[sflag:s13] =	ssyncset.done $0x0;
	(pc) =	sbr.rel @!p0 .LBB2_2-.Ltmp0, $4  }
0x66: {  	s26 =	sadd.s32 s29, s31;
	[sflag:s13] =	ssyncadd.s32 $0xFFFFC000  }
0x67: {  	[hbm4b:s26+s2] =	stream.linear.scatter [tilespmem:s10], [sflag:$0x3], $0x4000, $0x38;
	[tilespmem:$0x8100] =	vst v63  }
0x68: {  	_ =	swait.ge [sflag:s3], $0x4000  }
0x69: {  	s28 =	sadd.s32 $0xFFFFFFFF, s28;
	[sflag:s3] =	ssyncset.done $0x0  }
.LBB2_1:
0x6a: {  	p0 =	sne.s32 s28, $0x1;
	s28 =	sadd.s32 $0xFFFFFFFF, s28;
	[sflag:s3] =	ssyncadd.s32 $0xFFFFC000  }
0x6b: {  	[tilespmem:s2], [sflag:$0x3] =	stream.linear.gather [hbm4b:s4+s2], $0x80, $0x38;
	[tilespmem:$0x8100] =	vst v63  }
0x6c: {  	_ =	swait.ge [sflag:s3], $0x80  }
0x6d: {  	[sflag:s3] =	ssyncset.done $0x0  }
0x6e: {  	[sflag:s3] =	ssyncadd.s32 $0xFFFFFF80  }
0x6f: {  	[tilespmem:s6], [sflag:$0x3] =	stream.linear.gather [hbm4b:s5+s2], $0x80, $0x38;
	[tilespmem:$0x8100] =	vst v63  }
0x70: {  	_ =	swait.ge [sflag:s3], $0x80  }
0x71: {  	[sflag:s3] =	ssyncset.done $0x0  }
0x72: {  	[sflag:s3] =	ssyncadd.s32 $0xFFFFFF80  }
0x73: {  	[tilespmem:s8], [sflag:$0x1] =	stream.indirect.gather [hbm4b:s7+s6], $0x80, s2, s6, $0xb8;
	[tilespmem:$0x8100] =	vst v63  }
0x74: {  	_ = 	snop  }
0x75: {  	[tilespmem:s10], [sflag:$0x2] =	stream.indirect.gather [hbm4b:s9+s6], $0x80, s6, s6, $0xb8;
	[tilespmem:$0x8100] =	vst v63  }
0x76: {  	_ =	swait.ge [sflag:s11], $0x4000  }
0x77: {  	[sflag:s11] =	ssyncset.done $0x0  }
0x78: {  	[sflag:s11] =	ssyncadd.s32 $0xFFFFC000  }
0x79: {  	[hbm4b:s12+s2] =	stream.linear.scatter [tilespmem:s8], [sflag:$0x3], $0x4000, $0x38;
	[tilespmem:$0x8100] =	vst v63  }
0x7a: {  	_ =	swait.ge [sflag:s3], $0x4000  }
0x7b: {  	[sflag:s3] =	ssyncset.done $0x0  }
0x7c: {  	[sflag:s3] =	ssyncadd.s32 $0xFFFFC000  }
0x7d: {  	_ =	swait.ge [sflag:s13], $0x4000  }
0x7e: {  	[sflag:s13] =	ssyncset.done $0x0  }
0x7f: {  	[sflag:s13] =	ssyncadd.s32 $0xFFFFC000  }
0x80: {  	[hbm4b:s14+s2] =	stream.linear.scatter [tilespmem:s10], [sflag:$0x3], $0x4000, $0x38;
	[tilespmem:$0x8100] =	vst v63  }
0x81: {  	_ =	swait.ge [sflag:s3], $0x4000  }
0x82: {  	[sflag:s3] =	ssyncset.done $0x0  }
0x83: {  	[sflag:s3] =	ssyncadd.s32 $0xFFFFC000  }
0x84: {  	[tilespmem:s2], [sflag:$0x3] =	stream.linear.gather [hbm4b:s15+s2], $0x80, $0x38;
	[tilespmem:$0x8100] =	vst v63  }
0x85: {  	_ =	swait.ge [sflag:s3], $0x80  }
0x86: {  	[sflag:s3] =	ssyncset.done $0x0  }
0x87: {  	[sflag:s3] =	ssyncadd.s32 $0xFFFFFF80  }
0x88: {  	[tilespmem:s6], [sflag:$0x3] =	stream.linear.gather [hbm4b:s16+s2], $0x80, $0x38;
	[tilespmem:$0x8100] =	vst v63  }
0x89: {  	_ =	swait.ge [sflag:s3], $0x80  }
0x8a: {  	[sflag:s3] =	ssyncset.done $0x0  }
0x8b: {  	[sflag:s3] =	ssyncadd.s32 $0xFFFFFF80  }
0x8c: {  	[tilespmem:s8], [sflag:$0x1] =	stream.indirect.gather [hbm4b:s7+s6], $0x80, s2, s6, $0xb8;
	[tilespmem:$0x8100] =	vst v63  }
0x8d: {  	_ = 	snop  }
0x8e: {  	[tilespmem:s10], [sflag:$0x2] =	stream.indirect.gather [hbm4b:s9+s6], $0x80, s6, s6, $0xb8;
	[tilespmem:$0x8100] =	vst v63  }
0x8f: {  	_ =	swait.ge [sflag:s11], $0x4000  }
0x90: {  	[sflag:s11] =	ssyncset.done $0x0  }
0x91: {  	[sflag:s11] =	ssyncadd.s32 $0xFFFFC000  }
0x92: {  	[hbm4b:s17+s2] =	stream.linear.scatter [tilespmem:s8], [sflag:$0x3], $0x4000, $0x38;
	[tilespmem:$0x8100] =	vst v63  }
0x93: {  	_ =	swait.ge [sflag:s3], $0x4000  }
0x94: {  	[sflag:s3] =	ssyncset.done $0x0  }
0x95: {  	[sflag:s3] =	ssyncadd.s32 $0xFFFFC000  }
0x96: {  	_ =	swait.ge [sflag:s13], $0x4000  }
0x97: {  	[sflag:s13] =	ssyncset.done $0x0  }
0x98: {  	[sflag:s13] =	ssyncadd.s32 $0xFFFFC000  }
0x99: {  	[hbm4b:s18+s2] =	stream.linear.scatter [tilespmem:s10], [sflag:$0x3], $0x4000, $0x38;
	[tilespmem:$0x8100] =	vst v63  }
0x9a: {  	_ =	swait.ge [sflag:s3], $0x4000  }
0x9b: {  	[sflag:s3] =	ssyncset.done $0x0  }
0x9c: {  	[sflag:s3] =	ssyncadd.s32 $0xFFFFC000  }
0x9d: {  	[tilespmem:s2], [sflag:$0x3] =	stream.linear.gather [hbm4b:s19+s2], $0x80, $0x38;
	[tilespmem:$0x8100] =	vst v63  }
0x9e: {  	_ =	swait.ge [sflag:s3], $0x80  }
0x9f: {  	[sflag:s3] =	ssyncset.done $0x0  }
0xa0: {  	[sflag:s3] =	ssyncadd.s32 $0xFFFFFF80  }
0xa1: {  	[tilespmem:s6], [sflag:$0x3] =	stream.linear.gather [hbm4b:s20+s2], $0x80, $0x38;
	[tilespmem:$0x8100] =	vst v63  }
0xa2: {  	_ =	swait.ge [sflag:s3], $0x80  }
0xa3: {  	[sflag:s3] =	ssyncset.done $0x0  }
0xa4: {  	[sflag:s3] =	ssyncadd.s32 $0xFFFFFF80  }
0xa5: {  	[tilespmem:s8], [sflag:$0x1] =	stream.indirect.gather [hbm4b:s7+s6], $0x80, s2, s6, $0xb8;
	[tilespmem:$0x8100] =	vst v63  }
0xa6: {  	_ = 	snop  }
0xa7: {  	[tilespmem:s10], [sflag:$0x2] =	stream.indirect.gather [hbm4b:s9+s6], $0x80, s6, s6, $0xb8;
	[tilespmem:$0x8100] =	vst v63  }
0xa8: {  	_ =	swait.ge [sflag:s11], $0x4000  }
0xa9: {  	[sflag:s11] =	ssyncset.done $0x0  }
0xaa: {  	[sflag:s11] =	ssyncadd.s32 $0xFFFFC000  }
0xab: {  	[hbm4b:s21+s2] =	stream.linear.scatter [tilespmem:s8], [sflag:$0x3], $0x4000, $0x38;
	[tilespmem:$0x8100] =	vst v63  }
0xac: {  	_ =	swait.ge [sflag:s3], $0x4000  }
0xad: {  	[sflag:s3] =	ssyncset.done $0x0  }
0xae: {  	[sflag:s3] =	ssyncadd.s32 $0xFFFFC000  }
0xaf: {  	_ =	swait.ge [sflag:s13], $0x4000  }
0xb0: {  	[sflag:s13] =	ssyncset.done $0x0  }
0xb1: {  	[sflag:s13] =	ssyncadd.s32 $0xFFFFC000  }
0xb2: {  	[hbm4b:s22+s2] =	stream.linear.scatter [tilespmem:s10], [sflag:$0x3], $0x4000, $0x38;
	[tilespmem:$0x8100] =	vst v63  }
0xb3: {  	_ =	swait.ge [sflag:s3], $0x4000  }
0xb4: {  	[sflag:s3] =	ssyncset.done $0x0  }
0xb5: {  	[sflag:s3] =	ssyncadd.s32 $0xFFFFC000  }
0xb6: {  	[tilespmem:s2], [sflag:$0x3] =	stream.linear.gather [hbm4b:s23+s2], $0x80, $0x38;
	[tilespmem:$0x8100] =	vst v63  }
0xb7: {  	_ =	swait.ge [sflag:s3], $0x80  }
0xb8: {  	[sflag:s3] =	ssyncset.done $0x0  }
0xb9: {  	[sflag:s3] =	ssyncadd.s32 $0xFFFFFF80  }
0xba: {  	[tilespmem:s6], [sflag:$0x3] =	stream.linear.gather [hbm4b:s24+s2], $0x80, $0x38;
	[tilespmem:$0x8100] =	vst v63  }
0xbb: {  	_ =	swait.ge [sflag:s3], $0x80  }
0xbc: {  	[sflag:s3] =	ssyncset.done $0x0  }
0xbd: {  	[sflag:s3] =	ssyncadd.s32 $0xFFFFFF80  }
0xbe: {  	[tilespmem:s8], [sflag:$0x1] =	stream.indirect.gather [hbm4b:s7+s6], $0x80, s2, s6, $0xb8;
	[tilespmem:$0x8100] =	vst v63  }
0xbf: {  	_ = 	snop  }
0xc0: {  	[tilespmem:s10], [sflag:$0x2] =	stream.indirect.gather [hbm4b:s9+s6], $0x80, s6, s6, $0xb8;
	[tilespmem:$0x8100] =	vst v63  }
0xc1: {  	_ =	swait.ge [sflag:s11], $0x4000  }
0xc2: {  	[sflag:s11] =	ssyncset.done $0x0  }
0xc3: {  	[sflag:s11] =	ssyncadd.s32 $0xFFFFC000  }
0xc4: {  	[hbm4b:s25+s2] =	stream.linear.scatter [tilespmem:s8], [sflag:$0x3], $0x4000, $0x38;
	[tilespmem:$0x8100] =	vst v63  }
0xc5: {  	_ =	swait.ge [sflag:s3], $0x4000  }
0xc6: {  	[sflag:s3] =	ssyncset.done $0x0  }
0xc7: {  	[sflag:s3] =	ssyncadd.s32 $0xFFFFC000  }
0xc8: {  	_ =	swait.ge [sflag:s13], $0x4000  }
.Ltmp1:
0xc9: {  	[sflag:s13] =	ssyncset.done $0x0;
	(pc) =	sbr.rel @p0 .LBB2_1-.Ltmp1, $4  }
0xca: {  	[sflag:s13] =	ssyncadd.s32 $0xFFFFC000  }
0xcb: {  	[hbm4b:s26+s2] =	stream.linear.scatter [tilespmem:s10], [sflag:$0x3], $0x4000, $0x38;
	[tilespmem:$0x8100] =	vst v63  }
0xcc: {  	_ =	swait.ge [sflag:s3], $0x4000  }
0xcd: {  	[sflag:s3] =	ssyncset.done $0x0  }
.LBB2_2:
0xce: {  	[sflag:s3] =	ssyncadd.s32 $0xFFFFC000  }
0xcf: {  	_ =	sfence.sel $0x180000  }
0xd0: {  	[bflag:$0x0] =	sbarrier.arrive $0xFFFF  }
0xd1: {  	p0 =	sne.s32 s0, $0x0;
	_ =	strace $0x9000004A  }
0xd2: {  	s0 =	sadd.s32 @!p0 $0x100000, s1;
	[bflag:$0x2] =	sbarrier.arrive $0xFFFF  }
0xd3: {  	[sflag:s0] =	ssyncadd.tile.s32 @!p0 $0x1;
	_ =	shalt  }
.Lfunc_end2:
_tile_overlayer_lowered:
.L_overlay_start_2:
0xd4: {  	(tag) =	ssettag $0x2  }
0xd5: {  	s0 =	rddreg [dreg:$0x0];
	s2 =	stileid.u32  }
0xd6: {  	s1 =	rddreg [dreg:$0x1];
	p0 =	sne.s32 s2, $0x0  }
0xd7: {  	s3 =	rddreg [dreg:$0x2];
	[bflag:$0x3] =	sbarrier.arrive $0xFFFF;
	s2 =	simm.s32 @!p0 $0x1C03  }
0xd8: {  	[timem:s3], [sflag:s2] =	dma.local @!p0 [hbm:s0], s1  }
0xd9: {  	s0 =	simm.s32 @!p0 $0x3  }
0xda: {  	_ =	swait.ge @!p0 [sflag:s0], s1  }
0xdb: {  	s1 =	ssub.s32 @!p0 $0x0, s1;
	[sflag:s0] =	ssyncset.done @!p0 $0x0  }
0xdc: {  	[sflag:s0] =	ssyncadd.s32 @!p0 s1  }
0xdd: {  	[bflag:$0x3] =	sbarrier.arrive $0xFFFF  }
0xde: {  	_ =	shalt  }

</sc_bundles>
